<compile_context>
chip_gen: v7x
topology: tpu7x:2x2x1
jax: 0.10.2.dev20260603
libtpu: 0.0.44.dev20260713+nightly
codegen_flags: <defaults>
</compile_context>

<pallas_src>
import functools

import jax
import jax.numpy as jnp
from jax import lax
from jax.experimental import pallas as pl
from jax.experimental.pallas import tpu as pltpu
from jax.experimental.pallas import tpu_sc as plsc

N = 10000
E = 320000
D = 128
H = 128
C = 40

NC = 2
NS = 16
NW = NC * NS
CHUNK = 128
NBUF = 1
NCHUNK = 80
EPT = NCHUNK * CHUNK
EPAD = EPT * NW
NGCHUNK = NCHUNK + NBUF
NGROUP = NCHUNK // NBUF
NP = 10240
NPS = 10112
RPT = NPS // NS
BN = 1024



def _mesh():
    return plsc.VectorSubcoreMesh(
        core_axis_name="c", subcore_axis_name="s", num_cores=NC, num_subcores=NS
    )


@functools.cache
def _get_deg_kernel():
    @functools.partial(
        pl.kernel,
        out_type=[
            jax.ShapeDtypeStruct((NC, NP, H), jnp.float32),
            jax.ShapeDtypeStruct((NC, NP, H), jnp.float32),
        ],
        mesh=_mesh(),
        scratch_types=[
            pltpu.VMEM((NGCHUNK, CHUNK), jnp.int32),
            pltpu.VMEM((NCHUNK, CHUNK), jnp.int32),
            pltpu.VMEM((CHUNK, H), jnp.float32),
            pltpu.VMEM_SHARED((NPS, H), jnp.float32),
            pltpu.SemaphoreType.DMA((NBUF,)),
        ],
    )
    def _deg_kernel(src_hbm, dst_hbm, ones_hbm, zf_hbm,
                    dego_hbm, degi_hbm, sidx, didx, ones_v, acc, ssem):
        c = lax.axis_index("c")
        s = lax.axis_index("s")
        wid = s * NC + c
        pltpu.sync_copy(zf_hbm, acc.at[pl.ds(s * RPT, RPT)])
        pltpu.sync_copy(ones_hbm, ones_v)
        pltpu.sync_copy(src_hbm.at[wid], sidx)
        pltpu.sync_copy(dst_hbm.at[wid], didx)
        plsc.subcore_barrier()

        def scatter_phase(idx):
            for b in range(NBUF):
                pltpu.async_copy(ones_v, acc.at[idx.at[b]], ssem.at[b],
                                 add=True)

            def grp(g, carry):
                for b in range(NBUF):
                    j = (g + 1) * NBUF + b
                    pltpu.make_async_copy(
                        ones_v, acc.at[idx.at[j]], ssem.at[b]).wait()
                    pltpu.async_copy(
                        ones_v, acc.at[idx.at[j]], ssem.at[b], add=True)
                return carry

            lax.fori_loop(0, NGROUP - 1, grp, 0)
            for b in range(NBUF):
                pltpu.make_async_copy(
                    ones_v, acc.at[idx.at[b]], ssem.at[b]).wait()

        scatter_phase(sidx)
        plsc.subcore_barrier()
        pltpu.sync_copy(acc.at[pl.ds(s * RPT, RPT)],
                        dego_hbm.at[c, pl.ds(s * RPT, RPT)])
        pltpu.sync_copy(zf_hbm, acc.at[pl.ds(s * RPT, RPT)])
        plsc.subcore_barrier()
        scatter_phase(didx)
        plsc.subcore_barrier()
        pltpu.sync_copy(acc.at[pl.ds(s * RPT, RPT)],
                        degi_hbm.at[c, pl.ds(s * RPT, RPT)])

    return _deg_kernel


@functools.cache
def _get_agg_kernel():
    @functools.partial(
        pl.kernel,
        out_type=jax.ShapeDtypeStruct((NC, NP, H), jnp.float32),
        mesh=_mesh(),
        scratch_types=[
            pltpu.VMEM((NGCHUNK, CHUNK), jnp.int32),
            pltpu.VMEM((NCHUNK, CHUNK), jnp.int32),
            pltpu.VMEM((NBUF, CHUNK, H), jnp.float32),
            pltpu.VMEM_SHARED((NPS, H), jnp.float32),
            pltpu.SemaphoreType.DMA((NBUF,)),
            pltpu.SemaphoreType.DMA((NBUF,)),
        ],
    )
    def _agg_kernel(hw_hbm, src_hbm, dst_hbm, zf_hbm,
                    out_hbm, sidx, didx, rows, acc, gsem, ssem):
        c = lax.axis_index("c")
        s = lax.axis_index("s")
        wid = s * NC + c
        pltpu.sync_copy(zf_hbm, acc.at[pl.ds(s * RPT, RPT)])
        pltpu.sync_copy(src_hbm.at[wid], sidx)
        pltpu.sync_copy(dst_hbm.at[wid], didx)
        plsc.subcore_barrier()

        for b in range(NBUF):
            pltpu.async_copy(hw_hbm.at[sidx.at[b]], rows.at[b], gsem.at[b])

        def grp(g, carry):
            for b in range(NBUF):
                j = g * NBUF + b
                pltpu.make_async_copy(
                    hw_hbm.at[sidx.at[j]], rows.at[b], gsem.at[b]).wait()
                pltpu.async_copy(
                    rows.at[b], acc.at[didx.at[j]], ssem.at[b], add=True)
                pltpu.make_async_copy(
                    rows.at[b], acc.at[didx.at[j]], ssem.at[b]).wait()
                pltpu.async_copy(
                    hw_hbm.at[sidx.at[j + NBUF]], rows.at[b], gsem.at[b])
            return carry

        lax.fori_loop(0, NGROUP, grp, 0)
        for b in range(NBUF):
            pltpu.make_async_copy(
                hw_hbm.at[sidx.at[NCHUNK + b]], rows.at[b], gsem.at[b]).wait()
        plsc.subcore_barrier()
        pltpu.sync_copy(acc.at[pl.ds(s * RPT, RPT)],
                        out_hbm.at[c, pl.ds(s * RPT, RPT)])

    return _agg_kernel



def _norm_col(degp):
    return lax.rsqrt(jnp.maximum((degp[0] + degp[1])[:, :1], 1.0))


def _tc_pre_body(x_ref, w_ref, dego_ref, hw_ref):
    ns = _norm_col(dego_ref[...])
    hw_ref[...] = (
        jnp.dot(x_ref[...], w_ref[...], preferred_element_type=jnp.float32) * ns
    )


def _tc_mid_body(accp_ref, degi_ref, b_ref, w_ref, dego_ref, h_ref, hw_ref):
    acc = accp_ref[0] + accp_ref[1]
    nd = _norm_col(degi_ref[...])
    h = jnp.maximum(acc * nd + b_ref[...], 0.0)
    h_ref[...] = h
    ns = _norm_col(dego_ref[...])
    hw_ref[...] = (
        jnp.dot(h, w_ref[...], preferred_element_type=jnp.float32) * ns
    )


def _tc_fin_body(accp_ref, degi_ref, b_ref, h0_ref, h1_ref, h2_ref,
                 wl_ref, bl_ref, out_ref):
    acc = accp_ref[0] + accp_ref[1]
    nd = _norm_col(degi_ref[...])
    h3 = jnp.maximum(acc * nd + b_ref[...], 0.0)
    wl = wl_ref[...]
    out = jnp.dot(h0_ref[...], wl[0:H], preferred_element_type=jnp.float32)
    out += jnp.dot(h1_ref[...], wl[H:2 * H], preferred_element_type=jnp.float32)
    out += jnp.dot(h2_ref[...], wl[2 * H:3 * H], preferred_element_type=jnp.float32)
    out += jnp.dot(h3, wl[3 * H:4 * H], preferred_element_type=jnp.float32)
    out_ref[...] = out + bl_ref[...]


_GRID = NP // BN

_feat_spec = pl.BlockSpec((BN, H), lambda i: (i, 0))
_pair_spec = pl.BlockSpec((2, BN, H), lambda i: (0, i, 0))
_deg_spec = pl.BlockSpec((2, BN, H), lambda i: (0, i, 0))
_w_spec = pl.BlockSpec((H, H), lambda i: (0, 0))
_b_spec = pl.BlockSpec((1, H), lambda i: (0, 0))

_tc_pre = pl.pallas_call(
    _tc_pre_body,
    grid=(_GRID,),
    in_specs=[_feat_spec, _w_spec, _deg_spec],
    out_specs=_feat_spec,
    out_shape=jax.ShapeDtypeStruct((NP, H), jnp.float32),
)

_tc_mid = pl.pallas_call(
    _tc_mid_body,
    grid=(_GRID,),
    in_specs=[_pair_spec, _deg_spec, _b_spec, _w_spec, _deg_spec],
    out_specs=[_feat_spec, _feat_spec],
    out_shape=[
        jax.ShapeDtypeStruct((NP, H), jnp.float32),
        jax.ShapeDtypeStruct((NP, H), jnp.float32),
    ],
)

_tc_fin = pl.pallas_call(
    _tc_fin_body,
    grid=(_GRID,),
    in_specs=[_pair_spec, _deg_spec, _b_spec, _feat_spec, _feat_spec,
              _feat_spec, pl.BlockSpec((4 * H, H), lambda i: (0, 0)), _b_spec],
    out_specs=_feat_spec,
    out_shape=jax.ShapeDtypeStruct((NP, H), jnp.float32),
)



def kernel(x, edge_index, W0, b0, W1, b1, W2, b2, W3, b3, Wl, bl):
    f32 = jnp.float32
    xp = jnp.zeros((NP, D), f32).at[:N].set(x)
    pad = N + jnp.arange(EPAD - E, dtype=jnp.int32) % (NPS - N)
    look = (N + jnp.arange(NW * NBUF * CHUNK, dtype=jnp.int32) % (NPS - N)
            ).reshape(NW, NBUF, CHUNK)
    srcp = jnp.concatenate([
        jnp.concatenate([edge_index[0], pad]).reshape(NW, NCHUNK, CHUNK),
        look], axis=1)
    dstp = jnp.concatenate([edge_index[1], pad]).reshape(NW, NCHUNK, CHUNK)
    zf = jnp.zeros((RPT, H), f32)
    ones128 = jnp.ones((CHUNK, H), f32)
    wlp = jnp.zeros((4 * H, H), f32).at[:, :C].set(Wl)
    blp = jnp.zeros((1, H), f32).at[0, :C].set(bl)

    _deg_kernel = _get_deg_kernel()
    _agg_kernel = _get_agg_kernel()
    dego, degi = _deg_kernel(srcp, dstp, ones128, zf)

    hs = []
    hw = _tc_pre(xp, W0, dego)
    for (bprev, W) in ((b0, W1), (b1, W2), (b2, W3)):
        accp = _agg_kernel(hw, srcp, dstp, zf)
        h, hw = _tc_mid(accp, degi, bprev.reshape(1, H), W, dego)
        hs.append(h)
    accp = _agg_kernel(hw, srcp, dstp, zf)
    outp = _tc_fin(accp, degi, b3.reshape(1, H), hs[0], hs[1], hs[2], wlp, blp)
    return outp[:N, :C]

# --- scband reference (transcript-rebuilt; emitter-appended) ---
"""Pipeline reference for scband-jknet-concat-87600152969920 (READ-ONLY COPY).

The authoritative reference and input builder live on the scoring server;
editing this copy changes nothing except your own understanding.
"""

import jax, jax.numpy as jnp
import numpy as np

N = 10000
E = 320000
D = 128
H = 128
C = 40

def setup_inputs(seed: int = 0) -> dict:
    key = jax.random.key(seed)
    ks = jax.random.split(key, 12)
    x = jax.random.normal(ks[0], (N, D), dtype=jnp.float32)
    edge_index = jax.random.randint(ks[1], (2, E), 0, N, dtype=jnp.int32)
    def lin(k, fin, fout):
        s = 1.0 / np.sqrt(fin)
        kw, kb = jax.random.split(k)
        W = jax.random.uniform(kw, (fin, fout), jnp.float32, -s, s)
        b = jax.random.uniform(kb, (fout,), jnp.float32, -s, s)
        return W, b
    W0, b0 = lin(ks[2], D, H)
    W1, b1 = lin(ks[3], H, H)
    W2, b2 = lin(ks[4], H, H)
    W3, b3 = lin(ks[5], H, H)
    Wl, bl = lin(ks[6], 4 * H, C)
    return {"x": x, "edge_index": edge_index, "W0": W0, "b0": b0, "W1": W1, "b1": b1, "W2": W2, "b2": b2, "W3": W3, "b3": b3, "Wl": Wl, "bl": bl}


def reference(x, edge_index, W0, b0, W1, b1, W2, b2, W3, b3, Wl, bl):
    # JKNetConcat forward: 4 GraphConv layers (DGL norm='both': D^-1/2 A D^-1/2 X W + b),
    # ReLU + dropout(p=0 -> identity) after each, concat all layer outputs, final Linear.
    src = edge_index[0]
    dst = edge_index[1]
    n = x.shape[0]
    ones = jnp.ones((src.shape[0],), x.dtype)
    deg_out = jnp.zeros((n,), x.dtype).at[src].add(ones)
    deg_in = jnp.zeros((n,), x.dtype).at[dst].add(ones)
    norm_src = jax.lax.rsqrt(jnp.clip(deg_out, 1.0, None))
    norm_dst = jax.lax.rsqrt(jnp.clip(deg_in, 1.0, None))
    h = x
    outs = []
    for (W, b) in ((W0, b0), (W1, b1), (W2, b2), (W3, b3)):
        hw = h @ W
        msg = hw[src] * norm_src[src][:, None]
        agg = jnp.zeros_like(hw).at[dst].add(msg)
        agg = agg * norm_dst[:, None] + b
        h = jax.nn.relu(agg)
        outs.append(h)
    cat = jnp.concatenate(outs, axis=1)
    return cat @ Wl + bl

if __name__ == "__main__":
    import jax
    _d = setup_inputs()
    print(jax.jit(kernel)(*tuple(_d.values())))

</pallas_src>

<mosaic_0001>
#map = affine_map<(d0, d1) -> (0, 0, 0)>
#map1 = affine_map<(d0, d1) -> (0, 0)>
module attributes {stable_mosaic.version = 14 : i64} {
  func.func @_deg_kernel(%arg0: i32, %arg1: i32, %arg2: memref<32x81x128xi32, #tpu.memory_space<hbm>>, %arg3: memref<32x80x128xi32, #tpu.memory_space<hbm>>, %arg4: memref<128x128xf32, #tpu.memory_space<hbm>>, %arg5: memref<632x128xf32, #tpu.memory_space<hbm>>, %arg6: memref<2x10240x128xf32, #tpu.memory_space<hbm>>, %arg7: memref<2x10240x128xf32, #tpu.memory_space<hbm>>, %arg8: memref<81x128xi32, #tpu.memory_space<vmem>>, %arg9: memref<80x128xi32, #tpu.memory_space<vmem>>, %arg10: memref<128x128xf32, #tpu.memory_space<vmem>>, %arg11: memref<10112x128xf32, #tpu.memory_space<vmem_shared>>, %arg12: memref<1x!tpu.dma_semaphore, #tpu.memory_space<semaphore_mem>>) attributes {dimension_semantics = [#tpu.dimension_semantics<core_parallel>, #tpu.dimension_semantics<subcore_parallel>], iteration_bounds = array<i64: 2, 16>, scalar_prefetch = 0 : i64, scratch_operands = 5 : i64, tpu.core_type = #tpu.core_type<sc_vector_subcore>, window_params = [{transform_indices = #map}, {transform_indices = #map}, {transform_indices = #map1}, {transform_indices = #map1}, {transform_indices = #map}, {transform_indices = #map}]} {
    %mul3A = arith.constant 2 : i32
    %mul3A_0 = arith.muli %arg1, %mul3A : i32
    %add3A = arith.addi %mul3A_0, %arg0 : i32
    %mul3A_1 = arith.constant 632 : i32
    %mul3A_2 = arith.muli %arg1, %mul3A_1 : i32
    "tpu.region"() ({
      %run_scoped3A = tpu.sem_alloc : memref<!tpu.dma_semaphore, #tpu.memory_space<semaphore_mem>>
      %dma_start3A_65 = arith.constant 0 : i32
      %dma_start3A_66 = tpu.memref_slice %arg11[%mul3A_2, %dma_start3A_65] : memref<10112x128xf32, #tpu.memory_space<vmem_shared>> -> memref<632x128xf32, #tpu.memory_space<vmem_shared>>
      tpu.enqueue_dma source(%arg5 : memref<632x128xf32, #tpu.memory_space<hbm>>) target(%dma_start3A_66 : memref<632x128xf32, #tpu.memory_space<vmem_shared>>) target_semaphore(%run_scoped3A : memref<!tpu.dma_semaphore, #tpu.memory_space<semaphore_mem>>)
      %dma_wait3A_67 = arith.constant 0 : i32
      %dma_wait3A_68 = tpu.memref_slice %arg11[%mul3A_2, %dma_wait3A_67] : memref<10112x128xf32, #tpu.memory_space<vmem_shared>> -> memref<632x128xf32, #tpu.memory_space<vmem_shared>>
      tpu.wait_dma2 semaphore(%run_scoped3A : memref<!tpu.dma_semaphore, #tpu.memory_space<semaphore_mem>>) src(%arg5 : memref<632x128xf32, #tpu.memory_space<hbm>>) dst(%dma_wait3A_68 : memref<632x128xf32, #tpu.memory_space<vmem_shared>>)
      tpu.yield
    }) : () -> ()
    "tpu.region"() ({
      %run_scoped3A = tpu.sem_alloc : memref<!tpu.dma_semaphore, #tpu.memory_space<semaphore_mem>>
      tpu.enqueue_dma source(%arg4 : memref<128x128xf32, #tpu.memory_space<hbm>>) target(%arg10 : memref<128x128xf32, #tpu.memory_space<vmem>>) target_semaphore(%run_scoped3A : memref<!tpu.dma_semaphore, #tpu.memory_space<semaphore_mem>>)
      tpu.wait_dma2 semaphore(%run_scoped3A : memref<!tpu.dma_semaphore, #tpu.memory_space<semaphore_mem>>) src(%arg4 : memref<128x128xf32, #tpu.memory_space<hbm>>) dst(%arg10 : memref<128x128xf32, #tpu.memory_space<vmem>>)
      tpu.yield
    }) : () -> ()
    "tpu.region"() ({
      %run_scoped3A = tpu.sem_alloc : memref<!tpu.dma_semaphore, #tpu.memory_space<semaphore_mem>>
      %dma_start3A_65 = arith.constant 0 : i32
      %dma_start3A_66 = arith.constant 0 : i32
      %dma_start3A_67 = tpu.memref_slice %arg2[%add3A, %dma_start3A_65, %dma_start3A_66] : memref<32x81x128xi32, #tpu.memory_space<hbm>> -> memref<1x81x128xi32, #tpu.memory_space<hbm>>
      %dma_start3A_68 = tpu.memref_squeeze %dma_start3A_67 : memref<1x81x128xi32, #tpu.memory_space<hbm>> -> memref<81x128xi32, #tpu.memory_space<hbm>>
      %dma_start3A_69 = arith.constant 0 : i32
      %dma_start3A_70 = arith.constant 0 : i32
      %dma_start3A_71 = tpu.memref_slice %arg2[%add3A, %dma_start3A_69, %dma_start3A_70] : memref<32x81x128xi32, #tpu.memory_space<hbm>> -> memref<1x81x128xi32, #tpu.memory_space<hbm>>
      %dma_start3A_72 = tpu.memref_squeeze %dma_start3A_71 : memref<1x81x128xi32, #tpu.memory_space<hbm>> -> memref<81x128xi32, #tpu.memory_space<hbm>>
      tpu.enqueue_dma source(%dma_start3A_72 : memref<81x128xi32, #tpu.memory_space<hbm>>) target(%arg8 : memref<81x128xi32, #tpu.memory_space<vmem>>) target_semaphore(%run_scoped3A : memref<!tpu.dma_semaphore, #tpu.memory_space<semaphore_mem>>)
      %dma_wait3A_73 = arith.constant 0 : i32
      %dma_wait3A_74 = arith.constant 0 : i32
      %dma_wait3A_75 = tpu.memref_slice %arg2[%add3A, %dma_wait3A_73, %dma_wait3A_74] : memref<32x81x128xi32, #tpu.memory_space<hbm>> -> memref<1x81x128xi32, #tpu.memory_space<hbm>>
      %dma_wait3A_76 = tpu.memref_squeeze %dma_wait3A_75 : memref<1x81x128xi32, #tpu.memory_space<hbm>> -> memref<81x128xi32, #tpu.memory_space<hbm>>
      %dma_wait3A_77 = arith.constant 0 : i32
      %dma_wait3A_78 = arith.constant 0 : i32
      %dma_wait3A_79 = tpu.memref_slice %arg2[%add3A, %dma_wait3A_77, %dma_wait3A_78] : memref<32x81x128xi32, #tpu.memory_space<hbm>> -> memref<1x81x128xi32, #tpu.memory_space<hbm>>
      %dma_wait3A_80 = tpu.memref_squeeze %dma_wait3A_79 : memref<1x81x128xi32, #tpu.memory_space<hbm>> -> memref<81x128xi32, #tpu.memory_space<hbm>>
      tpu.wait_dma2 semaphore(%run_scoped3A : memref<!tpu.dma_semaphore, #tpu.memory_space<semaphore_mem>>) src(%dma_wait3A_80 : memref<81x128xi32, #tpu.memory_space<hbm>>) dst(%arg8 : memref<81x128xi32, #tpu.memory_space<vmem>>)
      tpu.yield
    }) : () -> ()
    "tpu.region"() ({
      %run_scoped3A = tpu.sem_alloc : memref<!tpu.dma_semaphore, #tpu.memory_space<semaphore_mem>>
      %dma_start3A_65 = arith.constant 0 : i32
      %dma_start3A_66 = arith.constant 0 : i32
      %dma_start3A_67 = tpu.memref_slice %arg3[%add3A, %dma_start3A_65, %dma_start3A_66] : memref<32x80x128xi32, #tpu.memory_space<hbm>> -> memref<1x80x128xi32, #tpu.memory_space<hbm>>
      %dma_start3A_68 = tpu.memref_squeeze %dma_start3A_67 : memref<1x80x128xi32, #tpu.memory_space<hbm>> -> memref<80x128xi32, #tpu.memory_space<hbm>>
      %dma_start3A_69 = arith.constant 0 : i32
      %dma_start3A_70 = arith.constant 0 : i32
      %dma_start3A_71 = tpu.memref_slice %arg3[%add3A, %dma_start3A_69, %dma_start3A_70] : memref<32x80x128xi32, #tpu.memory_space<hbm>> -> memref<1x80x128xi32, #tpu.memory_space<hbm>>
      %dma_start3A_72 = tpu.memref_squeeze %dma_start3A_71 : memref<1x80x128xi32, #tpu.memory_space<hbm>> -> memref<80x128xi32, #tpu.memory_space<hbm>>
      tpu.enqueue_dma source(%dma_start3A_72 : memref<80x128xi32, #tpu.memory_space<hbm>>) target(%arg9 : memref<80x128xi32, #tpu.memory_space<vmem>>) target_semaphore(%run_scoped3A : memref<!tpu.dma_semaphore, #tpu.memory_space<semaphore_mem>>)
      %dma_wait3A_73 = arith.constant 0 : i32
      %dma_wait3A_74 = arith.constant 0 : i32
      %dma_wait3A_75 = tpu.memref_slice %arg3[%add3A, %dma_wait3A_73, %dma_wait3A_74] : memref<32x80x128xi32, #tpu.memory_space<hbm>> -> memref<1x80x128xi32, #tpu.memory_space<hbm>>
      %dma_wait3A_76 = tpu.memref_squeeze %dma_wait3A_75 : memref<1x80x128xi32, #tpu.memory_space<hbm>> -> memref<80x128xi32, #tpu.memory_space<hbm>>
      %dma_wait3A_77 = arith.constant 0 : i32
      %dma_wait3A_78 = arith.constant 0 : i32
      %dma_wait3A_79 = tpu.memref_slice %arg3[%add3A, %dma_wait3A_77, %dma_wait3A_78] : memref<32x80x128xi32, #tpu.memory_space<hbm>> -> memref<1x80x128xi32, #tpu.memory_space<hbm>>
      %dma_wait3A_80 = tpu.memref_squeeze %dma_wait3A_79 : memref<1x80x128xi32, #tpu.memory_space<hbm>> -> memref<80x128xi32, #tpu.memory_space<hbm>>
      tpu.wait_dma2 semaphore(%run_scoped3A : memref<!tpu.dma_semaphore, #tpu.memory_space<semaphore_mem>>) src(%dma_wait3A_80 : memref<80x128xi32, #tpu.memory_space<hbm>>) dst(%arg9 : memref<80x128xi32, #tpu.memory_space<vmem>>)
      tpu.yield
    }) : () -> ()
    %barrier3A = arith.constant 0 : index
    tpu.barrier barrier_id(%barrier3A)
    %dma_start3A = arith.constant 0 : i32
    %dma_start3A_3 = arith.constant 0 : i32
    %dma_start3A_4 = arith.constant 0 : i32
    %dma_start3A_5 = tpu.memref_slice %arg8[%dma_start3A, %dma_start3A_4] : memref<81x128xi32, #tpu.memory_space<vmem>> -> memref<1x128xi32, #tpu.memory_space<vmem>>
    %dma_start3A_6 = tpu.memref_squeeze %dma_start3A_5 : memref<1x128xi32, #tpu.memory_space<vmem>> -> memref<128xi32, #tpu.memory_space<vmem>>
    %dma_start3A_7 = arith.constant 0 : i32
    %dma_start3A_8 = arith.constant 0 : i32
    %dma_start3A_9 = tpu.memref_slice %arg11[%dma_start3A_7, %dma_start3A_8] : memref<10112x128xf32, #tpu.memory_space<vmem_shared>> -> memref<10112x128xf32, #tpu.memory_space<vmem_shared>>
    %dma_start3A_10 = tpu.memref_slice %arg12[%dma_start3A_3] : memref<1x!tpu.dma_semaphore, #tpu.memory_space<semaphore_mem>> -> memref<1x!tpu.dma_semaphore, #tpu.memory_space<semaphore_mem>>
    %dma_start3A_11 = tpu.memref_squeeze %dma_start3A_10 : memref<1x!tpu.dma_semaphore, #tpu.memory_space<semaphore_mem>> -> memref<!tpu.dma_semaphore, #tpu.memory_space<semaphore_mem>>
    tpu.enqueue_indirect_dma source(%arg10 : memref<128x128xf32, #tpu.memory_space<vmem>>) target(%dma_start3A_9 : memref<10112x128xf32, #tpu.memory_space<vmem_shared>>) offsets(%dma_start3A_6 : memref<128xi32, #tpu.memory_space<vmem>>) semaphore(%dma_start3A_11 : memref<!tpu.dma_semaphore, #tpu.memory_space<semaphore_mem>>) {add = true}
    %scan3A = arith.constant 0 : i32
    %scan3A_12 = arith.constant 0 : i32
    %scan3A_13 = arith.constant 79 : i32
    %scan3A_14 = arith.addi %scan3A_12, %scan3A_13 : i32
    %scan3A_15 = arith.constant 1 : i32
    scf.for %scan3A_65 = %scan3A_12 to %scan3A_14 step %scan3A_15  : i32 {
      %add3A_66 = arith.constant 1 : i32
      %add3A_67 = arith.addi %scan3A_65, %add3A_66 : i32
      %mul3A_68 = arith.constant 1 : i32
      %mul3A_69 = arith.muli %add3A_67, %mul3A_68 : i32
      %add3A_70 = arith.constant 0 : i32
      %add3A_71 = arith.addi %mul3A_69, %add3A_70 : i32
      %dma_wait3A_72 = arith.constant 0 : i32
      %dma_wait3A_73 = arith.constant 0 : i32
      %dma_wait3A_74 = tpu.memref_slice %arg8[%add3A_71, %dma_wait3A_73] : memref<81x128xi32, #tpu.memory_space<vmem>> -> memref<1x128xi32, #tpu.memory_space<vmem>>
      %dma_wait3A_75 = tpu.memref_squeeze %dma_wait3A_74 : memref<1x128xi32, #tpu.memory_space<vmem>> -> memref<128xi32, #tpu.memory_space<vmem>>
      %dma_wait3A_76 = arith.constant 0 : i32
      %dma_wait3A_77 = arith.constant 0 : i32
      %dma_wait3A_78 = tpu.memref_slice %arg11[%dma_wait3A_76, %dma_wait3A_77] : memref<10112x128xf32, #tpu.memory_space<vmem_shared>> -> memref<10112x128xf32, #tpu.memory_space<vmem_shared>>
      %dma_wait3A_79 = tpu.memref_slice %arg12[%dma_wait3A_72] : memref<1x!tpu.dma_semaphore, #tpu.memory_space<semaphore_mem>> -> memref<1x!tpu.dma_semaphore, #tpu.memory_space<semaphore_mem>>
      %dma_wait3A_80 = tpu.memref_squeeze %dma_wait3A_79 : memref<1x!tpu.dma_semaphore, #tpu.memory_space<semaphore_mem>> -> memref<!tpu.dma_semaphore, #tpu.memory_space<semaphore_mem>>
      tpu.wait_indirect_dma semaphore(%dma_wait3A_80 : memref<!tpu.dma_semaphore, #tpu.memory_space<semaphore_mem>>) src(%arg10 : memref<128x128xf32, #tpu.memory_space<vmem>>) dst(%dma_wait3A_78 : memref<10112x128xf32, #tpu.memory_space<vmem_shared>>)
      %dma_start3A_81 = arith.constant 0 : i32
      %dma_start3A_82 = arith.constant 0 : i32
      %dma_start3A_83 = tpu.memref_slice %arg8[%add3A_71, %dma_start3A_82] : memref<81x128xi32, #tpu.memory_space<vmem>> -> memref<1x128xi32, #tpu.memory_space<vmem>>
      %dma_start3A_84 = tpu.memref_squeeze %dma_start3A_83 : memref<1x128xi32, #tpu.memory_space<vmem>> -> memref<128xi32, #tpu.memory_space<vmem>>
      %dma_start3A_85 = arith.constant 0 : i32
      %dma_start3A_86 = arith.constant 0 : i32
      %dma_start3A_87 = tpu.memref_slice %arg11[%dma_start3A_85, %dma_start3A_86] : memref<10112x128xf32, #tpu.memory_space<vmem_shared>> -> memref<10112x128xf32, #tpu.memory_space<vmem_shared>>
      %dma_start3A_88 = tpu.memref_slice %arg12[%dma_start3A_81] : memref<1x!tpu.dma_semaphore, #tpu.memory_space<semaphore_mem>> -> memref<1x!tpu.dma_semaphore, #tpu.memory_space<semaphore_mem>>
      %dma_start3A_89 = tpu.memref_squeeze %dma_start3A_88 : memref<1x!tpu.dma_semaphore, #tpu.memory_space<semaphore_mem>> -> memref<!tpu.dma_semaphore, #tpu.memory_space<semaphore_mem>>
      tpu.enqueue_indirect_dma source(%arg10 : memref<128x128xf32, #tpu.memory_space<vmem>>) target(%dma_start3A_87 : memref<10112x128xf32, #tpu.memory_space<vmem_shared>>) offsets(%dma_start3A_84 : memref<128xi32, #tpu.memory_space<vmem>>) semaphore(%dma_start3A_89 : memref<!tpu.dma_semaphore, #tpu.memory_space<semaphore_mem>>) {add = true}
    }
    %scan3A_16 = arith.constant 79 : i32
    %dma_wait3A = arith.constant 0 : i32
    %dma_wait3A_17 = arith.constant 0 : i32
    %dma_wait3A_18 = arith.constant 0 : i32
    %dma_wait3A_19 = tpu.memref_slice %arg8[%dma_wait3A, %dma_wait3A_18] : memref<81x128xi32, #tpu.memory_space<vmem>> -> memref<1x128xi32, #tpu.memory_space<vmem>>
    %dma_wait3A_20 = tpu.memref_squeeze %dma_wait3A_19 : memref<1x128xi32, #tpu.memory_space<vmem>> -> memref<128xi32, #tpu.memory_space<vmem>>
    %dma_wait3A_21 = arith.constant 0 : i32
    %dma_wait3A_22 = arith.constant 0 : i32
    %dma_wait3A_23 = tpu.memref_slice %arg11[%dma_wait3A_21, %dma_wait3A_22] : memref<10112x128xf32, #tpu.memory_space<vmem_shared>> -> memref<10112x128xf32, #tpu.memory_space<vmem_shared>>
    %dma_wait3A_24 = tpu.memref_slice %arg12[%dma_wait3A_17] : memref<1x!tpu.dma_semaphore, #tpu.memory_space<semaphore_mem>> -> memref<1x!tpu.dma_semaphore, #tpu.memory_space<semaphore_mem>>
    %dma_wait3A_25 = tpu.memref_squeeze %dma_wait3A_24 : memref<1x!tpu.dma_semaphore, #tpu.memory_space<semaphore_mem>> -> memref<!tpu.dma_semaphore, #tpu.memory_space<semaphore_mem>>
    tpu.wait_indirect_dma semaphore(%dma_wait3A_25 : memref<!tpu.dma_semaphore, #tpu.memory_space<semaphore_mem>>) src(%arg10 : memref<128x128xf32, #tpu.memory_space<vmem>>) dst(%dma_wait3A_23 : memref<10112x128xf32, #tpu.memory_space<vmem_shared>>)
    %barrier3A_26 = arith.constant 0 : index
    tpu.barrier barrier_id(%barrier3A_26)
    %mul3A_27 = arith.constant 632 : i32
    %mul3A_28 = arith.muli %arg1, %mul3A_27 : i32
    %mul3A_29 = arith.constant 632 : i32
    %mul3A_30 = arith.muli %arg1, %mul3A_29 : i32
    "tpu.region"() ({
      %run_scoped3A = tpu.sem_alloc : memref<!tpu.dma_semaphore, #tpu.memory_space<semaphore_mem>>
      %dma_start3A_65 = arith.constant 0 : i32
      %dma_start3A_66 = tpu.memref_slice %arg6[%arg0, %mul3A_30, %dma_start3A_65] : memref<2x10240x128xf32, #tpu.memory_space<hbm>> -> memref<1x632x128xf32, #tpu.memory_space<hbm>>
      %dma_start3A_67 = tpu.memref_squeeze %dma_start3A_66 : memref<1x632x128xf32, #tpu.memory_space<hbm>> -> memref<632x128xf32, #tpu.memory_space<hbm>>
      %dma_start3A_68 = arith.constant 0 : i32
      %dma_start3A_69 = tpu.memref_slice %arg11[%mul3A_28, %dma_start3A_68] : memref<10112x128xf32, #tpu.memory_space<vmem_shared>> -> memref<632x128xf32, #tpu.memory_space<vmem_shared>>
      tpu.enqueue_dma source(%dma_start3A_69 : memref<632x128xf32, #tpu.memory_space<vmem_shared>>) target(%dma_start3A_67 : memref<632x128xf32, #tpu.memory_space<hbm>>) target_semaphore(%run_scoped3A : memref<!tpu.dma_semaphore, #tpu.memory_space<semaphore_mem>>)
      %dma_wait3A_70 = arith.constant 0 : i32
      %dma_wait3A_71 = tpu.memref_slice %arg6[%arg0, %mul3A_30, %dma_wait3A_70] : memref<2x10240x128xf32, #tpu.memory_space<hbm>> -> memref<1x632x128xf32, #tpu.memory_space<hbm>>
      %dma_wait3A_72 = tpu.memref_squeeze %dma_wait3A_71 : memref<1x632x128xf32, #tpu.memory_space<hbm>> -> memref<632x128xf32, #tpu.memory_space<hbm>>
      %dma_wait3A_73 = arith.constant 0 : i32
      %dma_wait3A_74 = tpu.memref_slice %arg11[%mul3A_28, %dma_wait3A_73] : memref<10112x128xf32, #tpu.memory_space<vmem_shared>> -> memref<632x128xf32, #tpu.memory_space<vmem_shared>>
      tpu.wait_dma2 semaphore(%run_scoped3A : memref<!tpu.dma_semaphore, #tpu.memory_space<semaphore_mem>>) src(%dma_wait3A_74 : memref<632x128xf32, #tpu.memory_space<vmem_shared>>) dst(%dma_wait3A_72 : memref<632x128xf32, #tpu.memory_space<hbm>>)
      tpu.yield
    }) : () -> ()
    %mul3A_31 = arith.constant 632 : i32
    %mul3A_32 = arith.muli %arg1, %mul3A_31 : i32
    "tpu.region"() ({
      %run_scoped3A = tpu.sem_alloc : memref<!tpu.dma_semaphore, #tpu.memory_space<semaphore_mem>>
      %dma_start3A_65 = arith.constant 0 : i32
      %dma_start3A_66 = tpu.memref_slice %arg11[%mul3A_32, %dma_start3A_65] : memref<10112x128xf32, #tpu.memory_space<vmem_shared>> -> memref<632x128xf32, #tpu.memory_space<vmem_shared>>
      tpu.enqueue_dma source(%arg5 : memref<632x128xf32, #tpu.memory_space<hbm>>) target(%dma_start3A_66 : memref<632x128xf32, #tpu.memory_space<vmem_shared>>) target_semaphore(%run_scoped3A : memref<!tpu.dma_semaphore, #tpu.memory_space<semaphore_mem>>)
      %dma_wait3A_67 = arith.constant 0 : i32
      %dma_wait3A_68 = tpu.memref_slice %arg11[%mul3A_32, %dma_wait3A_67] : memref<10112x128xf32, #tpu.memory_space<vmem_shared>> -> memref<632x128xf32, #tpu.memory_space<vmem_shared>>
      tpu.wait_dma2 semaphore(%run_scoped3A : memref<!tpu.dma_semaphore, #tpu.memory_space<semaphore_mem>>) src(%arg5 : memref<632x128xf32, #tpu.memory_space<hbm>>) dst(%dma_wait3A_68 : memref<632x128xf32, #tpu.memory_space<vmem_shared>>)
      tpu.yield
    }) : () -> ()
    %barrier3A_33 = arith.constant 0 : index
    tpu.barrier barrier_id(%barrier3A_33)
    %dma_start3A_34 = arith.constant 0 : i32
    %dma_start3A_35 = arith.constant 0 : i32
    %dma_start3A_36 = arith.constant 0 : i32
    %dma_start3A_37 = tpu.memref_slice %arg9[%dma_start3A_34, %dma_start3A_36] : memref<80x128xi32, #tpu.memory_space<vmem>> -> memref<1x128xi32, #tpu.memory_space<vmem>>
    %dma_start3A_38 = tpu.memref_squeeze %dma_start3A_37 : memref<1x128xi32, #tpu.memory_space<vmem>> -> memref<128xi32, #tpu.memory_space<vmem>>
    %dma_start3A_39 = arith.constant 0 : i32
    %dma_start3A_40 = arith.constant 0 : i32
    %dma_start3A_41 = tpu.memref_slice %arg11[%dma_start3A_39, %dma_start3A_40] : memref<10112x128xf32, #tpu.memory_space<vmem_shared>> -> memref<10112x128xf32, #tpu.memory_space<vmem_shared>>
    %dma_start3A_42 = tpu.memref_slice %arg12[%dma_start3A_35] : memref<1x!tpu.dma_semaphore, #tpu.memory_space<semaphore_mem>> -> memref<1x!tpu.dma_semaphore, #tpu.memory_space<semaphore_mem>>
    %dma_start3A_43 = tpu.memref_squeeze %dma_start3A_42 : memref<1x!tpu.dma_semaphore, #tpu.memory_space<semaphore_mem>> -> memref<!tpu.dma_semaphore, #tpu.memory_space<semaphore_mem>>
    tpu.enqueue_indirect_dma source(%arg10 : memref<128x128xf32, #tpu.memory_space<vmem>>) target(%dma_start3A_41 : memref<10112x128xf32, #tpu.memory_space<vmem_shared>>) offsets(%dma_start3A_38 : memref<128xi32, #tpu.memory_space<vmem>>) semaphore(%dma_start3A_43 : memref<!tpu.dma_semaphore, #tpu.memory_space<semaphore_mem>>) {add = true}
    %scan3A_44 = arith.constant 0 : i32
    %scan3A_45 = arith.constant 0 : i32
    %scan3A_46 = arith.constant 79 : i32
    %scan3A_47 = arith.addi %scan3A_45, %scan3A_46 : i32
    %scan3A_48 = arith.constant 1 : i32
    scf.for %scan3A_65 = %scan3A_45 to %scan3A_47 step %scan3A_48  : i32 {
      %add3A_66 = arith.constant 1 : i32
      %add3A_67 = arith.addi %scan3A_65, %add3A_66 : i32
      %mul3A_68 = arith.constant 1 : i32
      %mul3A_69 = arith.muli %add3A_67, %mul3A_68 : i32
      %add3A_70 = arith.constant 0 : i32
      %add3A_71 = arith.addi %mul3A_69, %add3A_70 : i32
      %dma_wait3A_72 = arith.constant 0 : i32
      %dma_wait3A_73 = arith.constant 0 : i32
      %dma_wait3A_74 = tpu.memref_slice %arg9[%add3A_71, %dma_wait3A_73] : memref<80x128xi32, #tpu.memory_space<vmem>> -> memref<1x128xi32, #tpu.memory_space<vmem>>
      %dma_wait3A_75 = tpu.memref_squeeze %dma_wait3A_74 : memref<1x128xi32, #tpu.memory_space<vmem>> -> memref<128xi32, #tpu.memory_space<vmem>>
      %dma_wait3A_76 = arith.constant 0 : i32
      %dma_wait3A_77 = arith.constant 0 : i32
      %dma_wait3A_78 = tpu.memref_slice %arg11[%dma_wait3A_76, %dma_wait3A_77] : memref<10112x128xf32, #tpu.memory_space<vmem_shared>> -> memref<10112x128xf32, #tpu.memory_space<vmem_shared>>
      %dma_wait3A_79 = tpu.memref_slice %arg12[%dma_wait3A_72] : memref<1x!tpu.dma_semaphore, #tpu.memory_space<semaphore_mem>> -> memref<1x!tpu.dma_semaphore, #tpu.memory_space<semaphore_mem>>
      %dma_wait3A_80 = tpu.memref_squeeze %dma_wait3A_79 : memref<1x!tpu.dma_semaphore, #tpu.memory_space<semaphore_mem>> -> memref<!tpu.dma_semaphore, #tpu.memory_space<semaphore_mem>>
      tpu.wait_indirect_dma semaphore(%dma_wait3A_80 : memref<!tpu.dma_semaphore, #tpu.memory_space<semaphore_mem>>) src(%arg10 : memref<128x128xf32, #tpu.memory_space<vmem>>) dst(%dma_wait3A_78 : memref<10112x128xf32, #tpu.memory_space<vmem_shared>>)
      %dma_start3A_81 = arith.constant 0 : i32
      %dma_start3A_82 = arith.constant 0 : i32
      %dma_start3A_83 = tpu.memref_slice %arg9[%add3A_71, %dma_start3A_82] : memref<80x128xi32, #tpu.memory_space<vmem>> -> memref<1x128xi32, #tpu.memory_space<vmem>>
      %dma_start3A_84 = tpu.memref_squeeze %dma_start3A_83 : memref<1x128xi32, #tpu.memory_space<vmem>> -> memref<128xi32, #tpu.memory_space<vmem>>
      %dma_start3A_85 = arith.constant 0 : i32
      %dma_start3A_86 = arith.constant 0 : i32
      %dma_start3A_87 = tpu.memref_slice %arg11[%dma_start3A_85, %dma_start3A_86] : memref<10112x128xf32, #tpu.memory_space<vmem_shared>> -> memref<10112x128xf32, #tpu.memory_space<vmem_shared>>
      %dma_start3A_88 = tpu.memref_slice %arg12[%dma_start3A_81] : memref<1x!tpu.dma_semaphore, #tpu.memory_space<semaphore_mem>> -> memref<1x!tpu.dma_semaphore, #tpu.memory_space<semaphore_mem>>
      %dma_start3A_89 = tpu.memref_squeeze %dma_start3A_88 : memref<1x!tpu.dma_semaphore, #tpu.memory_space<semaphore_mem>> -> memref<!tpu.dma_semaphore, #tpu.memory_space<semaphore_mem>>
      tpu.enqueue_indirect_dma source(%arg10 : memref<128x128xf32, #tpu.memory_space<vmem>>) target(%dma_start3A_87 : memref<10112x128xf32, #tpu.memory_space<vmem_shared>>) offsets(%dma_start3A_84 : memref<128xi32, #tpu.memory_space<vmem>>) semaphore(%dma_start3A_89 : memref<!tpu.dma_semaphore, #tpu.memory_space<semaphore_mem>>) {add = true}
    }
    %scan3A_49 = arith.constant 79 : i32
    %dma_wait3A_50 = arith.constant 0 : i32
    %dma_wait3A_51 = arith.constant 0 : i32
    %dma_wait3A_52 = arith.constant 0 : i32
    %dma_wait3A_53 = tpu.memref_slice %arg9[%dma_wait3A_50, %dma_wait3A_52] : memref<80x128xi32, #tpu.memory_space<vmem>> -> memref<1x128xi32, #tpu.memory_space<vmem>>
    %dma_wait3A_54 = tpu.memref_squeeze %dma_wait3A_53 : memref<1x128xi32, #tpu.memory_space<vmem>> -> memref<128xi32, #tpu.memory_space<vmem>>
    %dma_wait3A_55 = arith.constant 0 : i32
    %dma_wait3A_56 = arith.constant 0 : i32
    %dma_wait3A_57 = tpu.memref_slice %arg11[%dma_wait3A_55, %dma_wait3A_56] : memref<10112x128xf32, #tpu.memory_space<vmem_shared>> -> memref<10112x128xf32, #tpu.memory_space<vmem_shared>>
    %dma_wait3A_58 = tpu.memref_slice %arg12[%dma_wait3A_51] : memref<1x!tpu.dma_semaphore, #tpu.memory_space<semaphore_mem>> -> memref<1x!tpu.dma_semaphore, #tpu.memory_space<semaphore_mem>>
    %dma_wait3A_59 = tpu.memref_squeeze %dma_wait3A_58 : memref<1x!tpu.dma_semaphore, #tpu.memory_space<semaphore_mem>> -> memref<!tpu.dma_semaphore, #tpu.memory_space<semaphore_mem>>
    tpu.wait_indirect_dma semaphore(%dma_wait3A_59 : memref<!tpu.dma_semaphore, #tpu.memory_space<semaphore_mem>>) src(%arg10 : memref<128x128xf32, #tpu.memory_space<vmem>>) dst(%dma_wait3A_57 : memref<10112x128xf32, #tpu.memory_space<vmem_shared>>)
    %barrier3A_60 = arith.constant 0 : index
    tpu.barrier barrier_id(%barrier3A_60)
    %mul3A_61 = arith.constant 632 : i32
    %mul3A_62 = arith.muli %arg1, %mul3A_61 : i32
    %mul3A_63 = arith.constant 632 : i32
    %mul3A_64 = arith.muli %arg1, %mul3A_63 : i32
    "tpu.region"() ({
      %run_scoped3A = tpu.sem_alloc : memref<!tpu.dma_semaphore, #tpu.memory_space<semaphore_mem>>
      %dma_start3A_65 = arith.constant 0 : i32
      %dma_start3A_66 = tpu.memref_slice %arg7[%arg0, %mul3A_64, %dma_start3A_65] : memref<2x10240x128xf32, #tpu.memory_space<hbm>> -> memref<1x632x128xf32, #tpu.memory_space<hbm>>
      %dma_start3A_67 = tpu.memref_squeeze %dma_start3A_66 : memref<1x632x128xf32, #tpu.memory_space<hbm>> -> memref<632x128xf32, #tpu.memory_space<hbm>>
      %dma_start3A_68 = arith.constant 0 : i32
      %dma_start3A_69 = tpu.memref_slice %arg11[%mul3A_62, %dma_start3A_68] : memref<10112x128xf32, #tpu.memory_space<vmem_shared>> -> memref<632x128xf32, #tpu.memory_space<vmem_shared>>
      tpu.enqueue_dma source(%dma_start3A_69 : memref<632x128xf32, #tpu.memory_space<vmem_shared>>) target(%dma_start3A_67 : memref<632x128xf32, #tpu.memory_space<hbm>>) target_semaphore(%run_scoped3A : memref<!tpu.dma_semaphore, #tpu.memory_space<semaphore_mem>>)
      %dma_wait3A_70 = arith.constant 0 : i32
      %dma_wait3A_71 = tpu.memref_slice %arg7[%arg0, %mul3A_64, %dma_wait3A_70] : memref<2x10240x128xf32, #tpu.memory_space<hbm>> -> memref<1x632x128xf32, #tpu.memory_space<hbm>>
      %dma_wait3A_72 = tpu.memref_squeeze %dma_wait3A_71 : memref<1x632x128xf32, #tpu.memory_space<hbm>> -> memref<632x128xf32, #tpu.memory_space<hbm>>
      %dma_wait3A_73 = arith.constant 0 : i32
      %dma_wait3A_74 = tpu.memref_slice %arg11[%mul3A_62, %dma_wait3A_73] : memref<10112x128xf32, #tpu.memory_space<vmem_shared>> -> memref<632x128xf32, #tpu.memory_space<vmem_shared>>
      tpu.wait_dma2 semaphore(%run_scoped3A : memref<!tpu.dma_semaphore, #tpu.memory_space<semaphore_mem>>) src(%dma_wait3A_74 : memref<632x128xf32, #tpu.memory_space<vmem_shared>>) dst(%dma_wait3A_72 : memref<632x128xf32, #tpu.memory_space<hbm>>)
      tpu.yield
    }) : () -> ()
    return
  }
}

#map = affine_map<(d0, d1) -> (0, 0)>
#map1 = affine_map<(d0, d1) -> (0, 0, 0)>
module attributes {stable_mosaic.version = 14 : i64} {
  func.func @_agg_kernel(%arg0: i32, %arg1: i32, %arg2: memref<10240x128xf32, #tpu.memory_space<hbm>>, %arg3: memref<32x81x128xi32, #tpu.memory_space<hbm>>, %arg4: memref<32x80x128xi32, #tpu.memory_space<hbm>>, %arg5: memref<632x128xf32, #tpu.memory_space<hbm>>, %arg6: memref<2x10240x128xf32, #tpu.memory_space<hbm>>, %arg7: memref<81x128xi32, #tpu.memory_space<vmem>>, %arg8: memref<80x128xi32, #tpu.memory_space<vmem>>, %arg9: memref<1x128x128xf32, #tpu.memory_space<vmem>>, %arg10: memref<10112x128xf32, #tpu.memory_space<vmem_shared>>, %arg11: memref<1x!tpu.dma_semaphore, #tpu.memory_space<semaphore_mem>>, %arg12: memref<1x!tpu.dma_semaphore, #tpu.memory_space<semaphore_mem>>) attributes {dimension_semantics = [#tpu.dimension_semantics<core_parallel>, #tpu.dimension_semantics<subcore_parallel>], iteration_bounds = array<i64: 2, 16>, scalar_prefetch = 0 : i64, scratch_operands = 6 : i64, tpu.core_type = #tpu.core_type<sc_vector_subcore>, window_params = [{transform_indices = #map}, {transform_indices = #map1}, {transform_indices = #map1}, {transform_indices = #map}, {transform_indices = #map1}]} {
    %mul3A = arith.constant 2 : i32
    %mul3A_0 = arith.muli %arg1, %mul3A : i32
    %add3A = arith.addi %mul3A_0, %arg0 : i32
    %mul3A_1 = arith.constant 632 : i32
    %mul3A_2 = arith.muli %arg1, %mul3A_1 : i32
    "tpu.region"() ({
      %run_scoped3A = tpu.sem_alloc : memref<!tpu.dma_semaphore, #tpu.memory_space<semaphore_mem>>
      %dma_start3A_41 = arith.constant 0 : i32
      %dma_start3A_42 = tpu.memref_slice %arg10[%mul3A_2, %dma_start3A_41] : memref<10112x128xf32, #tpu.memory_space<vmem_shared>> -> memref<632x128xf32, #tpu.memory_space<vmem_shared>>
      tpu.enqueue_dma source(%arg5 : memref<632x128xf32, #tpu.memory_space<hbm>>) target(%dma_start3A_42 : memref<632x128xf32, #tpu.memory_space<vmem_shared>>) target_semaphore(%run_scoped3A : memref<!tpu.dma_semaphore, #tpu.memory_space<semaphore_mem>>)
      %dma_wait3A_43 = arith.constant 0 : i32
      %dma_wait3A_44 = tpu.memref_slice %arg10[%mul3A_2, %dma_wait3A_43] : memref<10112x128xf32, #tpu.memory_space<vmem_shared>> -> memref<632x128xf32, #tpu.memory_space<vmem_shared>>
      tpu.wait_dma2 semaphore(%run_scoped3A : memref<!tpu.dma_semaphore, #tpu.memory_space<semaphore_mem>>) src(%arg5 : memref<632x128xf32, #tpu.memory_space<hbm>>) dst(%dma_wait3A_44 : memref<632x128xf32, #tpu.memory_space<vmem_shared>>)
      tpu.yield
    }) : () -> ()
    "tpu.region"() ({
      %run_scoped3A = tpu.sem_alloc : memref<!tpu.dma_semaphore, #tpu.memory_space<semaphore_mem>>
      %dma_start3A_41 = arith.constant 0 : i32
      %dma_start3A_42 = arith.constant 0 : i32
      %dma_start3A_43 = tpu.memref_slice %arg3[%add3A, %dma_start3A_41, %dma_start3A_42] : memref<32x81x128xi32, #tpu.memory_space<hbm>> -> memref<1x81x128xi32, #tpu.memory_space<hbm>>
      %dma_start3A_44 = tpu.memref_squeeze %dma_start3A_43 : memref<1x81x128xi32, #tpu.memory_space<hbm>> -> memref<81x128xi32, #tpu.memory_space<hbm>>
      %dma_start3A_45 = arith.constant 0 : i32
      %dma_start3A_46 = arith.constant 0 : i32
      %dma_start3A_47 = tpu.memref_slice %arg3[%add3A, %dma_start3A_45, %dma_start3A_46] : memref<32x81x128xi32, #tpu.memory_space<hbm>> -> memref<1x81x128xi32, #tpu.memory_space<hbm>>
      %dma_start3A_48 = tpu.memref_squeeze %dma_start3A_47 : memref<1x81x128xi32, #tpu.memory_space<hbm>> -> memref<81x128xi32, #tpu.memory_space<hbm>>
      tpu.enqueue_dma source(%dma_start3A_48 : memref<81x128xi32, #tpu.memory_space<hbm>>) target(%arg7 : memref<81x128xi32, #tpu.memory_space<vmem>>) target_semaphore(%run_scoped3A : memref<!tpu.dma_semaphore, #tpu.memory_space<semaphore_mem>>)
      %dma_wait3A_49 = arith.constant 0 : i32
      %dma_wait3A_50 = arith.constant 0 : i32
      %dma_wait3A_51 = tpu.memref_slice %arg3[%add3A, %dma_wait3A_49, %dma_wait3A_50] : memref<32x81x128xi32, #tpu.memory_space<hbm>> -> memref<1x81x128xi32, #tpu.memory_space<hbm>>
      %dma_wait3A_52 = tpu.memref_squeeze %dma_wait3A_51 : memref<1x81x128xi32, #tpu.memory_space<hbm>> -> memref<81x128xi32, #tpu.memory_space<hbm>>
      %dma_wait3A_53 = arith.constant 0 : i32
      %dma_wait3A_54 = arith.constant 0 : i32
      %dma_wait3A_55 = tpu.memref_slice %arg3[%add3A, %dma_wait3A_53, %dma_wait3A_54] : memref<32x81x128xi32, #tpu.memory_space<hbm>> -> memref<1x81x128xi32, #tpu.memory_space<hbm>>
      %dma_wait3A_56 = tpu.memref_squeeze %dma_wait3A_55 : memref<1x81x128xi32, #tpu.memory_space<hbm>> -> memref<81x128xi32, #tpu.memory_space<hbm>>
      tpu.wait_dma2 semaphore(%run_scoped3A : memref<!tpu.dma_semaphore, #tpu.memory_space<semaphore_mem>>) src(%dma_wait3A_56 : memref<81x128xi32, #tpu.memory_space<hbm>>) dst(%arg7 : memref<81x128xi32, #tpu.memory_space<vmem>>)
      tpu.yield
    }) : () -> ()
    "tpu.region"() ({
      %run_scoped3A = tpu.sem_alloc : memref<!tpu.dma_semaphore, #tpu.memory_space<semaphore_mem>>
      %dma_start3A_41 = arith.constant 0 : i32
      %dma_start3A_42 = arith.constant 0 : i32
      %dma_start3A_43 = tpu.memref_slice %arg4[%add3A, %dma_start3A_41, %dma_start3A_42] : memref<32x80x128xi32, #tpu.memory_space<hbm>> -> memref<1x80x128xi32, #tpu.memory_space<hbm>>
      %dma_start3A_44 = tpu.memref_squeeze %dma_start3A_43 : memref<1x80x128xi32, #tpu.memory_space<hbm>> -> memref<80x128xi32, #tpu.memory_space<hbm>>
      %dma_start3A_45 = arith.constant 0 : i32
      %dma_start3A_46 = arith.constant 0 : i32
      %dma_start3A_47 = tpu.memref_slice %arg4[%add3A, %dma_start3A_45, %dma_start3A_46] : memref<32x80x128xi32, #tpu.memory_space<hbm>> -> memref<1x80x128xi32, #tpu.memory_space<hbm>>
      %dma_start3A_48 = tpu.memref_squeeze %dma_start3A_47 : memref<1x80x128xi32, #tpu.memory_space<hbm>> -> memref<80x128xi32, #tpu.memory_space<hbm>>
      tpu.enqueue_dma source(%dma_start3A_48 : memref<80x128xi32, #tpu.memory_space<hbm>>) target(%arg8 : memref<80x128xi32, #tpu.memory_space<vmem>>) target_semaphore(%run_scoped3A : memref<!tpu.dma_semaphore, #tpu.memory_space<semaphore_mem>>)
      %dma_wait3A_49 = arith.constant 0 : i32
      %dma_wait3A_50 = arith.constant 0 : i32
      %dma_wait3A_51 = tpu.memref_slice %arg4[%add3A, %dma_wait3A_49, %dma_wait3A_50] : memref<32x80x128xi32, #tpu.memory_space<hbm>> -> memref<1x80x128xi32, #tpu.memory_space<hbm>>
      %dma_wait3A_52 = tpu.memref_squeeze %dma_wait3A_51 : memref<1x80x128xi32, #tpu.memory_space<hbm>> -> memref<80x128xi32, #tpu.memory_space<hbm>>
      %dma_wait3A_53 = arith.constant 0 : i32
      %dma_wait3A_54 = arith.constant 0 : i32
      %dma_wait3A_55 = tpu.memref_slice %arg4[%add3A, %dma_wait3A_53, %dma_wait3A_54] : memref<32x80x128xi32, #tpu.memory_space<hbm>> -> memref<1x80x128xi32, #tpu.memory_space<hbm>>
      %dma_wait3A_56 = tpu.memref_squeeze %dma_wait3A_55 : memref<1x80x128xi32, #tpu.memory_space<hbm>> -> memref<80x128xi32, #tpu.memory_space<hbm>>
      tpu.wait_dma2 semaphore(%run_scoped3A : memref<!tpu.dma_semaphore, #tpu.memory_space<semaphore_mem>>) src(%dma_wait3A_56 : memref<80x128xi32, #tpu.memory_space<hbm>>) dst(%arg8 : memref<80x128xi32, #tpu.memory_space<vmem>>)
      tpu.yield
    }) : () -> ()
    %barrier3A = arith.constant 0 : index
    tpu.barrier barrier_id(%barrier3A)
    %dma_start3A = arith.constant 0 : i32
    %dma_start3A_3 = arith.constant 0 : i32
    %dma_start3A_4 = arith.constant 0 : i32
    %dma_start3A_5 = arith.constant 0 : i32
    %dma_start3A_6 = arith.constant 0 : i32
    %dma_start3A_7 = tpu.memref_slice %arg9[%dma_start3A_3, %dma_start3A_5, %dma_start3A_6] : memref<1x128x128xf32, #tpu.memory_space<vmem>> -> memref<1x128x128xf32, #tpu.memory_space<vmem>>
    %dma_start3A_8 = tpu.memref_squeeze %dma_start3A_7 : memref<1x128x128xf32, #tpu.memory_space<vmem>> -> memref<128x128xf32, #tpu.memory_space<vmem>>
    %dma_start3A_9 = arith.constant 0 : i32
    %dma_start3A_10 = tpu.memref_slice %arg7[%dma_start3A, %dma_start3A_9] : memref<81x128xi32, #tpu.memory_space<vmem>> -> memref<1x128xi32, #tpu.memory_space<vmem>>
    %dma_start3A_11 = tpu.memref_squeeze %dma_start3A_10 : memref<1x128xi32, #tpu.memory_space<vmem>> -> memref<128xi32, #tpu.memory_space<vmem>>
    %dma_start3A_12 = arith.constant 0 : i32
    %dma_start3A_13 = arith.constant 0 : i32
    %dma_start3A_14 = tpu.memref_slice %arg2[%dma_start3A_12, %dma_start3A_13] : memref<10240x128xf32, #tpu.memory_space<hbm>> -> memref<10240x128xf32, #tpu.memory_space<hbm>>
    %dma_start3A_15 = tpu.memref_slice %arg11[%dma_start3A_4] : memref<1x!tpu.dma_semaphore, #tpu.memory_space<semaphore_mem>> -> memref<1x!tpu.dma_semaphore, #tpu.memory_space<semaphore_mem>>
    %dma_start3A_16 = tpu.memref_squeeze %dma_start3A_15 : memref<1x!tpu.dma_semaphore, #tpu.memory_space<semaphore_mem>> -> memref<!tpu.dma_semaphore, #tpu.memory_space<semaphore_mem>>
    tpu.enqueue_indirect_dma source(%dma_start3A_14 : memref<10240x128xf32, #tpu.memory_space<hbm>>) target(%dma_start3A_8 : memref<128x128xf32, #tpu.memory_space<vmem>>) offsets(%dma_start3A_11 : memref<128xi32, #tpu.memory_space<vmem>>) semaphore(%dma_start3A_16 : memref<!tpu.dma_semaphore, #tpu.memory_space<semaphore_mem>>)
    %scan3A = arith.constant 0 : i32
    %scan3A_17 = arith.constant 0 : i32
    %scan3A_18 = arith.constant 80 : i32
    %scan3A_19 = arith.addi %scan3A_17, %scan3A_18 : i32
    %scan3A_20 = arith.constant 1 : i32
    scf.for %scan3A_41 = %scan3A_17 to %scan3A_19 step %scan3A_20  : i32 {
      %mul3A_42 = arith.constant 1 : i32
      %mul3A_43 = arith.muli %scan3A_41, %mul3A_42 : i32
      %add3A_44 = arith.constant 0 : i32
      %add3A_45 = arith.addi %mul3A_43, %add3A_44 : i32
      %dma_wait3A_46 = arith.constant 0 : i32
      %dma_wait3A_47 = arith.constant 0 : i32
      %dma_wait3A_48 = arith.constant 0 : i32
      %dma_wait3A_49 = arith.constant 0 : i32
      %dma_wait3A_50 = tpu.memref_slice %arg9[%dma_wait3A_46, %dma_wait3A_48, %dma_wait3A_49] : memref<1x128x128xf32, #tpu.memory_space<vmem>> -> memref<1x128x128xf32, #tpu.memory_space<vmem>>
      %dma_wait3A_51 = tpu.memref_squeeze %dma_wait3A_50 : memref<1x128x128xf32, #tpu.memory_space<vmem>> -> memref<128x128xf32, #tpu.memory_space<vmem>>
      %dma_wait3A_52 = arith.constant 0 : i32
      %dma_wait3A_53 = tpu.memref_slice %arg7[%add3A_45, %dma_wait3A_52] : memref<81x128xi32, #tpu.memory_space<vmem>> -> memref<1x128xi32, #tpu.memory_space<vmem>>
      %dma_wait3A_54 = tpu.memref_squeeze %dma_wait3A_53 : memref<1x128xi32, #tpu.memory_space<vmem>> -> memref<128xi32, #tpu.memory_space<vmem>>
      %dma_wait3A_55 = arith.constant 0 : i32
      %dma_wait3A_56 = arith.constant 0 : i32
      %dma_wait3A_57 = tpu.memref_slice %arg2[%dma_wait3A_55, %dma_wait3A_56] : memref<10240x128xf32, #tpu.memory_space<hbm>> -> memref<10240x128xf32, #tpu.memory_space<hbm>>
      %dma_wait3A_58 = tpu.memref_slice %arg11[%dma_wait3A_47] : memref<1x!tpu.dma_semaphore, #tpu.memory_space<semaphore_mem>> -> memref<1x!tpu.dma_semaphore, #tpu.memory_space<semaphore_mem>>
      %dma_wait3A_59 = tpu.memref_squeeze %dma_wait3A_58 : memref<1x!tpu.dma_semaphore, #tpu.memory_space<semaphore_mem>> -> memref<!tpu.dma_semaphore, #tpu.memory_space<semaphore_mem>>
      tpu.wait_indirect_dma semaphore(%dma_wait3A_59 : memref<!tpu.dma_semaphore, #tpu.memory_space<semaphore_mem>>) src(%dma_wait3A_57 : memref<10240x128xf32, #tpu.memory_space<hbm>>) dst(%dma_wait3A_51 : memref<128x128xf32, #tpu.memory_space<vmem>>)
      %dma_start3A_60 = arith.constant 0 : i32
      %dma_start3A_61 = arith.constant 0 : i32
      %dma_start3A_62 = arith.constant 0 : i32
      %dma_start3A_63 = arith.constant 0 : i32
      %dma_start3A_64 = tpu.memref_slice %arg9[%dma_start3A_60, %dma_start3A_62, %dma_start3A_63] : memref<1x128x128xf32, #tpu.memory_space<vmem>> -> memref<1x128x128xf32, #tpu.memory_space<vmem>>
      %dma_start3A_65 = tpu.memref_squeeze %dma_start3A_64 : memref<1x128x128xf32, #tpu.memory_space<vmem>> -> memref<128x128xf32, #tpu.memory_space<vmem>>
      %dma_start3A_66 = arith.constant 0 : i32
      %dma_start3A_67 = tpu.memref_slice %arg8[%add3A_45, %dma_start3A_66] : memref<80x128xi32, #tpu.memory_space<vmem>> -> memref<1x128xi32, #tpu.memory_space<vmem>>
      %dma_start3A_68 = tpu.memref_squeeze %dma_start3A_67 : memref<1x128xi32, #tpu.memory_space<vmem>> -> memref<128xi32, #tpu.memory_space<vmem>>
      %dma_start3A_69 = arith.constant 0 : i32
      %dma_start3A_70 = arith.constant 0 : i32
      %dma_start3A_71 = tpu.memref_slice %arg10[%dma_start3A_69, %dma_start3A_70] : memref<10112x128xf32, #tpu.memory_space<vmem_shared>> -> memref<10112x128xf32, #tpu.memory_space<vmem_shared>>
      %dma_start3A_72 = tpu.memref_slice %arg12[%dma_start3A_61] : memref<1x!tpu.dma_semaphore, #tpu.memory_space<semaphore_mem>> -> memref<1x!tpu.dma_semaphore, #tpu.memory_space<semaphore_mem>>
      %dma_start3A_73 = tpu.memref_squeeze %dma_start3A_72 : memref<1x!tpu.dma_semaphore, #tpu.memory_space<semaphore_mem>> -> memref<!tpu.dma_semaphore, #tpu.memory_space<semaphore_mem>>
      tpu.enqueue_indirect_dma source(%dma_start3A_65 : memref<128x128xf32, #tpu.memory_space<vmem>>) target(%dma_start3A_71 : memref<10112x128xf32, #tpu.memory_space<vmem_shared>>) offsets(%dma_start3A_68 : memref<128xi32, #tpu.memory_space<vmem>>) semaphore(%dma_start3A_73 : memref<!tpu.dma_semaphore, #tpu.memory_space<semaphore_mem>>) {add = true}
      %dma_wait3A_74 = arith.constant 0 : i32
      %dma_wait3A_75 = arith.constant 0 : i32
      %dma_wait3A_76 = arith.constant 0 : i32
      %dma_wait3A_77 = arith.constant 0 : i32
      %dma_wait3A_78 = tpu.memref_slice %arg9[%dma_wait3A_74, %dma_wait3A_76, %dma_wait3A_77] : memref<1x128x128xf32, #tpu.memory_space<vmem>> -> memref<1x128x128xf32, #tpu.memory_space<vmem>>
      %dma_wait3A_79 = tpu.memref_squeeze %dma_wait3A_78 : memref<1x128x128xf32, #tpu.memory_space<vmem>> -> memref<128x128xf32, #tpu.memory_space<vmem>>
      %dma_wait3A_80 = arith.constant 0 : i32
      %dma_wait3A_81 = tpu.memref_slice %arg8[%add3A_45, %dma_wait3A_80] : memref<80x128xi32, #tpu.memory_space<vmem>> -> memref<1x128xi32, #tpu.memory_space<vmem>>
      %dma_wait3A_82 = tpu.memref_squeeze %dma_wait3A_81 : memref<1x128xi32, #tpu.memory_space<vmem>> -> memref<128xi32, #tpu.memory_space<vmem>>
      %dma_wait3A_83 = arith.constant 0 : i32
      %dma_wait3A_84 = arith.constant 0 : i32
      %dma_wait3A_85 = tpu.memref_slice %arg10[%dma_wait3A_83, %dma_wait3A_84] : memref<10112x128xf32, #tpu.memory_space<vmem_shared>> -> memref<10112x128xf32, #tpu.memory_space<vmem_shared>>
      %dma_wait3A_86 = tpu.memref_slice %arg12[%dma_wait3A_75] : memref<1x!tpu.dma_semaphore, #tpu.memory_space<semaphore_mem>> -> memref<1x!tpu.dma_semaphore, #tpu.memory_space<semaphore_mem>>
      %dma_wait3A_87 = tpu.memref_squeeze %dma_wait3A_86 : memref<1x!tpu.dma_semaphore, #tpu.memory_space<semaphore_mem>> -> memref<!tpu.dma_semaphore, #tpu.memory_space<semaphore_mem>>
      tpu.wait_indirect_dma semaphore(%dma_wait3A_87 : memref<!tpu.dma_semaphore, #tpu.memory_space<semaphore_mem>>) src(%dma_wait3A_79 : memref<128x128xf32, #tpu.memory_space<vmem>>) dst(%dma_wait3A_85 : memref<10112x128xf32, #tpu.memory_space<vmem_shared>>)
      %add3A_88 = arith.constant 1 : i32
      %add3A_89 = arith.addi %add3A_45, %add3A_88 : i32
      %dma_start3A_90 = arith.constant 0 : i32
      %dma_start3A_91 = arith.constant 0 : i32
      %dma_start3A_92 = arith.constant 0 : i32
      %dma_start3A_93 = arith.constant 0 : i32
      %dma_start3A_94 = tpu.memref_slice %arg9[%dma_start3A_90, %dma_start3A_92, %dma_start3A_93] : memref<1x128x128xf32, #tpu.memory_space<vmem>> -> memref<1x128x128xf32, #tpu.memory_space<vmem>>
      %dma_start3A_95 = tpu.memref_squeeze %dma_start3A_94 : memref<1x128x128xf32, #tpu.memory_space<vmem>> -> memref<128x128xf32, #tpu.memory_space<vmem>>
      %dma_start3A_96 = arith.constant 0 : i32
      %dma_start3A_97 = tpu.memref_slice %arg7[%add3A_89, %dma_start3A_96] : memref<81x128xi32, #tpu.memory_space<vmem>> -> memref<1x128xi32, #tpu.memory_space<vmem>>
      %dma_start3A_98 = tpu.memref_squeeze %dma_start3A_97 : memref<1x128xi32, #tpu.memory_space<vmem>> -> memref<128xi32, #tpu.memory_space<vmem>>
      %dma_start3A_99 = arith.constant 0 : i32
      %dma_start3A_100 = arith.constant 0 : i32
      %dma_start3A_101 = tpu.memref_slice %arg2[%dma_start3A_99, %dma_start3A_100] : memref<10240x128xf32, #tpu.memory_space<hbm>> -> memref<10240x128xf32, #tpu.memory_space<hbm>>
      %dma_start3A_102 = tpu.memref_slice %arg11[%dma_start3A_91] : memref<1x!tpu.dma_semaphore, #tpu.memory_space<semaphore_mem>> -> memref<1x!tpu.dma_semaphore, #tpu.memory_space<semaphore_mem>>
      %dma_start3A_103 = tpu.memref_squeeze %dma_start3A_102 : memref<1x!tpu.dma_semaphore, #tpu.memory_space<semaphore_mem>> -> memref<!tpu.dma_semaphore, #tpu.memory_space<semaphore_mem>>
      tpu.enqueue_indirect_dma source(%dma_start3A_101 : memref<10240x128xf32, #tpu.memory_space<hbm>>) target(%dma_start3A_95 : memref<128x128xf32, #tpu.memory_space<vmem>>) offsets(%dma_start3A_98 : memref<128xi32, #tpu.memory_space<vmem>>) semaphore(%dma_start3A_103 : memref<!tpu.dma_semaphore, #tpu.memory_space<semaphore_mem>>)
    }
    %scan3A_21 = arith.constant 80 : i32
    %dma_wait3A = arith.constant 80 : i32
    %dma_wait3A_22 = arith.constant 0 : i32
    %dma_wait3A_23 = arith.constant 0 : i32
    %dma_wait3A_24 = arith.constant 0 : i32
    %dma_wait3A_25 = arith.constant 0 : i32
    %dma_wait3A_26 = tpu.memref_slice %arg9[%dma_wait3A_22, %dma_wait3A_24, %dma_wait3A_25] : memref<1x128x128xf32, #tpu.memory_space<vmem>> -> memref<1x128x128xf32, #tpu.memory_space<vmem>>
    %dma_wait3A_27 = tpu.memref_squeeze %dma_wait3A_26 : memref<1x128x128xf32, #tpu.memory_space<vmem>> -> memref<128x128xf32, #tpu.memory_space<vmem>>
    %dma_wait3A_28 = arith.constant 0 : i32
    %dma_wait3A_29 = tpu.memref_slice %arg7[%dma_wait3A, %dma_wait3A_28] : memref<81x128xi32, #tpu.memory_space<vmem>> -> memref<1x128xi32, #tpu.memory_space<vmem>>
    %dma_wait3A_30 = tpu.memref_squeeze %dma_wait3A_29 : memref<1x128xi32, #tpu.memory_space<vmem>> -> memref<128xi32, #tpu.memory_space<vmem>>
    %dma_wait3A_31 = arith.constant 0 : i32
    %dma_wait3A_32 = arith.constant 0 : i32
    %dma_wait3A_33 = tpu.memref_slice %arg2[%dma_wait3A_31, %dma_wait3A_32] : memref<10240x128xf32, #tpu.memory_space<hbm>> -> memref<10240x128xf32, #tpu.memory_space<hbm>>
    %dma_wait3A_34 = tpu.memref_slice %arg11[%dma_wait3A_23] : memref<1x!tpu.dma_semaphore, #tpu.memory_space<semaphore_mem>> -> memref<1x!tpu.dma_semaphore, #tpu.memory_space<semaphore_mem>>
    %dma_wait3A_35 = tpu.memref_squeeze %dma_wait3A_34 : memref<1x!tpu.dma_semaphore, #tpu.memory_space<semaphore_mem>> -> memref<!tpu.dma_semaphore, #tpu.memory_space<semaphore_mem>>
    tpu.wait_indirect_dma semaphore(%dma_wait3A_35 : memref<!tpu.dma_semaphore, #tpu.memory_space<semaphore_mem>>) src(%dma_wait3A_33 : memref<10240x128xf32, #tpu.memory_space<hbm>>) dst(%dma_wait3A_27 : memref<128x128xf32, #tpu.memory_space<vmem>>)
    %barrier3A_36 = arith.constant 0 : index
    tpu.barrier barrier_id(%barrier3A_36)
    %mul3A_37 = arith.constant 632 : i32
    %mul3A_38 = arith.muli %arg1, %mul3A_37 : i32
    %mul3A_39 = arith.constant 632 : i32
    %mul3A_40 = arith.muli %arg1, %mul3A_39 : i32
    "tpu.region"() ({
      %run_scoped3A = tpu.sem_alloc : memref<!tpu.dma_semaphore, #tpu.memory_space<semaphore_mem>>
      %dma_start3A_41 = arith.constant 0 : i32
      %dma_start3A_42 = tpu.memref_slice %arg6[%arg0, %mul3A_40, %dma_start3A_41] : memref<2x10240x128xf32, #tpu.memory_space<hbm>> -> memref<1x632x128xf32, #tpu.memory_space<hbm>>
      %dma_start3A_43 = tpu.memref_squeeze %dma_start3A_42 : memref<1x632x128xf32, #tpu.memory_space<hbm>> -> memref<632x128xf32, #tpu.memory_space<hbm>>
      %dma_start3A_44 = arith.constant 0 : i32
      %dma_start3A_45 = tpu.memref_slice %arg10[%mul3A_38, %dma_start3A_44] : memref<10112x128xf32, #tpu.memory_space<vmem_shared>> -> memref<632x128xf32, #tpu.memory_space<vmem_shared>>
      tpu.enqueue_dma source(%dma_start3A_45 : memref<632x128xf32, #tpu.memory_space<vmem_shared>>) target(%dma_start3A_43 : memref<632x128xf32, #tpu.memory_space<hbm>>) target_semaphore(%run_scoped3A : memref<!tpu.dma_semaphore, #tpu.memory_space<semaphore_mem>>)
      %dma_wait3A_46 = arith.constant 0 : i32
      %dma_wait3A_47 = tpu.memref_slice %arg6[%arg0, %mul3A_40, %dma_wait3A_46] : memref<2x10240x128xf32, #tpu.memory_space<hbm>> -> memref<1x632x128xf32, #tpu.memory_space<hbm>>
      %dma_wait3A_48 = tpu.memref_squeeze %dma_wait3A_47 : memref<1x632x128xf32, #tpu.memory_space<hbm>> -> memref<632x128xf32, #tpu.memory_space<hbm>>
      %dma_wait3A_49 = arith.constant 0 : i32
      %dma_wait3A_50 = tpu.memref_slice %arg10[%mul3A_38, %dma_wait3A_49] : memref<10112x128xf32, #tpu.memory_space<vmem_shared>> -> memref<632x128xf32, #tpu.memory_space<vmem_shared>>
      tpu.wait_dma2 semaphore(%run_scoped3A : memref<!tpu.dma_semaphore, #tpu.memory_space<semaphore_mem>>) src(%dma_wait3A_50 : memref<632x128xf32, #tpu.memory_space<vmem_shared>>) dst(%dma_wait3A_48 : memref<632x128xf32, #tpu.memory_space<hbm>>)
      tpu.yield
    }) : () -> ()
    return
  }
}

#map = affine_map<(d0, d1) -> (0, 0)>
#map1 = affine_map<(d0, d1) -> (0, 0, 0)>
module attributes {stable_mosaic.version = 14 : i64} {
  func.func @_agg_kernel(%arg0: i32, %arg1: i32, %arg2: memref<10240x128xf32, #tpu.memory_space<hbm>>, %arg3: memref<32x81x128xi32, #tpu.memory_space<hbm>>, %arg4: memref<32x80x128xi32, #tpu.memory_space<hbm>>, %arg5: memref<632x128xf32, #tpu.memory_space<hbm>>, %arg6: memref<2x10240x128xf32, #tpu.memory_space<hbm>>, %arg7: memref<81x128xi32, #tpu.memory_space<vmem>>, %arg8: memref<80x128xi32, #tpu.memory_space<vmem>>, %arg9: memref<1x128x128xf32, #tpu.memory_space<vmem>>, %arg10: memref<10112x128xf32, #tpu.memory_space<vmem_shared>>, %arg11: memref<1x!tpu.dma_semaphore, #tpu.memory_space<semaphore_mem>>, %arg12: memref<1x!tpu.dma_semaphore, #tpu.memory_space<semaphore_mem>>) attributes {dimension_semantics = [#tpu.dimension_semantics<core_parallel>, #tpu.dimension_semantics<subcore_parallel>], iteration_bounds = array<i64: 2, 16>, scalar_prefetch = 0 : i64, scratch_operands = 6 : i64, tpu.core_type = #tpu.core_type<sc_vector_subcore>, window_params = [{transform_indices = #map}, {transform_indices = #map1}, {transform_indices = #map1}, {transform_indices = #map}, {transform_indices = #map1}]} {
    %mul3A = arith.constant 2 : i32
    %mul3A_0 = arith.muli %arg1, %mul3A : i32
    %add3A = arith.addi %mul3A_0, %arg0 : i32
    %mul3A_1 = arith.constant 632 : i32
    %mul3A_2 = arith.muli %arg1, %mul3A_1 : i32
    "tpu.region"() ({
      %run_scoped3A = tpu.sem_alloc : memref<!tpu.dma_semaphore, #tpu.memory_space<semaphore_mem>>
      %dma_start3A_41 = arith.constant 0 : i32
      %dma_start3A_42 = tpu.memref_slice %arg10[%mul3A_2, %dma_start3A_41] : memref<10112x128xf32, #tpu.memory_space<vmem_shared>> -> memref<632x128xf32, #tpu.memory_space<vmem_shared>>
      tpu.enqueue_dma source(%arg5 : memref<632x128xf32, #tpu.memory_space<hbm>>) target(%dma_start3A_42 : memref<632x128xf32, #tpu.memory_space<vmem_shared>>) target_semaphore(%run_scoped3A : memref<!tpu.dma_semaphore, #tpu.memory_space<semaphore_mem>>)
      %dma_wait3A_43 = arith.constant 0 : i32
      %dma_wait3A_44 = tpu.memref_slice %arg10[%mul3A_2, %dma_wait3A_43] : memref<10112x128xf32, #tpu.memory_space<vmem_shared>> -> memref<632x128xf32, #tpu.memory_space<vmem_shared>>
      tpu.wait_dma2 semaphore(%run_scoped3A : memref<!tpu.dma_semaphore, #tpu.memory_space<semaphore_mem>>) src(%arg5 : memref<632x128xf32, #tpu.memory_space<hbm>>) dst(%dma_wait3A_44 : memref<632x128xf32, #tpu.memory_space<vmem_shared>>)
      tpu.yield
    }) : () -> ()
    "tpu.region"() ({
      %run_scoped3A = tpu.sem_alloc : memref<!tpu.dma_semaphore, #tpu.memory_space<semaphore_mem>>
      %dma_start3A_41 = arith.constant 0 : i32
      %dma_start3A_42 = arith.constant 0 : i32
      %dma_start3A_43 = tpu.memref_slice %arg3[%add3A, %dma_start3A_41, %dma_start3A_42] : memref<32x81x128xi32, #tpu.memory_space<hbm>> -> memref<1x81x128xi32, #tpu.memory_space<hbm>>
      %dma_start3A_44 = tpu.memref_squeeze %dma_start3A_43 : memref<1x81x128xi32, #tpu.memory_space<hbm>> -> memref<81x128xi32, #tpu.memory_space<hbm>>
      %dma_start3A_45 = arith.constant 0 : i32
      %dma_start3A_46 = arith.constant 0 : i32
      %dma_start3A_47 = tpu.memref_slice %arg3[%add3A, %dma_start3A_45, %dma_start3A_46] : memref<32x81x128xi32, #tpu.memory_space<hbm>> -> memref<1x81x128xi32, #tpu.memory_space<hbm>>
      %dma_start3A_48 = tpu.memref_squeeze %dma_start3A_47 : memref<1x81x128xi32, #tpu.memory_space<hbm>> -> memref<81x128xi32, #tpu.memory_space<hbm>>
      tpu.enqueue_dma source(%dma_start3A_48 : memref<81x128xi32, #tpu.memory_space<hbm>>) target(%arg7 : memref<81x128xi32, #tpu.memory_space<vmem>>) target_semaphore(%run_scoped3A : memref<!tpu.dma_semaphore, #tpu.memory_space<semaphore_mem>>)
      %dma_wait3A_49 = arith.constant 0 : i32
      %dma_wait3A_50 = arith.constant 0 : i32
      %dma_wait3A_51 = tpu.memref_slice %arg3[%add3A, %dma_wait3A_49, %dma_wait3A_50] : memref<32x81x128xi32, #tpu.memory_space<hbm>> -> memref<1x81x128xi32, #tpu.memory_space<hbm>>
      %dma_wait3A_52 = tpu.memref_squeeze %dma_wait3A_51 : memref<1x81x128xi32, #tpu.memory_space<hbm>> -> memref<81x128xi32, #tpu.memory_space<hbm>>
      %dma_wait3A_53 = arith.constant 0 : i32
      %dma_wait3A_54 = arith.constant 0 : i32
      %dma_wait3A_55 = tpu.memref_slice %arg3[%add3A, %dma_wait3A_53, %dma_wait3A_54] : memref<32x81x128xi32, #tpu.memory_space<hbm>> -> memref<1x81x128xi32, #tpu.memory_space<hbm>>
      %dma_wait3A_56 = tpu.memref_squeeze %dma_wait3A_55 : memref<1x81x128xi32, #tpu.memory_space<hbm>> -> memref<81x128xi32, #tpu.memory_space<hbm>>
      tpu.wait_dma2 semaphore(%run_scoped3A : memref<!tpu.dma_semaphore, #tpu.memory_space<semaphore_mem>>) src(%dma_wait3A_56 : memref<81x128xi32, #tpu.memory_space<hbm>>) dst(%arg7 : memref<81x128xi32, #tpu.memory_space<vmem>>)
      tpu.yield
    }) : () -> ()
    "tpu.region"() ({
      %run_scoped3A = tpu.sem_alloc : memref<!tpu.dma_semaphore, #tpu.memory_space<semaphore_mem>>
      %dma_start3A_41 = arith.constant 0 : i32
      %dma_start3A_42 = arith.constant 0 : i32
      %dma_start3A_43 = tpu.memref_slice %arg4[%add3A, %dma_start3A_41, %dma_start3A_42] : memref<32x80x128xi32, #tpu.memory_space<hbm>> -> memref<1x80x128xi32, #tpu.memory_space<hbm>>
      %dma_start3A_44 = tpu.memref_squeeze %dma_start3A_43 : memref<1x80x128xi32, #tpu.memory_space<hbm>> -> memref<80x128xi32, #tpu.memory_space<hbm>>
      %dma_start3A_45 = arith.constant 0 : i32
      %dma_start3A_46 = arith.constant 0 : i32
      %dma_start3A_47 = tpu.memref_slice %arg4[%add3A, %dma_start3A_45, %dma_start3A_46] : memref<32x80x128xi32, #tpu.memory_space<hbm>> -> memref<1x80x128xi32, #tpu.memory_space<hbm>>
      %dma_start3A_48 = tpu.memref_squeeze %dma_start3A_47 : memref<1x80x128xi32, #tpu.memory_space<hbm>> -> memref<80x128xi32, #tpu.memory_space<hbm>>
      tpu.enqueue_dma source(%dma_start3A_48 : memref<80x128xi32, #tpu.memory_space<hbm>>) target(%arg8 : memref<80x128xi32, #tpu.memory_space<vmem>>) target_semaphore(%run_scoped3A : memref<!tpu.dma_semaphore, #tpu.memory_space<semaphore_mem>>)
      %dma_wait3A_49 = arith.constant 0 : i32
      %dma_wait3A_50 = arith.constant 0 : i32
      %dma_wait3A_51 = tpu.memref_slice %arg4[%add3A, %dma_wait3A_49, %dma_wait3A_50] : memref<32x80x128xi32, #tpu.memory_space<hbm>> -> memref<1x80x128xi32, #tpu.memory_space<hbm>>
      %dma_wait3A_52 = tpu.memref_squeeze %dma_wait3A_51 : memref<1x80x128xi32, #tpu.memory_space<hbm>> -> memref<80x128xi32, #tpu.memory_space<hbm>>
      %dma_wait3A_53 = arith.constant 0 : i32
      %dma_wait3A_54 = arith.constant 0 : i32
      %dma_wait3A_55 = tpu.memref_slice %arg4[%add3A, %dma_wait3A_53, %dma_wait3A_54] : memref<32x80x128xi32, #tpu.memory_space<hbm>> -> memref<1x80x128xi32, #tpu.memory_space<hbm>>
      %dma_wait3A_56 = tpu.memref_squeeze %dma_wait3A_55 : memref<1x80x128xi32, #tpu.memory_space<hbm>> -> memref<80x128xi32, #tpu.memory_space<hbm>>
      tpu.wait_dma2 semaphore(%run_scoped3A : memref<!tpu.dma_semaphore, #tpu.memory_space<semaphore_mem>>) src(%dma_wait3A_56 : memref<80x128xi32, #tpu.memory_space<hbm>>) dst(%arg8 : memref<80x128xi32, #tpu.memory_space<vmem>>)
      tpu.yield
    }) : () -> ()
    %barrier3A = arith.constant 0 : index
    tpu.barrier barrier_id(%barrier3A)
    %dma_start3A = arith.constant 0 : i32
    %dma_start3A_3 = arith.constant 0 : i32
    %dma_start3A_4 = arith.constant 0 : i32
    %dma_start3A_5 = arith.constant 0 : i32
    %dma_start3A_6 = arith.constant 0 : i32
    %dma_start3A_7 = tpu.memref_slice %arg9[%dma_start3A_3, %dma_start3A_5, %dma_start3A_6] : memref<1x128x128xf32, #tpu.memory_space<vmem>> -> memref<1x128x128xf32, #tpu.memory_space<vmem>>
    %dma_start3A_8 = tpu.memref_squeeze %dma_start3A_7 : memref<1x128x128xf32, #tpu.memory_space<vmem>> -> memref<128x128xf32, #tpu.memory_space<vmem>>
    %dma_start3A_9 = arith.constant 0 : i32
    %dma_start3A_10 = tpu.memref_slice %arg7[%dma_start3A, %dma_start3A_9] : memref<81x128xi32, #tpu.memory_space<vmem>> -> memref<1x128xi32, #tpu.memory_space<vmem>>
    %dma_start3A_11 = tpu.memref_squeeze %dma_start3A_10 : memref<1x128xi32, #tpu.memory_space<vmem>> -> memref<128xi32, #tpu.memory_space<vmem>>
    %dma_start3A_12 = arith.constant 0 : i32
    %dma_start3A_13 = arith.constant 0 : i32
    %dma_start3A_14 = tpu.memref_slice %arg2[%dma_start3A_12, %dma_start3A_13] : memref<10240x128xf32, #tpu.memory_space<hbm>> -> memref<10240x128xf32, #tpu.memory_space<hbm>>
    %dma_start3A_15 = tpu.memref_slice %arg11[%dma_start3A_4] : memref<1x!tpu.dma_semaphore, #tpu.memory_space<semaphore_mem>> -> memref<1x!tpu.dma_semaphore, #tpu.memory_space<semaphore_mem>>
    %dma_start3A_16 = tpu.memref_squeeze %dma_start3A_15 : memref<1x!tpu.dma_semaphore, #tpu.memory_space<semaphore_mem>> -> memref<!tpu.dma_semaphore, #tpu.memory_space<semaphore_mem>>
    tpu.enqueue_indirect_dma source(%dma_start3A_14 : memref<10240x128xf32, #tpu.memory_space<hbm>>) target(%dma_start3A_8 : memref<128x128xf32, #tpu.memory_space<vmem>>) offsets(%dma_start3A_11 : memref<128xi32, #tpu.memory_space<vmem>>) semaphore(%dma_start3A_16 : memref<!tpu.dma_semaphore, #tpu.memory_space<semaphore_mem>>)
    %scan3A = arith.constant 0 : i32
    %scan3A_17 = arith.constant 0 : i32
    %scan3A_18 = arith.constant 80 : i32
    %scan3A_19 = arith.addi %scan3A_17, %scan3A_18 : i32
    %scan3A_20 = arith.constant 1 : i32
    scf.for %scan3A_41 = %scan3A_17 to %scan3A_19 step %scan3A_20  : i32 {
      %mul3A_42 = arith.constant 1 : i32
      %mul3A_43 = arith.muli %scan3A_41, %mul3A_42 : i32
      %add3A_44 = arith.constant 0 : i32
      %add3A_45 = arith.addi %mul3A_43, %add3A_44 : i32
      %dma_wait3A_46 = arith.constant 0 : i32
      %dma_wait3A_47 = arith.constant 0 : i32
      %dma_wait3A_48 = arith.constant 0 : i32
      %dma_wait3A_49 = arith.constant 0 : i32
      %dma_wait3A_50 = tpu.memref_slice %arg9[%dma_wait3A_46, %dma_wait3A_48, %dma_wait3A_49] : memref<1x128x128xf32, #tpu.memory_space<vmem>> -> memref<1x128x128xf32, #tpu.memory_space<vmem>>
      %dma_wait3A_51 = tpu.memref_squeeze %dma_wait3A_50 : memref<1x128x128xf32, #tpu.memory_space<vmem>> -> memref<128x128xf32, #tpu.memory_space<vmem>>
      %dma_wait3A_52 = arith.constant 0 : i32
      %dma_wait3A_53 = tpu.memref_slice %arg7[%add3A_45, %dma_wait3A_52] : memref<81x128xi32, #tpu.memory_space<vmem>> -> memref<1x128xi32, #tpu.memory_space<vmem>>
      %dma_wait3A_54 = tpu.memref_squeeze %dma_wait3A_53 : memref<1x128xi32, #tpu.memory_space<vmem>> -> memref<128xi32, #tpu.memory_space<vmem>>
      %dma_wait3A_55 = arith.constant 0 : i32
      %dma_wait3A_56 = arith.constant 0 : i32
      %dma_wait3A_57 = tpu.memref_slice %arg2[%dma_wait3A_55, %dma_wait3A_56] : memref<10240x128xf32, #tpu.memory_space<hbm>> -> memref<10240x128xf32, #tpu.memory_space<hbm>>
      %dma_wait3A_58 = tpu.memref_slice %arg11[%dma_wait3A_47] : memref<1x!tpu.dma_semaphore, #tpu.memory_space<semaphore_mem>> -> memref<1x!tpu.dma_semaphore, #tpu.memory_space<semaphore_mem>>
      %dma_wait3A_59 = tpu.memref_squeeze %dma_wait3A_58 : memref<1x!tpu.dma_semaphore, #tpu.memory_space<semaphore_mem>> -> memref<!tpu.dma_semaphore, #tpu.memory_space<semaphore_mem>>
      tpu.wait_indirect_dma semaphore(%dma_wait3A_59 : memref<!tpu.dma_semaphore, #tpu.memory_space<semaphore_mem>>) src(%dma_wait3A_57 : memref<10240x128xf32, #tpu.memory_space<hbm>>) dst(%dma_wait3A_51 : memref<128x128xf32, #tpu.memory_space<vmem>>)
      %dma_start3A_60 = arith.constant 0 : i32
      %dma_start3A_61 = arith.constant 0 : i32
      %dma_start3A_62 = arith.constant 0 : i32
      %dma_start3A_63 = arith.constant 0 : i32
      %dma_start3A_64 = tpu.memref_slice %arg9[%dma_start3A_60, %dma_start3A_62, %dma_start3A_63] : memref<1x128x128xf32, #tpu.memory_space<vmem>> -> memref<1x128x128xf32, #tpu.memory_space<vmem>>
      %dma_start3A_65 = tpu.memref_squeeze %dma_start3A_64 : memref<1x128x128xf32, #tpu.memory_space<vmem>> -> memref<128x128xf32, #tpu.memory_space<vmem>>
      %dma_start3A_66 = arith.constant 0 : i32
      %dma_start3A_67 = tpu.memref_slice %arg8[%add3A_45, %dma_start3A_66] : memref<80x128xi32, #tpu.memory_space<vmem>> -> memref<1x128xi32, #tpu.memory_space<vmem>>
      %dma_start3A_68 = tpu.memref_squeeze %dma_start3A_67 : memref<1x128xi32, #tpu.memory_space<vmem>> -> memref<128xi32, #tpu.memory_space<vmem>>
      %dma_start3A_69 = arith.constant 0 : i32
      %dma_start3A_70 = arith.constant 0 : i32
      %dma_start3A_71 = tpu.memref_slice %arg10[%dma_start3A_69, %dma_start3A_70] : memref<10112x128xf32, #tpu.memory_space<vmem_shared>> -> memref<10112x128xf32, #tpu.memory_space<vmem_shared>>
      %dma_start3A_72 = tpu.memref_slice %arg12[%dma_start3A_61] : memref<1x!tpu.dma_semaphore, #tpu.memory_space<semaphore_mem>> -> memref<1x!tpu.dma_semaphore, #tpu.memory_space<semaphore_mem>>
      %dma_start3A_73 = tpu.memref_squeeze %dma_start3A_72 : memref<1x!tpu.dma_semaphore, #tpu.memory_space<semaphore_mem>> -> memref<!tpu.dma_semaphore, #tpu.memory_space<semaphore_mem>>
      tpu.enqueue_indirect_dma source(%dma_start3A_65 : memref<128x128xf32, #tpu.memory_space<vmem>>) target(%dma_start3A_71 : memref<10112x128xf32, #tpu.memory_space<vmem_shared>>) offsets(%dma_start3A_68 : memref<128xi32, #tpu.memory_space<vmem>>) semaphore(%dma_start3A_73 : memref<!tpu.dma_semaphore, #tpu.memory_space<semaphore_mem>>) {add = true}
      %dma_wait3A_74 = arith.constant 0 : i32
      %dma_wait3A_75 = arith.constant 0 : i32
      %dma_wait3A_76 = arith.constant 0 : i32
      %dma_wait3A_77 = arith.constant 0 : i32
      %dma_wait3A_78 = tpu.memref_slice %arg9[%dma_wait3A_74, %dma_wait3A_76, %dma_wait3A_77] : memref<1x128x128xf32, #tpu.memory_space<vmem>> -> memref<1x128x128xf32, #tpu.memory_space<vmem>>
      %dma_wait3A_79 = tpu.memref_squeeze %dma_wait3A_78 : memref<1x128x128xf32, #tpu.memory_space<vmem>> -> memref<128x128xf32, #tpu.memory_space<vmem>>
      %dma_wait3A_80 = arith.constant 0 : i32
      %dma_wait3A_81 = tpu.memref_slice %arg8[%add3A_45, %dma_wait3A_80] : memref<80x128xi32, #tpu.memory_space<vmem>> -> memref<1x128xi32, #tpu.memory_space<vmem>>
      %dma_wait3A_82 = tpu.memref_squeeze %dma_wait3A_81 : memref<1x128xi32, #tpu.memory_space<vmem>> -> memref<128xi32, #tpu.memory_space<vmem>>
      %dma_wait3A_83 = arith.constant 0 : i32
      %dma_wait3A_84 = arith.constant 0 : i32
      %dma_wait3A_85 = tpu.memref_slice %arg10[%dma_wait3A_83, %dma_wait3A_84] : memref<10112x128xf32, #tpu.memory_space<vmem_shared>> -> memref<10112x128xf32, #tpu.memory_space<vmem_shared>>
      %dma_wait3A_86 = tpu.memref_slice %arg12[%dma_wait3A_75] : memref<1x!tpu.dma_semaphore, #tpu.memory_space<semaphore_mem>> -> memref<1x!tpu.dma_semaphore, #tpu.memory_space<semaphore_mem>>
      %dma_wait3A_87 = tpu.memref_squeeze %dma_wait3A_86 : memref<1x!tpu.dma_semaphore, #tpu.memory_space<semaphore_mem>> -> memref<!tpu.dma_semaphore, #tpu.memory_space<semaphore_mem>>
      tpu.wait_indirect_dma semaphore(%dma_wait3A_87 : memref<!tpu.dma_semaphore, #tpu.memory_space<semaphore_mem>>) src(%dma_wait3A_79 : memref<128x128xf32, #tpu.memory_space<vmem>>) dst(%dma_wait3A_85 : memref<10112x128xf32, #tpu.memory_space<vmem_shared>>)
      %add3A_88 = arith.constant 1 : i32
      %add3A_89 = arith.addi %add3A_45, %add3A_88 : i32
      %dma_start3A_90 = arith.constant 0 : i32
      %dma_start3A_91 = arith.constant 0 : i32
      %dma_start3A_92 = arith.constant 0 : i32
      %dma_start3A_93 = arith.constant 0 : i32
      %dma_start3A_94 = tpu.memref_slice %arg9[%dma_start3A_90, %dma_start3A_92, %dma_start3A_93] : memref<1x128x128xf32, #tpu.memory_space<vmem>> -> memref<1x128x128xf32, #tpu.memory_space<vmem>>
      %dma_start3A_95 = tpu.memref_squeeze %dma_start3A_94 : memref<1x128x128xf32, #tpu.memory_space<vmem>> -> memref<128x128xf32, #tpu.memory_space<vmem>>
      %dma_start3A_96 = arith.constant 0 : i32
      %dma_start3A_97 = tpu.memref_slice %arg7[%add3A_89, %dma_start3A_96] : memref<81x128xi32, #tpu.memory_space<vmem>> -> memref<1x128xi32, #tpu.memory_space<vmem>>
      %dma_start3A_98 = tpu.memref_squeeze %dma_start3A_97 : memref<1x128xi32, #tpu.memory_space<vmem>> -> memref<128xi32, #tpu.memory_space<vmem>>
      %dma_start3A_99 = arith.constant 0 : i32
      %dma_start3A_100 = arith.constant 0 : i32
      %dma_start3A_101 = tpu.memref_slice %arg2[%dma_start3A_99, %dma_start3A_100] : memref<10240x128xf32, #tpu.memory_space<hbm>> -> memref<10240x128xf32, #tpu.memory_space<hbm>>
      %dma_start3A_102 = tpu.memref_slice %arg11[%dma_start3A_91] : memref<1x!tpu.dma_semaphore, #tpu.memory_space<semaphore_mem>> -> memref<1x!tpu.dma_semaphore, #tpu.memory_space<semaphore_mem>>
      %dma_start3A_103 = tpu.memref_squeeze %dma_start3A_102 : memref<1x!tpu.dma_semaphore, #tpu.memory_space<semaphore_mem>> -> memref<!tpu.dma_semaphore, #tpu.memory_space<semaphore_mem>>
      tpu.enqueue_indirect_dma source(%dma_start3A_101 : memref<10240x128xf32, #tpu.memory_space<hbm>>) target(%dma_start3A_95 : memref<128x128xf32, #tpu.memory_space<vmem>>) offsets(%dma_start3A_98 : memref<128xi32, #tpu.memory_space<vmem>>) semaphore(%dma_start3A_103 : memref<!tpu.dma_semaphore, #tpu.memory_space<semaphore_mem>>)
    }
    %scan3A_21 = arith.constant 80 : i32
    %dma_wait3A = arith.constant 80 : i32
    %dma_wait3A_22 = arith.constant 0 : i32
    %dma_wait3A_23 = arith.constant 0 : i32
    %dma_wait3A_24 = arith.constant 0 : i32
    %dma_wait3A_25 = arith.constant 0 : i32
    %dma_wait3A_26 = tpu.memref_slice %arg9[%dma_wait3A_22, %dma_wait3A_24, %dma_wait3A_25] : memref<1x128x128xf32, #tpu.memory_space<vmem>> -> memref<1x128x128xf32, #tpu.memory_space<vmem>>
    %dma_wait3A_27 = tpu.memref_squeeze %dma_wait3A_26 : memref<1x128x128xf32, #tpu.memory_space<vmem>> -> memref<128x128xf32, #tpu.memory_space<vmem>>
    %dma_wait3A_28 = arith.constant 0 : i32
    %dma_wait3A_29 = tpu.memref_slice %arg7[%dma_wait3A, %dma_wait3A_28] : memref<81x128xi32, #tpu.memory_space<vmem>> -> memref<1x128xi32, #tpu.memory_space<vmem>>
    %dma_wait3A_30 = tpu.memref_squeeze %dma_wait3A_29 : memref<1x128xi32, #tpu.memory_space<vmem>> -> memref<128xi32, #tpu.memory_space<vmem>>
    %dma_wait3A_31 = arith.constant 0 : i32
    %dma_wait3A_32 = arith.constant 0 : i32
    %dma_wait3A_33 = tpu.memref_slice %arg2[%dma_wait3A_31, %dma_wait3A_32] : memref<10240x128xf32, #tpu.memory_space<hbm>> -> memref<10240x128xf32, #tpu.memory_space<hbm>>
    %dma_wait3A_34 = tpu.memref_slice %arg11[%dma_wait3A_23] : memref<1x!tpu.dma_semaphore, #tpu.memory_space<semaphore_mem>> -> memref<1x!tpu.dma_semaphore, #tpu.memory_space<semaphore_mem>>
    %dma_wait3A_35 = tpu.memref_squeeze %dma_wait3A_34 : memref<1x!tpu.dma_semaphore, #tpu.memory_space<semaphore_mem>> -> memref<!tpu.dma_semaphore, #tpu.memory_space<semaphore_mem>>
    tpu.wait_indirect_dma semaphore(%dma_wait3A_35 : memref<!tpu.dma_semaphore, #tpu.memory_space<semaphore_mem>>) src(%dma_wait3A_33 : memref<10240x128xf32, #tpu.memory_space<hbm>>) dst(%dma_wait3A_27 : memref<128x128xf32, #tpu.memory_space<vmem>>)
    %barrier3A_36 = arith.constant 0 : index
    tpu.barrier barrier_id(%barrier3A_36)
    %mul3A_37 = arith.constant 632 : i32
    %mul3A_38 = arith.muli %arg1, %mul3A_37 : i32
    %mul3A_39 = arith.constant 632 : i32
    %mul3A_40 = arith.muli %arg1, %mul3A_39 : i32
    "tpu.region"() ({
      %run_scoped3A = tpu.sem_alloc : memref<!tpu.dma_semaphore, #tpu.memory_space<semaphore_mem>>
      %dma_start3A_41 = arith.constant 0 : i32
      %dma_start3A_42 = tpu.memref_slice %arg6[%arg0, %mul3A_40, %dma_start3A_41] : memref<2x10240x128xf32, #tpu.memory_space<hbm>> -> memref<1x632x128xf32, #tpu.memory_space<hbm>>
      %dma_start3A_43 = tpu.memref_squeeze %dma_start3A_42 : memref<1x632x128xf32, #tpu.memory_space<hbm>> -> memref<632x128xf32, #tpu.memory_space<hbm>>
      %dma_start3A_44 = arith.constant 0 : i32
      %dma_start3A_45 = tpu.memref_slice %arg10[%mul3A_38, %dma_start3A_44] : memref<10112x128xf32, #tpu.memory_space<vmem_shared>> -> memref<632x128xf32, #tpu.memory_space<vmem_shared>>
      tpu.enqueue_dma source(%dma_start3A_45 : memref<632x128xf32, #tpu.memory_space<vmem_shared>>) target(%dma_start3A_43 : memref<632x128xf32, #tpu.memory_space<hbm>>) target_semaphore(%run_scoped3A : memref<!tpu.dma_semaphore, #tpu.memory_space<semaphore_mem>>)
      %dma_wait3A_46 = arith.constant 0 : i32
      %dma_wait3A_47 = tpu.memref_slice %arg6[%arg0, %mul3A_40, %dma_wait3A_46] : memref<2x10240x128xf32, #tpu.memory_space<hbm>> -> memref<1x632x128xf32, #tpu.memory_space<hbm>>
      %dma_wait3A_48 = tpu.memref_squeeze %dma_wait3A_47 : memref<1x632x128xf32, #tpu.memory_space<hbm>> -> memref<632x128xf32, #tpu.memory_space<hbm>>
      %dma_wait3A_49 = arith.constant 0 : i32
      %dma_wait3A_50 = tpu.memref_slice %arg10[%mul3A_38, %dma_wait3A_49] : memref<10112x128xf32, #tpu.memory_space<vmem_shared>> -> memref<632x128xf32, #tpu.memory_space<vmem_shared>>
      tpu.wait_dma2 semaphore(%run_scoped3A : memref<!tpu.dma_semaphore, #tpu.memory_space<semaphore_mem>>) src(%dma_wait3A_50 : memref<632x128xf32, #tpu.memory_space<vmem_shared>>) dst(%dma_wait3A_48 : memref<632x128xf32, #tpu.memory_space<hbm>>)
      tpu.yield
    }) : () -> ()
    return
  }
}

#map = affine_map<(d0, d1) -> (0, 0)>
#map1 = affine_map<(d0, d1) -> (0, 0, 0)>
module attributes {stable_mosaic.version = 14 : i64} {
  func.func @_agg_kernel(%arg0: i32, %arg1: i32, %arg2: memref<10240x128xf32, #tpu.memory_space<hbm>>, %arg3: memref<32x81x128xi32, #tpu.memory_space<hbm>>, %arg4: memref<32x80x128xi32, #tpu.memory_space<hbm>>, %arg5: memref<632x128xf32, #tpu.memory_space<hbm>>, %arg6: memref<2x10240x128xf32, #tpu.memory_space<hbm>>, %arg7: memref<81x128xi32, #tpu.memory_space<vmem>>, %arg8: memref<80x128xi32, #tpu.memory_space<vmem>>, %arg9: memref<1x128x128xf32, #tpu.memory_space<vmem>>, %arg10: memref<10112x128xf32, #tpu.memory_space<vmem_shared>>, %arg11: memref<1x!tpu.dma_semaphore, #tpu.memory_space<semaphore_mem>>, %arg12: memref<1x!tpu.dma_semaphore, #tpu.memory_space<semaphore_mem>>) attributes {dimension_semantics = [#tpu.dimension_semantics<core_parallel>, #tpu.dimension_semantics<subcore_parallel>], iteration_bounds = array<i64: 2, 16>, scalar_prefetch = 0 : i64, scratch_operands = 6 : i64, tpu.core_type = #tpu.core_type<sc_vector_subcore>, window_params = [{transform_indices = #map}, {transform_indices = #map1}, {transform_indices = #map1}, {transform_indices = #map}, {transform_indices = #map1}]} {
    %mul3A = arith.constant 2 : i32
    %mul3A_0 = arith.muli %arg1, %mul3A : i32
    %add3A = arith.addi %mul3A_0, %arg0 : i32
    %mul3A_1 = arith.constant 632 : i32
    %mul3A_2 = arith.muli %arg1, %mul3A_1 : i32
    "tpu.region"() ({
      %run_scoped3A = tpu.sem_alloc : memref<!tpu.dma_semaphore, #tpu.memory_space<semaphore_mem>>
      %dma_start3A_41 = arith.constant 0 : i32
      %dma_start3A_42 = tpu.memref_slice %arg10[%mul3A_2, %dma_start3A_41] : memref<10112x128xf32, #tpu.memory_space<vmem_shared>> -> memref<632x128xf32, #tpu.memory_space<vmem_shared>>
      tpu.enqueue_dma source(%arg5 : memref<632x128xf32, #tpu.memory_space<hbm>>) target(%dma_start3A_42 : memref<632x128xf32, #tpu.memory_space<vmem_shared>>) target_semaphore(%run_scoped3A : memref<!tpu.dma_semaphore, #tpu.memory_space<semaphore_mem>>)
      %dma_wait3A_43 = arith.constant 0 : i32
      %dma_wait3A_44 = tpu.memref_slice %arg10[%mul3A_2, %dma_wait3A_43] : memref<10112x128xf32, #tpu.memory_space<vmem_shared>> -> memref<632x128xf32, #tpu.memory_space<vmem_shared>>
      tpu.wait_dma2 semaphore(%run_scoped3A : memref<!tpu.dma_semaphore, #tpu.memory_space<semaphore_mem>>) src(%arg5 : memref<632x128xf32, #tpu.memory_space<hbm>>) dst(%dma_wait3A_44 : memref<632x128xf32, #tpu.memory_space<vmem_shared>>)
      tpu.yield
    }) : () -> ()
    "tpu.region"() ({
      %run_scoped3A = tpu.sem_alloc : memref<!tpu.dma_semaphore, #tpu.memory_space<semaphore_mem>>
      %dma_start3A_41 = arith.constant 0 : i32
      %dma_start3A_42 = arith.constant 0 : i32
      %dma_start3A_43 = tpu.memref_slice %arg3[%add3A, %dma_start3A_41, %dma_start3A_42] : memref<32x81x128xi32, #tpu.memory_space<hbm>> -> memref<1x81x128xi32, #tpu.memory_space<hbm>>
      %dma_start3A_44 = tpu.memref_squeeze %dma_start3A_43 : memref<1x81x128xi32, #tpu.memory_space<hbm>> -> memref<81x128xi32, #tpu.memory_space<hbm>>
      %dma_start3A_45 = arith.constant 0 : i32
      %dma_start3A_46 = arith.constant 0 : i32
      %dma_start3A_47 = tpu.memref_slice %arg3[%add3A, %dma_start3A_45, %dma_start3A_46] : memref<32x81x128xi32, #tpu.memory_space<hbm>> -> memref<1x81x128xi32, #tpu.memory_space<hbm>>
      %dma_start3A_48 = tpu.memref_squeeze %dma_start3A_47 : memref<1x81x128xi32, #tpu.memory_space<hbm>> -> memref<81x128xi32, #tpu.memory_space<hbm>>
      tpu.enqueue_dma source(%dma_start3A_48 : memref<81x128xi32, #tpu.memory_space<hbm>>) target(%arg7 : memref<81x128xi32, #tpu.memory_space<vmem>>) target_semaphore(%run_scoped3A : memref<!tpu.dma_semaphore, #tpu.memory_space<semaphore_mem>>)
      %dma_wait3A_49 = arith.constant 0 : i32
      %dma_wait3A_50 = arith.constant 0 : i32
      %dma_wait3A_51 = tpu.memref_slice %arg3[%add3A, %dma_wait3A_49, %dma_wait3A_50] : memref<32x81x128xi32, #tpu.memory_space<hbm>> -> memref<1x81x128xi32, #tpu.memory_space<hbm>>
      %dma_wait3A_52 = tpu.memref_squeeze %dma_wait3A_51 : memref<1x81x128xi32, #tpu.memory_space<hbm>> -> memref<81x128xi32, #tpu.memory_space<hbm>>
      %dma_wait3A_53 = arith.constant 0 : i32
      %dma_wait3A_54 = arith.constant 0 : i32
      %dma_wait3A_55 = tpu.memref_slice %arg3[%add3A, %dma_wait3A_53, %dma_wait3A_54] : memref<32x81x128xi32, #tpu.memory_space<hbm>> -> memref<1x81x128xi32, #tpu.memory_space<hbm>>
      %dma_wait3A_56 = tpu.memref_squeeze %dma_wait3A_55 : memref<1x81x128xi32, #tpu.memory_space<hbm>> -> memref<81x128xi32, #tpu.memory_space<hbm>>
      tpu.wait_dma2 semaphore(%run_scoped3A : memref<!tpu.dma_semaphore, #tpu.memory_space<semaphore_mem>>) src(%dma_wait3A_56 : memref<81x128xi32, #tpu.memory_space<hbm>>) dst(%arg7 : memref<81x128xi32, #tpu.memory_space<vmem>>)
      tpu.yield
    }) : () -> ()
    "tpu.region"() ({
      %run_scoped3A = tpu.sem_alloc : memref<!tpu.dma_semaphore, #tpu.memory_space<semaphore_mem>>
      %dma_start3A_41 = arith.constant 0 : i32
      %dma_start3A_42 = arith.constant 0 : i32
      %dma_start3A_43 = tpu.memref_slice %arg4[%add3A, %dma_start3A_41, %dma_start3A_42] : memref<32x80x128xi32, #tpu.memory_space<hbm>> -> memref<1x80x128xi32, #tpu.memory_space<hbm>>
      %dma_start3A_44 = tpu.memref_squeeze %dma_start3A_43 : memref<1x80x128xi32, #tpu.memory_space<hbm>> -> memref<80x128xi32, #tpu.memory_space<hbm>>
      %dma_start3A_45 = arith.constant 0 : i32
      %dma_start3A_46 = arith.constant 0 : i32
      %dma_start3A_47 = tpu.memref_slice %arg4[%add3A, %dma_start3A_45, %dma_start3A_46] : memref<32x80x128xi32, #tpu.memory_space<hbm>> -> memref<1x80x128xi32, #tpu.memory_space<hbm>>
      %dma_start3A_48 = tpu.memref_squeeze %dma_start3A_47 : memref<1x80x128xi32, #tpu.memory_space<hbm>> -> memref<80x128xi32, #tpu.memory_space<hbm>>
      tpu.enqueue_dma source(%dma_start3A_48 : memref<80x128xi32, #tpu.memory_space<hbm>>) target(%arg8 : memref<80x128xi32, #tpu.memory_space<vmem>>) target_semaphore(%run_scoped3A : memref<!tpu.dma_semaphore, #tpu.memory_space<semaphore_mem>>)
      %dma_wait3A_49 = arith.constant 0 : i32
      %dma_wait3A_50 = arith.constant 0 : i32
      %dma_wait3A_51 = tpu.memref_slice %arg4[%add3A, %dma_wait3A_49, %dma_wait3A_50] : memref<32x80x128xi32, #tpu.memory_space<hbm>> -> memref<1x80x128xi32, #tpu.memory_space<hbm>>
      %dma_wait3A_52 = tpu.memref_squeeze %dma_wait3A_51 : memref<1x80x128xi32, #tpu.memory_space<hbm>> -> memref<80x128xi32, #tpu.memory_space<hbm>>
      %dma_wait3A_53 = arith.constant 0 : i32
      %dma_wait3A_54 = arith.constant 0 : i32
      %dma_wait3A_55 = tpu.memref_slice %arg4[%add3A, %dma_wait3A_53, %dma_wait3A_54] : memref<32x80x128xi32, #tpu.memory_space<hbm>> -> memref<1x80x128xi32, #tpu.memory_space<hbm>>
      %dma_wait3A_56 = tpu.memref_squeeze %dma_wait3A_55 : memref<1x80x128xi32, #tpu.memory_space<hbm>> -> memref<80x128xi32, #tpu.memory_space<hbm>>
      tpu.wait_dma2 semaphore(%run_scoped3A : memref<!tpu.dma_semaphore, #tpu.memory_space<semaphore_mem>>) src(%dma_wait3A_56 : memref<80x128xi32, #tpu.memory_space<hbm>>) dst(%arg8 : memref<80x128xi32, #tpu.memory_space<vmem>>)
      tpu.yield
    }) : () -> ()
    %barrier3A = arith.constant 0 : index
    tpu.barrier barrier_id(%barrier3A)
    %dma_start3A = arith.constant 0 : i32
    %dma_start3A_3 = arith.constant 0 : i32
    %dma_start3A_4 = arith.constant 0 : i32
    %dma_start3A_5 = arith.constant 0 : i32
    %dma_start3A_6 = arith.constant 0 : i32
    %dma_start3A_7 = tpu.memref_slice %arg9[%dma_start3A_3, %dma_start3A_5, %dma_start3A_6] : memref<1x128x128xf32, #tpu.memory_space<vmem>> -> memref<1x128x128xf32, #tpu.memory_space<vmem>>
    %dma_start3A_8 = tpu.memref_squeeze %dma_start3A_7 : memref<1x128x128xf32, #tpu.memory_space<vmem>> -> memref<128x128xf32, #tpu.memory_space<vmem>>
    %dma_start3A_9 = arith.constant 0 : i32
    %dma_start3A_10 = tpu.memref_slice %arg7[%dma_start3A, %dma_start3A_9] : memref<81x128xi32, #tpu.memory_space<vmem>> -> memref<1x128xi32, #tpu.memory_space<vmem>>
    %dma_start3A_11 = tpu.memref_squeeze %dma_start3A_10 : memref<1x128xi32, #tpu.memory_space<vmem>> -> memref<128xi32, #tpu.memory_space<vmem>>
    %dma_start3A_12 = arith.constant 0 : i32
    %dma_start3A_13 = arith.constant 0 : i32
    %dma_start3A_14 = tpu.memref_slice %arg2[%dma_start3A_12, %dma_start3A_13] : memref<10240x128xf32, #tpu.memory_space<hbm>> -> memref<10240x128xf32, #tpu.memory_space<hbm>>
    %dma_start3A_15 = tpu.memref_slice %arg11[%dma_start3A_4] : memref<1x!tpu.dma_semaphore, #tpu.memory_space<semaphore_mem>> -> memref<1x!tpu.dma_semaphore, #tpu.memory_space<semaphore_mem>>
    %dma_start3A_16 = tpu.memref_squeeze %dma_start3A_15 : memref<1x!tpu.dma_semaphore, #tpu.memory_space<semaphore_mem>> -> memref<!tpu.dma_semaphore, #tpu.memory_space<semaphore_mem>>
    tpu.enqueue_indirect_dma source(%dma_start3A_14 : memref<10240x128xf32, #tpu.memory_space<hbm>>) target(%dma_start3A_8 : memref<128x128xf32, #tpu.memory_space<vmem>>) offsets(%dma_start3A_11 : memref<128xi32, #tpu.memory_space<vmem>>) semaphore(%dma_start3A_16 : memref<!tpu.dma_semaphore, #tpu.memory_space<semaphore_mem>>)
    %scan3A = arith.constant 0 : i32
    %scan3A_17 = arith.constant 0 : i32
    %scan3A_18 = arith.constant 80 : i32
    %scan3A_19 = arith.addi %scan3A_17, %scan3A_18 : i32
    %scan3A_20 = arith.constant 1 : i32
    scf.for %scan3A_41 = %scan3A_17 to %scan3A_19 step %scan3A_20  : i32 {
      %mul3A_42 = arith.constant 1 : i32
      %mul3A_43 = arith.muli %scan3A_41, %mul3A_42 : i32
      %add3A_44 = arith.constant 0 : i32
      %add3A_45 = arith.addi %mul3A_43, %add3A_44 : i32
      %dma_wait3A_46 = arith.constant 0 : i32
      %dma_wait3A_47 = arith.constant 0 : i32
      %dma_wait3A_48 = arith.constant 0 : i32
      %dma_wait3A_49 = arith.constant 0 : i32
      %dma_wait3A_50 = tpu.memref_slice %arg9[%dma_wait3A_46, %dma_wait3A_48, %dma_wait3A_49] : memref<1x128x128xf32, #tpu.memory_space<vmem>> -> memref<1x128x128xf32, #tpu.memory_space<vmem>>
      %dma_wait3A_51 = tpu.memref_squeeze %dma_wait3A_50 : memref<1x128x128xf32, #tpu.memory_space<vmem>> -> memref<128x128xf32, #tpu.memory_space<vmem>>
      %dma_wait3A_52 = arith.constant 0 : i32
      %dma_wait3A_53 = tpu.memref_slice %arg7[%add3A_45, %dma_wait3A_52] : memref<81x128xi32, #tpu.memory_space<vmem>> -> memref<1x128xi32, #tpu.memory_space<vmem>>
      %dma_wait3A_54 = tpu.memref_squeeze %dma_wait3A_53 : memref<1x128xi32, #tpu.memory_space<vmem>> -> memref<128xi32, #tpu.memory_space<vmem>>
      %dma_wait3A_55 = arith.constant 0 : i32
      %dma_wait3A_56 = arith.constant 0 : i32
      %dma_wait3A_57 = tpu.memref_slice %arg2[%dma_wait3A_55, %dma_wait3A_56] : memref<10240x128xf32, #tpu.memory_space<hbm>> -> memref<10240x128xf32, #tpu.memory_space<hbm>>
      %dma_wait3A_58 = tpu.memref_slice %arg11[%dma_wait3A_47] : memref<1x!tpu.dma_semaphore, #tpu.memory_space<semaphore_mem>> -> memref<1x!tpu.dma_semaphore, #tpu.memory_space<semaphore_mem>>
      %dma_wait3A_59 = tpu.memref_squeeze %dma_wait3A_58 : memref<1x!tpu.dma_semaphore, #tpu.memory_space<semaphore_mem>> -> memref<!tpu.dma_semaphore, #tpu.memory_space<semaphore_mem>>
      tpu.wait_indirect_dma semaphore(%dma_wait3A_59 : memref<!tpu.dma_semaphore, #tpu.memory_space<semaphore_mem>>) src(%dma_wait3A_57 : memref<10240x128xf32, #tpu.memory_space<hbm>>) dst(%dma_wait3A_51 : memref<128x128xf32, #tpu.memory_space<vmem>>)
      %dma_start3A_60 = arith.constant 0 : i32
      %dma_start3A_61 = arith.constant 0 : i32
      %dma_start3A_62 = arith.constant 0 : i32
      %dma_start3A_63 = arith.constant 0 : i32
      %dma_start3A_64 = tpu.memref_slice %arg9[%dma_start3A_60, %dma_start3A_62, %dma_start3A_63] : memref<1x128x128xf32, #tpu.memory_space<vmem>> -> memref<1x128x128xf32, #tpu.memory_space<vmem>>
      %dma_start3A_65 = tpu.memref_squeeze %dma_start3A_64 : memref<1x128x128xf32, #tpu.memory_space<vmem>> -> memref<128x128xf32, #tpu.memory_space<vmem>>
      %dma_start3A_66 = arith.constant 0 : i32
      %dma_start3A_67 = tpu.memref_slice %arg8[%add3A_45, %dma_start3A_66] : memref<80x128xi32, #tpu.memory_space<vmem>> -> memref<1x128xi32, #tpu.memory_space<vmem>>
      %dma_start3A_68 = tpu.memref_squeeze %dma_start3A_67 : memref<1x128xi32, #tpu.memory_space<vmem>> -> memref<128xi32, #tpu.memory_space<vmem>>
      %dma_start3A_69 = arith.constant 0 : i32
      %dma_start3A_70 = arith.constant 0 : i32
      %dma_start3A_71 = tpu.memref_slice %arg10[%dma_start3A_69, %dma_start3A_70] : memref<10112x128xf32, #tpu.memory_space<vmem_shared>> -> memref<10112x128xf32, #tpu.memory_space<vmem_shared>>
      %dma_start3A_72 = tpu.memref_slice %arg12[%dma_start3A_61] : memref<1x!tpu.dma_semaphore, #tpu.memory_space<semaphore_mem>> -> memref<1x!tpu.dma_semaphore, #tpu.memory_space<semaphore_mem>>
      %dma_start3A_73 = tpu.memref_squeeze %dma_start3A_72 : memref<1x!tpu.dma_semaphore, #tpu.memory_space<semaphore_mem>> -> memref<!tpu.dma_semaphore, #tpu.memory_space<semaphore_mem>>
      tpu.enqueue_indirect_dma source(%dma_start3A_65 : memref<128x128xf32, #tpu.memory_space<vmem>>) target(%dma_start3A_71 : memref<10112x128xf32, #tpu.memory_space<vmem_shared>>) offsets(%dma_start3A_68 : memref<128xi32, #tpu.memory_space<vmem>>) semaphore(%dma_start3A_73 : memref<!tpu.dma_semaphore, #tpu.memory_space<semaphore_mem>>) {add = true}
      %dma_wait3A_74 = arith.constant 0 : i32
      %dma_wait3A_75 = arith.constant 0 : i32
      %dma_wait3A_76 = arith.constant 0 : i32
      %dma_wait3A_77 = arith.constant 0 : i32
      %dma_wait3A_78 = tpu.memref_slice %arg9[%dma_wait3A_74, %dma_wait3A_76, %dma_wait3A_77] : memref<1x128x128xf32, #tpu.memory_space<vmem>> -> memref<1x128x128xf32, #tpu.memory_space<vmem>>
      %dma_wait3A_79 = tpu.memref_squeeze %dma_wait3A_78 : memref<1x128x128xf32, #tpu.memory_space<vmem>> -> memref<128x128xf32, #tpu.memory_space<vmem>>
      %dma_wait3A_80 = arith.constant 0 : i32
      %dma_wait3A_81 = tpu.memref_slice %arg8[%add3A_45, %dma_wait3A_80] : memref<80x128xi32, #tpu.memory_space<vmem>> -> memref<1x128xi32, #tpu.memory_space<vmem>>
      %dma_wait3A_82 = tpu.memref_squeeze %dma_wait3A_81 : memref<1x128xi32, #tpu.memory_space<vmem>> -> memref<128xi32, #tpu.memory_space<vmem>>
      %dma_wait3A_83 = arith.constant 0 : i32
      %dma_wait3A_84 = arith.constant 0 : i32
      %dma_wait3A_85 = tpu.memref_slice %arg10[%dma_wait3A_83, %dma_wait3A_84] : memref<10112x128xf32, #tpu.memory_space<vmem_shared>> -> memref<10112x128xf32, #tpu.memory_space<vmem_shared>>
      %dma_wait3A_86 = tpu.memref_slice %arg12[%dma_wait3A_75] : memref<1x!tpu.dma_semaphore, #tpu.memory_space<semaphore_mem>> -> memref<1x!tpu.dma_semaphore, #tpu.memory_space<semaphore_mem>>
      %dma_wait3A_87 = tpu.memref_squeeze %dma_wait3A_86 : memref<1x!tpu.dma_semaphore, #tpu.memory_space<semaphore_mem>> -> memref<!tpu.dma_semaphore, #tpu.memory_space<semaphore_mem>>
      tpu.wait_indirect_dma semaphore(%dma_wait3A_87 : memref<!tpu.dma_semaphore, #tpu.memory_space<semaphore_mem>>) src(%dma_wait3A_79 : memref<128x128xf32, #tpu.memory_space<vmem>>) dst(%dma_wait3A_85 : memref<10112x128xf32, #tpu.memory_space<vmem_shared>>)
      %add3A_88 = arith.constant 1 : i32
      %add3A_89 = arith.addi %add3A_45, %add3A_88 : i32
      %dma_start3A_90 = arith.constant 0 : i32
      %dma_start3A_91 = arith.constant 0 : i32
      %dma_start3A_92 = arith.constant 0 : i32
      %dma_start3A_93 = arith.constant 0 : i32
      %dma_start3A_94 = tpu.memref_slice %arg9[%dma_start3A_90, %dma_start3A_92, %dma_start3A_93] : memref<1x128x128xf32, #tpu.memory_space<vmem>> -> memref<1x128x128xf32, #tpu.memory_space<vmem>>
      %dma_start3A_95 = tpu.memref_squeeze %dma_start3A_94 : memref<1x128x128xf32, #tpu.memory_space<vmem>> -> memref<128x128xf32, #tpu.memory_space<vmem>>
      %dma_start3A_96 = arith.constant 0 : i32
      %dma_start3A_97 = tpu.memref_slice %arg7[%add3A_89, %dma_start3A_96] : memref<81x128xi32, #tpu.memory_space<vmem>> -> memref<1x128xi32, #tpu.memory_space<vmem>>
      %dma_start3A_98 = tpu.memref_squeeze %dma_start3A_97 : memref<1x128xi32, #tpu.memory_space<vmem>> -> memref<128xi32, #tpu.memory_space<vmem>>
      %dma_start3A_99 = arith.constant 0 : i32
      %dma_start3A_100 = arith.constant 0 : i32
      %dma_start3A_101 = tpu.memref_slice %arg2[%dma_start3A_99, %dma_start3A_100] : memref<10240x128xf32, #tpu.memory_space<hbm>> -> memref<10240x128xf32, #tpu.memory_space<hbm>>
      %dma_start3A_102 = tpu.memref_slice %arg11[%dma_start3A_91] : memref<1x!tpu.dma_semaphore, #tpu.memory_space<semaphore_mem>> -> memref<1x!tpu.dma_semaphore, #tpu.memory_space<semaphore_mem>>
      %dma_start3A_103 = tpu.memref_squeeze %dma_start3A_102 : memref<1x!tpu.dma_semaphore, #tpu.memory_space<semaphore_mem>> -> memref<!tpu.dma_semaphore, #tpu.memory_space<semaphore_mem>>
      tpu.enqueue_indirect_dma source(%dma_start3A_101 : memref<10240x128xf32, #tpu.memory_space<hbm>>) target(%dma_start3A_95 : memref<128x128xf32, #tpu.memory_space<vmem>>) offsets(%dma_start3A_98 : memref<128xi32, #tpu.memory_space<vmem>>) semaphore(%dma_start3A_103 : memref<!tpu.dma_semaphore, #tpu.memory_space<semaphore_mem>>)
    }
    %scan3A_21 = arith.constant 80 : i32
    %dma_wait3A = arith.constant 80 : i32
    %dma_wait3A_22 = arith.constant 0 : i32
    %dma_wait3A_23 = arith.constant 0 : i32
    %dma_wait3A_24 = arith.constant 0 : i32
    %dma_wait3A_25 = arith.constant 0 : i32
    %dma_wait3A_26 = tpu.memref_slice %arg9[%dma_wait3A_22, %dma_wait3A_24, %dma_wait3A_25] : memref<1x128x128xf32, #tpu.memory_space<vmem>> -> memref<1x128x128xf32, #tpu.memory_space<vmem>>
    %dma_wait3A_27 = tpu.memref_squeeze %dma_wait3A_26 : memref<1x128x128xf32, #tpu.memory_space<vmem>> -> memref<128x128xf32, #tpu.memory_space<vmem>>
    %dma_wait3A_28 = arith.constant 0 : i32
    %dma_wait3A_29 = tpu.memref_slice %arg7[%dma_wait3A, %dma_wait3A_28] : memref<81x128xi32, #tpu.memory_space<vmem>> -> memref<1x128xi32, #tpu.memory_space<vmem>>
    %dma_wait3A_30 = tpu.memref_squeeze %dma_wait3A_29 : memref<1x128xi32, #tpu.memory_space<vmem>> -> memref<128xi32, #tpu.memory_space<vmem>>
    %dma_wait3A_31 = arith.constant 0 : i32
    %dma_wait3A_32 = arith.constant 0 : i32
    %dma_wait3A_33 = tpu.memref_slice %arg2[%dma_wait3A_31, %dma_wait3A_32] : memref<10240x128xf32, #tpu.memory_space<hbm>> -> memref<10240x128xf32, #tpu.memory_space<hbm>>
    %dma_wait3A_34 = tpu.memref_slice %arg11[%dma_wait3A_23] : memref<1x!tpu.dma_semaphore, #tpu.memory_space<semaphore_mem>> -> memref<1x!tpu.dma_semaphore, #tpu.memory_space<semaphore_mem>>
    %dma_wait3A_35 = tpu.memref_squeeze %dma_wait3A_34 : memref<1x!tpu.dma_semaphore, #tpu.memory_space<semaphore_mem>> -> memref<!tpu.dma_semaphore, #tpu.memory_space<semaphore_mem>>
    tpu.wait_indirect_dma semaphore(%dma_wait3A_35 : memref<!tpu.dma_semaphore, #tpu.memory_space<semaphore_mem>>) src(%dma_wait3A_33 : memref<10240x128xf32, #tpu.memory_space<hbm>>) dst(%dma_wait3A_27 : memref<128x128xf32, #tpu.memory_space<vmem>>)
    %barrier3A_36 = arith.constant 0 : index
    tpu.barrier barrier_id(%barrier3A_36)
    %mul3A_37 = arith.constant 632 : i32
    %mul3A_38 = arith.muli %arg1, %mul3A_37 : i32
    %mul3A_39 = arith.constant 632 : i32
    %mul3A_40 = arith.muli %arg1, %mul3A_39 : i32
    "tpu.region"() ({
      %run_scoped3A = tpu.sem_alloc : memref<!tpu.dma_semaphore, #tpu.memory_space<semaphore_mem>>
      %dma_start3A_41 = arith.constant 0 : i32
      %dma_start3A_42 = tpu.memref_slice %arg6[%arg0, %mul3A_40, %dma_start3A_41] : memref<2x10240x128xf32, #tpu.memory_space<hbm>> -> memref<1x632x128xf32, #tpu.memory_space<hbm>>
      %dma_start3A_43 = tpu.memref_squeeze %dma_start3A_42 : memref<1x632x128xf32, #tpu.memory_space<hbm>> -> memref<632x128xf32, #tpu.memory_space<hbm>>
      %dma_start3A_44 = arith.constant 0 : i32
      %dma_start3A_45 = tpu.memref_slice %arg10[%mul3A_38, %dma_start3A_44] : memref<10112x128xf32, #tpu.memory_space<vmem_shared>> -> memref<632x128xf32, #tpu.memory_space<vmem_shared>>
      tpu.enqueue_dma source(%dma_start3A_45 : memref<632x128xf32, #tpu.memory_space<vmem_shared>>) target(%dma_start3A_43 : memref<632x128xf32, #tpu.memory_space<hbm>>) target_semaphore(%run_scoped3A : memref<!tpu.dma_semaphore, #tpu.memory_space<semaphore_mem>>)
      %dma_wait3A_46 = arith.constant 0 : i32
      %dma_wait3A_47 = tpu.memref_slice %arg6[%arg0, %mul3A_40, %dma_wait3A_46] : memref<2x10240x128xf32, #tpu.memory_space<hbm>> -> memref<1x632x128xf32, #tpu.memory_space<hbm>>
      %dma_wait3A_48 = tpu.memref_squeeze %dma_wait3A_47 : memref<1x632x128xf32, #tpu.memory_space<hbm>> -> memref<632x128xf32, #tpu.memory_space<hbm>>
      %dma_wait3A_49 = arith.constant 0 : i32
      %dma_wait3A_50 = tpu.memref_slice %arg10[%mul3A_38, %dma_wait3A_49] : memref<10112x128xf32, #tpu.memory_space<vmem_shared>> -> memref<632x128xf32, #tpu.memory_space<vmem_shared>>
      tpu.wait_dma2 semaphore(%run_scoped3A : memref<!tpu.dma_semaphore, #tpu.memory_space<semaphore_mem>>) src(%dma_wait3A_50 : memref<632x128xf32, #tpu.memory_space<vmem_shared>>) dst(%dma_wait3A_48 : memref<632x128xf32, #tpu.memory_space<hbm>>)
      tpu.yield
    }) : () -> ()
    return
  }
}

#map = affine_map<(d0, d1) -> (0, 0)>
#map1 = affine_map<(d0, d1) -> (0, 0, 0)>
module attributes {stable_mosaic.version = 14 : i64} {
  func.func @_agg_kernel(%arg0: i32, %arg1: i32, %arg2: memref<10240x128xf32, #tpu.memory_space<hbm>>, %arg3: memref<32x81x128xi32, #tpu.memory_space<hbm>>, %arg4: memref<32x80x128xi32, #tpu.memory_space<hbm>>, %arg5: memref<632x128xf32, #tpu.memory_space<hbm>>, %arg6: memref<2x10240x128xf32, #tpu.memory_space<hbm>>, %arg7: memref<81x128xi32, #tpu.memory_space<vmem>>, %arg8: memref<80x128xi32, #tpu.memory_space<vmem>>, %arg9: memref<1x128x128xf32, #tpu.memory_space<vmem>>, %arg10: memref<10112x128xf32, #tpu.memory_space<vmem_shared>>, %arg11: memref<1x!tpu.dma_semaphore, #tpu.memory_space<semaphore_mem>>, %arg12: memref<1x!tpu.dma_semaphore, #tpu.memory_space<semaphore_mem>>) attributes {dimension_semantics = [#tpu.dimension_semantics<core_parallel>, #tpu.dimension_semantics<subcore_parallel>], iteration_bounds = array<i64: 2, 16>, scalar_prefetch = 0 : i64, scratch_operands = 6 : i64, tpu.core_type = #tpu.core_type<sc_vector_subcore>, window_params = [{transform_indices = #map}, {transform_indices = #map1}, {transform_indices = #map1}, {transform_indices = #map}, {transform_indices = #map1}]} {
    %mul3A = arith.constant 2 : i32
    %mul3A_0 = arith.muli %arg1, %mul3A : i32
    %add3A = arith.addi %mul3A_0, %arg0 : i32
    %mul3A_1 = arith.constant 632 : i32
    %mul3A_2 = arith.muli %arg1, %mul3A_1 : i32
    "tpu.region"() ({
      %run_scoped3A = tpu.sem_alloc : memref<!tpu.dma_semaphore, #tpu.memory_space<semaphore_mem>>
      %dma_start3A_41 = arith.constant 0 : i32
      %dma_start3A_42 = tpu.memref_slice %arg10[%mul3A_2, %dma_start3A_41] : memref<10112x128xf32, #tpu.memory_space<vmem_shared>> -> memref<632x128xf32, #tpu.memory_space<vmem_shared>>
      tpu.enqueue_dma source(%arg5 : memref<632x128xf32, #tpu.memory_space<hbm>>) target(%dma_start3A_42 : memref<632x128xf32, #tpu.memory_space<vmem_shared>>) target_semaphore(%run_scoped3A : memref<!tpu.dma_semaphore, #tpu.memory_space<semaphore_mem>>)
      %dma_wait3A_43 = arith.constant 0 : i32
      %dma_wait3A_44 = tpu.memref_slice %arg10[%mul3A_2, %dma_wait3A_43] : memref<10112x128xf32, #tpu.memory_space<vmem_shared>> -> memref<632x128xf32, #tpu.memory_space<vmem_shared>>
      tpu.wait_dma2 semaphore(%run_scoped3A : memref<!tpu.dma_semaphore, #tpu.memory_space<semaphore_mem>>) src(%arg5 : memref<632x128xf32, #tpu.memory_space<hbm>>) dst(%dma_wait3A_44 : memref<632x128xf32, #tpu.memory_space<vmem_shared>>)
      tpu.yield
    }) : () -> ()
    "tpu.region"() ({
      %run_scoped3A = tpu.sem_alloc : memref<!tpu.dma_semaphore, #tpu.memory_space<semaphore_mem>>
      %dma_start3A_41 = arith.constant 0 : i32
      %dma_start3A_42 = arith.constant 0 : i32
      %dma_start3A_43 = tpu.memref_slice %arg3[%add3A, %dma_start3A_41, %dma_start3A_42] : memref<32x81x128xi32, #tpu.memory_space<hbm>> -> memref<1x81x128xi32, #tpu.memory_space<hbm>>
      %dma_start3A_44 = tpu.memref_squeeze %dma_start3A_43 : memref<1x81x128xi32, #tpu.memory_space<hbm>> -> memref<81x128xi32, #tpu.memory_space<hbm>>
      %dma_start3A_45 = arith.constant 0 : i32
      %dma_start3A_46 = arith.constant 0 : i32
      %dma_start3A_47 = tpu.memref_slice %arg3[%add3A, %dma_start3A_45, %dma_start3A_46] : memref<32x81x128xi32, #tpu.memory_space<hbm>> -> memref<1x81x128xi32, #tpu.memory_space<hbm>>
      %dma_start3A_48 = tpu.memref_squeeze %dma_start3A_47 : memref<1x81x128xi32, #tpu.memory_space<hbm>> -> memref<81x128xi32, #tpu.memory_space<hbm>>
      tpu.enqueue_dma source(%dma_start3A_48 : memref<81x128xi32, #tpu.memory_space<hbm>>) target(%arg7 : memref<81x128xi32, #tpu.memory_space<vmem>>) target_semaphore(%run_scoped3A : memref<!tpu.dma_semaphore, #tpu.memory_space<semaphore_mem>>)
      %dma_wait3A_49 = arith.constant 0 : i32
      %dma_wait3A_50 = arith.constant 0 : i32
      %dma_wait3A_51 = tpu.memref_slice %arg3[%add3A, %dma_wait3A_49, %dma_wait3A_50] : memref<32x81x128xi32, #tpu.memory_space<hbm>> -> memref<1x81x128xi32, #tpu.memory_space<hbm>>
      %dma_wait3A_52 = tpu.memref_squeeze %dma_wait3A_51 : memref<1x81x128xi32, #tpu.memory_space<hbm>> -> memref<81x128xi32, #tpu.memory_space<hbm>>
      %dma_wait3A_53 = arith.constant 0 : i32
      %dma_wait3A_54 = arith.constant 0 : i32
      %dma_wait3A_55 = tpu.memref_slice %arg3[%add3A, %dma_wait3A_53, %dma_wait3A_54] : memref<32x81x128xi32, #tpu.memory_space<hbm>> -> memref<1x81x128xi32, #tpu.memory_space<hbm>>
      %dma_wait3A_56 = tpu.memref_squeeze %dma_wait3A_55 : memref<1x81x128xi32, #tpu.memory_space<hbm>> -> memref<81x128xi32, #tpu.memory_space<hbm>>
      tpu.wait_dma2 semaphore(%run_scoped3A : memref<!tpu.dma_semaphore, #tpu.memory_space<semaphore_mem>>) src(%dma_wait3A_56 : memref<81x128xi32, #tpu.memory_space<hbm>>) dst(%arg7 : memref<81x128xi32, #tpu.memory_space<vmem>>)
      tpu.yield
    }) : () -> ()
    "tpu.region"() ({
      %run_scoped3A = tpu.sem_alloc : memref<!tpu.dma_semaphore, #tpu.memory_space<semaphore_mem>>
      %dma_start3A_41 = arith.constant 0 : i32
      %dma_start3A_42 = arith.constant 0 : i32
      %dma_start3A_43 = tpu.memref_slice %arg4[%add3A, %dma_start3A_41, %dma_start3A_42] : memref<32x80x128xi32, #tpu.memory_space<hbm>> -> memref<1x80x128xi32, #tpu.memory_space<hbm>>
      %dma_start3A_44 = tpu.memref_squeeze %dma_start3A_43 : memref<1x80x128xi32, #tpu.memory_space<hbm>> -> memref<80x128xi32, #tpu.memory_space<hbm>>
      %dma_start3A_45 = arith.constant 0 : i32
      %dma_start3A_46 = arith.constant 0 : i32
      %dma_start3A_47 = tpu.memref_slice %arg4[%add3A, %dma_start3A_45, %dma_start3A_46] : memref<32x80x128xi32, #tpu.memory_space<hbm>> -> memref<1x80x128xi32, #tpu.memory_space<hbm>>
      %dma_start3A_48 = tpu.memref_squeeze %dma_start3A_47 : memref<1x80x128xi32, #tpu.memory_space<hbm>> -> memref<80x128xi32, #tpu.memory_space<hbm>>
      tpu.enqueue_dma source(%dma_start3A_48 : memref<80x128xi32, #tpu.memory_space<hbm>>) target(%arg8 : memref<80x128xi32, #tpu.memory_space<vmem>>) target_semaphore(%run_scoped3A : memref<!tpu.dma_semaphore, #tpu.memory_space<semaphore_mem>>)
      %dma_wait3A_49 = arith.constant 0 : i32
      %dma_wait3A_50 = arith.constant 0 : i32
      %dma_wait3A_51 = tpu.memref_slice %arg4[%add3A, %dma_wait3A_49, %dma_wait3A_50] : memref<32x80x128xi32, #tpu.memory_space<hbm>> -> memref<1x80x128xi32, #tpu.memory_space<hbm>>
      %dma_wait3A_52 = tpu.memref_squeeze %dma_wait3A_51 : memref<1x80x128xi32, #tpu.memory_space<hbm>> -> memref<80x128xi32, #tpu.memory_space<hbm>>
      %dma_wait3A_53 = arith.constant 0 : i32
      %dma_wait3A_54 = arith.constant 0 : i32
      %dma_wait3A_55 = tpu.memref_slice %arg4[%add3A, %dma_wait3A_53, %dma_wait3A_54] : memref<32x80x128xi32, #tpu.memory_space<hbm>> -> memref<1x80x128xi32, #tpu.memory_space<hbm>>
      %dma_wait3A_56 = tpu.memref_squeeze %dma_wait3A_55 : memref<1x80x128xi32, #tpu.memory_space<hbm>> -> memref<80x128xi32, #tpu.memory_space<hbm>>
      tpu.wait_dma2 semaphore(%run_scoped3A : memref<!tpu.dma_semaphore, #tpu.memory_space<semaphore_mem>>) src(%dma_wait3A_56 : memref<80x128xi32, #tpu.memory_space<hbm>>) dst(%arg8 : memref<80x128xi32, #tpu.memory_space<vmem>>)
      tpu.yield
    }) : () -> ()
    %barrier3A = arith.constant 0 : index
    tpu.barrier barrier_id(%barrier3A)
    %dma_start3A = arith.constant 0 : i32
    %dma_start3A_3 = arith.constant 0 : i32
    %dma_start3A_4 = arith.constant 0 : i32
    %dma_start3A_5 = arith.constant 0 : i32
    %dma_start3A_6 = arith.constant 0 : i32
    %dma_start3A_7 = tpu.memref_slice %arg9[%dma_start3A_3, %dma_start3A_5, %dma_start3A_6] : memref<1x128x128xf32, #tpu.memory_space<vmem>> -> memref<1x128x128xf32, #tpu.memory_space<vmem>>
    %dma_start3A_8 = tpu.memref_squeeze %dma_start3A_7 : memref<1x128x128xf32, #tpu.memory_space<vmem>> -> memref<128x128xf32, #tpu.memory_space<vmem>>
    %dma_start3A_9 = arith.constant 0 : i32
    %dma_start3A_10 = tpu.memref_slice %arg7[%dma_start3A, %dma_start3A_9] : memref<81x128xi32, #tpu.memory_space<vmem>> -> memref<1x128xi32, #tpu.memory_space<vmem>>
    %dma_start3A_11 = tpu.memref_squeeze %dma_start3A_10 : memref<1x128xi32, #tpu.memory_space<vmem>> -> memref<128xi32, #tpu.memory_space<vmem>>
    %dma_start3A_12 = arith.constant 0 : i32
    %dma_start3A_13 = arith.constant 0 : i32
    %dma_start3A_14 = tpu.memref_slice %arg2[%dma_start3A_12, %dma_start3A_13] : memref<10240x128xf32, #tpu.memory_space<hbm>> -> memref<10240x128xf32, #tpu.memory_space<hbm>>
    %dma_start3A_15 = tpu.memref_slice %arg11[%dma_start3A_4] : memref<1x!tpu.dma_semaphore, #tpu.memory_space<semaphore_mem>> -> memref<1x!tpu.dma_semaphore, #tpu.memory_space<semaphore_mem>>
    %dma_start3A_16 = tpu.memref_squeeze %dma_start3A_15 : memref<1x!tpu.dma_semaphore, #tpu.memory_space<semaphore_mem>> -> memref<!tpu.dma_semaphore, #tpu.memory_space<semaphore_mem>>
    tpu.enqueue_indirect_dma source(%dma_start3A_14 : memref<10240x128xf32, #tpu.memory_space<hbm>>) target(%dma_start3A_8 : memref<128x128xf32, #tpu.memory_space<vmem>>) offsets(%dma_start3A_11 : memref<128xi32, #tpu.memory_space<vmem>>) semaphore(%dma_start3A_16 : memref<!tpu.dma_semaphore, #tpu.memory_space<semaphore_mem>>)
    %scan3A = arith.constant 0 : i32
    %scan3A_17 = arith.constant 0 : i32
    %scan3A_18 = arith.constant 80 : i32
    %scan3A_19 = arith.addi %scan3A_17, %scan3A_18 : i32
    %scan3A_20 = arith.constant 1 : i32
    scf.for %scan3A_41 = %scan3A_17 to %scan3A_19 step %scan3A_20  : i32 {
      %mul3A_42 = arith.constant 1 : i32
      %mul3A_43 = arith.muli %scan3A_41, %mul3A_42 : i32
      %add3A_44 = arith.constant 0 : i32
      %add3A_45 = arith.addi %mul3A_43, %add3A_44 : i32
      %dma_wait3A_46 = arith.constant 0 : i32
      %dma_wait3A_47 = arith.constant 0 : i32
      %dma_wait3A_48 = arith.constant 0 : i32
      %dma_wait3A_49 = arith.constant 0 : i32
      %dma_wait3A_50 = tpu.memref_slice %arg9[%dma_wait3A_46, %dma_wait3A_48, %dma_wait3A_49] : memref<1x128x128xf32, #tpu.memory_space<vmem>> -> memref<1x128x128xf32, #tpu.memory_space<vmem>>
      %dma_wait3A_51 = tpu.memref_squeeze %dma_wait3A_50 : memref<1x128x128xf32, #tpu.memory_space<vmem>> -> memref<128x128xf32, #tpu.memory_space<vmem>>
      %dma_wait3A_52 = arith.constant 0 : i32
      %dma_wait3A_53 = tpu.memref_slice %arg7[%add3A_45, %dma_wait3A_52] : memref<81x128xi32, #tpu.memory_space<vmem>> -> memref<1x128xi32, #tpu.memory_space<vmem>>
      %dma_wait3A_54 = tpu.memref_squeeze %dma_wait3A_53 : memref<1x128xi32, #tpu.memory_space<vmem>> -> memref<128xi32, #tpu.memory_space<vmem>>
      %dma_wait3A_55 = arith.constant 0 : i32
      %dma_wait3A_56 = arith.constant 0 : i32
      %dma_wait3A_57 = tpu.memref_slice %arg2[%dma_wait3A_55, %dma_wait3A_56] : memref<10240x128xf32, #tpu.memory_space<hbm>> -> memref<10240x128xf32, #tpu.memory_space<hbm>>
      %dma_wait3A_58 = tpu.memref_slice %arg11[%dma_wait3A_47] : memref<1x!tpu.dma_semaphore, #tpu.memory_space<semaphore_mem>> -> memref<1x!tpu.dma_semaphore, #tpu.memory_space<semaphore_mem>>
      %dma_wait3A_59 = tpu.memref_squeeze %dma_wait3A_58 : memref<1x!tpu.dma_semaphore, #tpu.memory_space<semaphore_mem>> -> memref<!tpu.dma_semaphore, #tpu.memory_space<semaphore_mem>>
      tpu.wait_indirect_dma semaphore(%dma_wait3A_59 : memref<!tpu.dma_semaphore, #tpu.memory_space<semaphore_mem>>) src(%dma_wait3A_57 : memref<10240x128xf32, #tpu.memory_space<hbm>>) dst(%dma_wait3A_51 : memref<128x128xf32, #tpu.memory_space<vmem>>)
      %dma_start3A_60 = arith.constant 0 : i32
      %dma_start3A_61 = arith.constant 0 : i32
      %dma_start3A_62 = arith.constant 0 : i32
      %dma_start3A_63 = arith.constant 0 : i32
      %dma_start3A_64 = tpu.memref_slice %arg9[%dma_start3A_60, %dma_start3A_62, %dma_start3A_63] : memref<1x128x128xf32, #tpu.memory_space<vmem>> -> memref<1x128x128xf32, #tpu.memory_space<vmem>>
      %dma_start3A_65 = tpu.memref_squeeze %dma_start3A_64 : memref<1x128x128xf32, #tpu.memory_space<vmem>> -> memref<128x128xf32, #tpu.memory_space<vmem>>
      %dma_start3A_66 = arith.constant 0 : i32
      %dma_start3A_67 = tpu.memref_slice %arg8[%add3A_45, %dma_start3A_66] : memref<80x128xi32, #tpu.memory_space<vmem>> -> memref<1x128xi32, #tpu.memory_space<vmem>>
      %dma_start3A_68 = tpu.memref_squeeze %dma_start3A_67 : memref<1x128xi32, #tpu.memory_space<vmem>> -> memref<128xi32, #tpu.memory_space<vmem>>
      %dma_start3A_69 = arith.constant 0 : i32
      %dma_start3A_70 = arith.constant 0 : i32
      %dma_start3A_71 = tpu.memref_slice %arg10[%dma_start3A_69, %dma_start3A_70] : memref<10112x128xf32, #tpu.memory_space<vmem_shared>> -> memref<10112x128xf32, #tpu.memory_space<vmem_shared>>
      %dma_start3A_72 = tpu.memref_slice %arg12[%dma_start3A_61] : memref<1x!tpu.dma_semaphore, #tpu.memory_space<semaphore_mem>> -> memref<1x!tpu.dma_semaphore, #tpu.memory_space<semaphore_mem>>
      %dma_start3A_73 = tpu.memref_squeeze %dma_start3A_72 : memref<1x!tpu.dma_semaphore, #tpu.memory_space<semaphore_mem>> -> memref<!tpu.dma_semaphore, #tpu.memory_space<semaphore_mem>>
      tpu.enqueue_indirect_dma source(%dma_start3A_65 : memref<128x128xf32, #tpu.memory_space<vmem>>) target(%dma_start3A_71 : memref<10112x128xf32, #tpu.memory_space<vmem_shared>>) offsets(%dma_start3A_68 : memref<128xi32, #tpu.memory_space<vmem>>) semaphore(%dma_start3A_73 : memref<!tpu.dma_semaphore, #tpu.memory_space<semaphore_mem>>) {add = true}
      %dma_wait3A_74 = arith.constant 0 : i32
      %dma_wait3A_75 = arith.constant 0 : i32
      %dma_wait3A_76 = arith.constant 0 : i32
      %dma_wait3A_77 = arith.constant 0 : i32
      %dma_wait3A_78 = tpu.memref_slice %arg9[%dma_wait3A_74, %dma_wait3A_76, %dma_wait3A_77] : memref<1x128x128xf32, #tpu.memory_space<vmem>> -> memref<1x128x128xf32, #tpu.memory_space<vmem>>
      %dma_wait3A_79 = tpu.memref_squeeze %dma_wait3A_78 : memref<1x128x128xf32, #tpu.memory_space<vmem>> -> memref<128x128xf32, #tpu.memory_space<vmem>>
      %dma_wait3A_80 = arith.constant 0 : i32
      %dma_wait3A_81 = tpu.memref_slice %arg8[%add3A_45, %dma_wait3A_80] : memref<80x128xi32, #tpu.memory_space<vmem>> -> memref<1x128xi32, #tpu.memory_space<vmem>>
      %dma_wait3A_82 = tpu.memref_squeeze %dma_wait3A_81 : memref<1x128xi32, #tpu.memory_space<vmem>> -> memref<128xi32, #tpu.memory_space<vmem>>
      %dma_wait3A_83 = arith.constant 0 : i32
      %dma_wait3A_84 = arith.constant 0 : i32
      %dma_wait3A_85 = tpu.memref_slice %arg10[%dma_wait3A_83, %dma_wait3A_84] : memref<10112x128xf32, #tpu.memory_space<vmem_shared>> -> memref<10112x128xf32, #tpu.memory_space<vmem_shared>>
      %dma_wait3A_86 = tpu.memref_slice %arg12[%dma_wait3A_75] : memref<1x!tpu.dma_semaphore, #tpu.memory_space<semaphore_mem>> -> memref<1x!tpu.dma_semaphore, #tpu.memory_space<semaphore_mem>>
      %dma_wait3A_87 = tpu.memref_squeeze %dma_wait3A_86 : memref<1x!tpu.dma_semaphore, #tpu.memory_space<semaphore_mem>> -> memref<!tpu.dma_semaphore, #tpu.memory_space<semaphore_mem>>
      tpu.wait_indirect_dma semaphore(%dma_wait3A_87 : memref<!tpu.dma_semaphore, #tpu.memory_space<semaphore_mem>>) src(%dma_wait3A_79 : memref<128x128xf32, #tpu.memory_space<vmem>>) dst(%dma_wait3A_85 : memref<10112x128xf32, #tpu.memory_space<vmem_shared>>)
      %add3A_88 = arith.constant 1 : i32
      %add3A_89 = arith.addi %add3A_45, %add3A_88 : i32
      %dma_start3A_90 = arith.constant 0 : i32
      %dma_start3A_91 = arith.constant 0 : i32
      %dma_start3A_92 = arith.constant 0 : i32
      %dma_start3A_93 = arith.constant 0 : i32
      %dma_start3A_94 = tpu.memref_slice %arg9[%dma_start3A_90, %dma_start3A_92, %dma_start3A_93] : memref<1x128x128xf32, #tpu.memory_space<vmem>> -> memref<1x128x128xf32, #tpu.memory_space<vmem>>
      %dma_start3A_95 = tpu.memref_squeeze %dma_start3A_94 : memref<1x128x128xf32, #tpu.memory_space<vmem>> -> memref<128x128xf32, #tpu.memory_space<vmem>>
      %dma_start3A_96 = arith.constant 0 : i32
      %dma_start3A_97 = tpu.memref_slice %arg7[%add3A_89, %dma_start3A_96] : memref<81x128xi32, #tpu.memory_space<vmem>> -> memref<1x128xi32, #tpu.memory_space<vmem>>
      %dma_start3A_98 = tpu.memref_squeeze %dma_start3A_97 : memref<1x128xi32, #tpu.memory_space<vmem>> -> memref<128xi32, #tpu.memory_space<vmem>>
      %dma_start3A_99 = arith.constant 0 : i32
      %dma_start3A_100 = arith.constant 0 : i32
      %dma_start3A_101 = tpu.memref_slice %arg2[%dma_start3A_99, %dma_start3A_100] : memref<10240x128xf32, #tpu.memory_space<hbm>> -> memref<10240x128xf32, #tpu.memory_space<hbm>>
      %dma_start3A_102 = tpu.memref_slice %arg11[%dma_start3A_91] : memref<1x!tpu.dma_semaphore, #tpu.memory_space<semaphore_mem>> -> memref<1x!tpu.dma_semaphore, #tpu.memory_space<semaphore_mem>>
      %dma_start3A_103 = tpu.memref_squeeze %dma_start3A_102 : memref<1x!tpu.dma_semaphore, #tpu.memory_space<semaphore_mem>> -> memref<!tpu.dma_semaphore, #tpu.memory_space<semaphore_mem>>
      tpu.enqueue_indirect_dma source(%dma_start3A_101 : memref<10240x128xf32, #tpu.memory_space<hbm>>) target(%dma_start3A_95 : memref<128x128xf32, #tpu.memory_space<vmem>>) offsets(%dma_start3A_98 : memref<128xi32, #tpu.memory_space<vmem>>) semaphore(%dma_start3A_103 : memref<!tpu.dma_semaphore, #tpu.memory_space<semaphore_mem>>)
    }
    %scan3A_21 = arith.constant 80 : i32
    %dma_wait3A = arith.constant 80 : i32
    %dma_wait3A_22 = arith.constant 0 : i32
    %dma_wait3A_23 = arith.constant 0 : i32
    %dma_wait3A_24 = arith.constant 0 : i32
    %dma_wait3A_25 = arith.constant 0 : i32
    %dma_wait3A_26 = tpu.memref_slice %arg9[%dma_wait3A_22, %dma_wait3A_24, %dma_wait3A_25] : memref<1x128x128xf32, #tpu.memory_space<vmem>> -> memref<1x128x128xf32, #tpu.memory_space<vmem>>
    %dma_wait3A_27 = tpu.memref_squeeze %dma_wait3A_26 : memref<1x128x128xf32, #tpu.memory_space<vmem>> -> memref<128x128xf32, #tpu.memory_space<vmem>>
    %dma_wait3A_28 = arith.constant 0 : i32
    %dma_wait3A_29 = tpu.memref_slice %arg7[%dma_wait3A, %dma_wait3A_28] : memref<81x128xi32, #tpu.memory_space<vmem>> -> memref<1x128xi32, #tpu.memory_space<vmem>>
    %dma_wait3A_30 = tpu.memref_squeeze %dma_wait3A_29 : memref<1x128xi32, #tpu.memory_space<vmem>> -> memref<128xi32, #tpu.memory_space<vmem>>
    %dma_wait3A_31 = arith.constant 0 : i32
    %dma_wait3A_32 = arith.constant 0 : i32
    %dma_wait3A_33 = tpu.memref_slice %arg2[%dma_wait3A_31, %dma_wait3A_32] : memref<10240x128xf32, #tpu.memory_space<hbm>> -> memref<10240x128xf32, #tpu.memory_space<hbm>>
    %dma_wait3A_34 = tpu.memref_slice %arg11[%dma_wait3A_23] : memref<1x!tpu.dma_semaphore, #tpu.memory_space<semaphore_mem>> -> memref<1x!tpu.dma_semaphore, #tpu.memory_space<semaphore_mem>>
    %dma_wait3A_35 = tpu.memref_squeeze %dma_wait3A_34 : memref<1x!tpu.dma_semaphore, #tpu.memory_space<semaphore_mem>> -> memref<!tpu.dma_semaphore, #tpu.memory_space<semaphore_mem>>
    tpu.wait_indirect_dma semaphore(%dma_wait3A_35 : memref<!tpu.dma_semaphore, #tpu.memory_space<semaphore_mem>>) src(%dma_wait3A_33 : memref<10240x128xf32, #tpu.memory_space<hbm>>) dst(%dma_wait3A_27 : memref<128x128xf32, #tpu.memory_space<vmem>>)
    %barrier3A_36 = arith.constant 0 : index
    tpu.barrier barrier_id(%barrier3A_36)
    %mul3A_37 = arith.constant 632 : i32
    %mul3A_38 = arith.muli %arg1, %mul3A_37 : i32
    %mul3A_39 = arith.constant 632 : i32
    %mul3A_40 = arith.muli %arg1, %mul3A_39 : i32
    "tpu.region"() ({
      %run_scoped3A = tpu.sem_alloc : memref<!tpu.dma_semaphore, #tpu.memory_space<semaphore_mem>>
      %dma_start3A_41 = arith.constant 0 : i32
      %dma_start3A_42 = tpu.memref_slice %arg6[%arg0, %mul3A_40, %dma_start3A_41] : memref<2x10240x128xf32, #tpu.memory_space<hbm>> -> memref<1x632x128xf32, #tpu.memory_space<hbm>>
      %dma_start3A_43 = tpu.memref_squeeze %dma_start3A_42 : memref<1x632x128xf32, #tpu.memory_space<hbm>> -> memref<632x128xf32, #tpu.memory_space<hbm>>
      %dma_start3A_44 = arith.constant 0 : i32
      %dma_start3A_45 = tpu.memref_slice %arg10[%mul3A_38, %dma_start3A_44] : memref<10112x128xf32, #tpu.memory_space<vmem_shared>> -> memref<632x128xf32, #tpu.memory_space<vmem_shared>>
      tpu.enqueue_dma source(%dma_start3A_45 : memref<632x128xf32, #tpu.memory_space<vmem_shared>>) target(%dma_start3A_43 : memref<632x128xf32, #tpu.memory_space<hbm>>) target_semaphore(%run_scoped3A : memref<!tpu.dma_semaphore, #tpu.memory_space<semaphore_mem>>)
      %dma_wait3A_46 = arith.constant 0 : i32
      %dma_wait3A_47 = tpu.memref_slice %arg6[%arg0, %mul3A_40, %dma_wait3A_46] : memref<2x10240x128xf32, #tpu.memory_space<hbm>> -> memref<1x632x128xf32, #tpu.memory_space<hbm>>
      %dma_wait3A_48 = tpu.memref_squeeze %dma_wait3A_47 : memref<1x632x128xf32, #tpu.memory_space<hbm>> -> memref<632x128xf32, #tpu.memory_space<hbm>>
      %dma_wait3A_49 = arith.constant 0 : i32
      %dma_wait3A_50 = tpu.memref_slice %arg10[%mul3A_38, %dma_wait3A_49] : memref<10112x128xf32, #tpu.memory_space<vmem_shared>> -> memref<632x128xf32, #tpu.memory_space<vmem_shared>>
      tpu.wait_dma2 semaphore(%run_scoped3A : memref<!tpu.dma_semaphore, #tpu.memory_space<semaphore_mem>>) src(%dma_wait3A_50 : memref<632x128xf32, #tpu.memory_space<vmem_shared>>) dst(%dma_wait3A_48 : memref<632x128xf32, #tpu.memory_space<hbm>>)
      tpu.yield
    }) : () -> ()
    return
  }
}

module attributes {stable_mosaic.version = 14 : i64} {
  func.func @_tc_pre_body(%arg0: i32, %arg1: memref<1024x128xf32, #tpu.memory_space<vmem>>, %arg2: memref<128x128xf32, #tpu.memory_space<vmem>>, %arg3: memref<2x1024x128xf32, #tpu.memory_space<vmem>>, %arg4: memref<1024x128xf32, #tpu.memory_space<vmem>>) attributes {dimension_semantics = [#tpu.dimension_semantics<arbitrary>], iteration_bounds = array<i64: 10>, scalar_prefetch = 0 : i64, scratch_operands = 0 : i64, tpu.core_type = #tpu.core_type<tc>, window_params = [{transform_indices = @transform_0, window_bounds = array<i64: 1024, 128>}, {pipeline_mode = #tpu.pipeline_mode<synchronous>, transform_indices = @transform_1, window_bounds = array<i64: 128, 128>}, {transform_indices = @transform_2, window_bounds = array<i64: 2, 1024, 128>}, {transform_indices = @transform_3, window_bounds = array<i64: 1024, 128>}]} {
    %get3A = arith.constant 0 : index
    %get3A_0 = arith.constant 0 : index
    %get3A_1 = arith.constant 0 : index
    %get3A_2 = vector.load %arg3[%get3A, %get3A_0, %get3A_1] : memref<2x1024x128xf32, #tpu.memory_space<vmem>>, vector<2x1024x128xf32>
    %slice3A = vector.extract_strided_slice %get3A_2 {offsets = [0, 0, 0], sizes = [1, 1024, 128], strides = [1, 1, 1]} : vector<2x1024x128xf32> to vector<1x1024x128xf32>
    %squeeze3A = vector.shape_cast %slice3A : vector<1x1024x128xf32> to vector<1024x128xf32>
    %slice3A_3 = vector.extract_strided_slice %get3A_2 {offsets = [1, 0, 0], sizes = [1, 1024, 128], strides = [1, 1, 1]} : vector<2x1024x128xf32> to vector<1x1024x128xf32>
    %squeeze3A_4 = vector.shape_cast %slice3A_3 : vector<1x1024x128xf32> to vector<1024x128xf32>
    %add3A = arith.addf %squeeze3A, %squeeze3A_4 : vector<1024x128xf32>
    %slice3A_5 = vector.extract_strided_slice %add3A {offsets = [0, 0], sizes = [1024, 1], strides = [1, 1]} : vector<1024x128xf32> to vector<1024x1xf32>
    %max3A = arith.constant 1.000000e+00 : f32
    %max3A_6 = vector.broadcast %max3A : f32 to vector<1024x1xf32>
    %max3A_7 = arith.maximumf %slice3A_5, %max3A_6 : vector<1024x1xf32>
    %rsqrt3A = math.rsqrt %max3A_7 : vector<1024x1xf32>
    %get3A_8 = arith.constant 0 : index
    %get3A_9 = arith.constant 0 : index
    %get3A_10 = vector.load %arg1[%get3A_8, %get3A_9] : memref<1024x128xf32, #tpu.memory_space<vmem>>, vector<1024x128xf32>
    %get3A_11 = arith.constant 0 : index
    %get3A_12 = arith.constant 0 : index
    %get3A_13 = vector.load %arg2[%get3A_11, %get3A_12] : memref<128x128xf32, #tpu.memory_space<vmem>>, vector<128x128xf32>
    %dot_general3A = arith.constant dense<0.000000e+00> : vector<1024x128xf32>
    %dot_general3A_14 = tpu.matmul %get3A_10, %get3A_13, %dot_general3A {dimension_numbers = #tpu.dot_dimension_numbers<[1], [0], [0], [1], [0, 0, 1, 1], [], []>, transpose_lhs_hint = false} : vector<1024x128xf32>, vector<128x128xf32>, vector<1024x128xf32> -> vector<1024x128xf32>
    %mul3A = vector.broadcast %rsqrt3A : vector<1024x1xf32> to vector<1024x128xf32>
    %mul3A_15 = arith.mulf %dot_general3A_14, %mul3A : vector<1024x128xf32>
    %swap3A = arith.constant 0 : index
    %swap3A_16 = arith.constant 0 : index
    %swap3A_17 = vector.load %arg4[%swap3A, %swap3A_16] : memref<1024x128xf32, #tpu.memory_space<vmem>>, vector<1024x128xf32>
    tpu.vector_store %arg4[%swap3A, %swap3A_16], %mul3A_15 {strides = array<i32>} : memref<1024x128xf32, #tpu.memory_space<vmem>>, vector<1024x128xf32>,
    return
  }
  func.func @transform_0(%arg0: i32) -> (i32, i32) {
    %c0_i32 = arith.constant 0 : i32
    %c0_i32_0 = arith.constant 0 : i32
    return %arg0, %c0_i32 : i32, i32
  }
  func.func @transform_1(%arg0: i32) -> (i32, i32) {
    %c0_i32 = arith.constant 0 : i32
    %c0_i32_0 = arith.constant 0 : i32
    %c0_i32_1 = arith.constant 0 : i32
    return %c0_i32, %c0_i32_0 : i32, i32
  }
  func.func @transform_2(%arg0: i32) -> (i32, i32, i32) {
    %c0_i32 = arith.constant 0 : i32
    %c0_i32_0 = arith.constant 0 : i32
    %c0_i32_1 = arith.constant 0 : i32
    return %c0_i32, %arg0, %c0_i32_0 : i32, i32, i32
  }
  func.func @transform_3(%arg0: i32) -> (i32, i32) {
    %c0_i32 = arith.constant 0 : i32
    %c0_i32_0 = arith.constant 0 : i32
    return %arg0, %c0_i32 : i32, i32
  }
}

module attributes {stable_mosaic.version = 14 : i64} {
  func.func @_tc_mid_body(%arg0: i32, %arg1: memref<2x1024x128xf32, #tpu.memory_space<vmem>>, %arg2: memref<2x1024x128xf32, #tpu.memory_space<vmem>>, %arg3: memref<1x128xf32, #tpu.memory_space<vmem>>, %arg4: memref<128x128xf32, #tpu.memory_space<vmem>>, %arg5: memref<2x1024x128xf32, #tpu.memory_space<vmem>>, %arg6: memref<1024x128xf32, #tpu.memory_space<vmem>>, %arg7: memref<1024x128xf32, #tpu.memory_space<vmem>>) attributes {dimension_semantics = [#tpu.dimension_semantics<arbitrary>], iteration_bounds = array<i64: 10>, scalar_prefetch = 0 : i64, scratch_operands = 0 : i64, tpu.core_type = #tpu.core_type<tc>, window_params = [{transform_indices = @transform_0, window_bounds = array<i64: 2, 1024, 128>}, {transform_indices = @transform_1, window_bounds = array<i64: 2, 1024, 128>}, {pipeline_mode = #tpu.pipeline_mode<synchronous>, transform_indices = @transform_2, window_bounds = array<i64: 1, 128>}, {pipeline_mode = #tpu.pipeline_mode<synchronous>, transform_indices = @transform_3, window_bounds = array<i64: 128, 128>}, {transform_indices = @transform_4, window_bounds = array<i64: 2, 1024, 128>}, {transform_indices = @transform_5, window_bounds = array<i64: 1024, 128>}, {transform_indices = @transform_6, window_bounds = array<i64: 1024, 128>}]} {
    %get3A = arith.constant 0 : index
    %get3A_0 = arith.constant 0 : index
    %get3A_1 = arith.constant 0 : index
    %get3A_2 = vector.load %arg1[%get3A, %get3A_0, %get3A_1] : memref<2x1024x128xf32, #tpu.memory_space<vmem>>, vector<1x1024x128xf32>
    %get3A_3 = vector.shape_cast %get3A_2 : vector<1x1024x128xf32> to vector<1024x128xf32>
    %get3A_4 = arith.constant 1 : index
    %get3A_5 = arith.constant 0 : index
    %get3A_6 = arith.constant 0 : index
    %get3A_7 = vector.load %arg1[%get3A_4, %get3A_5, %get3A_6] : memref<2x1024x128xf32, #tpu.memory_space<vmem>>, vector<1x1024x128xf32>
    %get3A_8 = vector.shape_cast %get3A_7 : vector<1x1024x128xf32> to vector<1024x128xf32>
    %add3A = arith.addf %get3A_3, %get3A_8 : vector<1024x128xf32>
    %get3A_9 = arith.constant 0 : index
    %get3A_10 = arith.constant 0 : index
    %get3A_11 = arith.constant 0 : index
    %get3A_12 = vector.load %arg2[%get3A_9, %get3A_10, %get3A_11] : memref<2x1024x128xf32, #tpu.memory_space<vmem>>, vector<2x1024x128xf32>
    %slice3A = vector.extract_strided_slice %get3A_12 {offsets = [0, 0, 0], sizes = [1, 1024, 128], strides = [1, 1, 1]} : vector<2x1024x128xf32> to vector<1x1024x128xf32>
    %squeeze3A = vector.shape_cast %slice3A : vector<1x1024x128xf32> to vector<1024x128xf32>
    %slice3A_13 = vector.extract_strided_slice %get3A_12 {offsets = [1, 0, 0], sizes = [1, 1024, 128], strides = [1, 1, 1]} : vector<2x1024x128xf32> to vector<1x1024x128xf32>
    %squeeze3A_14 = vector.shape_cast %slice3A_13 : vector<1x1024x128xf32> to vector<1024x128xf32>
    %add3A_15 = arith.addf %squeeze3A, %squeeze3A_14 : vector<1024x128xf32>
    %slice3A_16 = vector.extract_strided_slice %add3A_15 {offsets = [0, 0], sizes = [1024, 1], strides = [1, 1]} : vector<1024x128xf32> to vector<1024x1xf32>
    %max3A = arith.constant 1.000000e+00 : f32
    %max3A_17 = vector.broadcast %max3A : f32 to vector<1024x1xf32>
    %max3A_18 = arith.maximumf %slice3A_16, %max3A_17 : vector<1024x1xf32>
    %rsqrt3A = math.rsqrt %max3A_18 : vector<1024x1xf32>
    %mul3A = vector.broadcast %rsqrt3A : vector<1024x1xf32> to vector<1024x128xf32>
    %mul3A_19 = arith.mulf %add3A, %mul3A : vector<1024x128xf32>
    %get3A_20 = arith.constant 0 : index
    %get3A_21 = arith.constant 0 : index
    %get3A_22 = vector.load %arg3[%get3A_20, %get3A_21] : memref<1x128xf32, #tpu.memory_space<vmem>>, vector<1x128xf32>
    %add3A_23 = vector.broadcast %get3A_22 : vector<1x128xf32> to vector<1024x128xf32>
    %add3A_24 = arith.addf %mul3A_19, %add3A_23 : vector<1024x128xf32>
    %max3A_25 = arith.constant 0.000000e+00 : f32
    %max3A_26 = vector.broadcast %max3A_25 : f32 to vector<1024x128xf32>
    %max3A_27 = arith.maximumf %add3A_24, %max3A_26 : vector<1024x128xf32>
    %swap3A = arith.constant 0 : index
    %swap3A_28 = arith.constant 0 : index
    %swap3A_29 = vector.load %arg6[%swap3A, %swap3A_28] : memref<1024x128xf32, #tpu.memory_space<vmem>>, vector<1024x128xf32>
    tpu.vector_store %arg6[%swap3A, %swap3A_28], %max3A_27 {strides = array<i32>} : memref<1024x128xf32, #tpu.memory_space<vmem>>, vector<1024x128xf32>,
    %get3A_30 = arith.constant 0 : index
    %get3A_31 = arith.constant 0 : index
    %get3A_32 = arith.constant 0 : index
    %get3A_33 = vector.load %arg5[%get3A_30, %get3A_31, %get3A_32] : memref<2x1024x128xf32, #tpu.memory_space<vmem>>, vector<2x1024x128xf32>
    %slice3A_34 = vector.extract_strided_slice %get3A_33 {offsets = [0, 0, 0], sizes = [1, 1024, 128], strides = [1, 1, 1]} : vector<2x1024x128xf32> to vector<1x1024x128xf32>
    %squeeze3A_35 = vector.shape_cast %slice3A_34 : vector<1x1024x128xf32> to vector<1024x128xf32>
    %slice3A_36 = vector.extract_strided_slice %get3A_33 {offsets = [1, 0, 0], sizes = [1, 1024, 128], strides = [1, 1, 1]} : vector<2x1024x128xf32> to vector<1x1024x128xf32>
    %squeeze3A_37 = vector.shape_cast %slice3A_36 : vector<1x1024x128xf32> to vector<1024x128xf32>
    %add3A_38 = arith.addf %squeeze3A_35, %squeeze3A_37 : vector<1024x128xf32>
    %slice3A_39 = vector.extract_strided_slice %add3A_38 {offsets = [0, 0], sizes = [1024, 1], strides = [1, 1]} : vector<1024x128xf32> to vector<1024x1xf32>
    %max3A_40 = arith.constant 1.000000e+00 : f32
    %max3A_41 = vector.broadcast %max3A_40 : f32 to vector<1024x1xf32>
    %max3A_42 = arith.maximumf %slice3A_39, %max3A_41 : vector<1024x1xf32>
    %rsqrt3A_43 = math.rsqrt %max3A_42 : vector<1024x1xf32>
    %get3A_44 = arith.constant 0 : index
    %get3A_45 = arith.constant 0 : index
    %get3A_46 = vector.load %arg4[%get3A_44, %get3A_45] : memref<128x128xf32, #tpu.memory_space<vmem>>, vector<128x128xf32>
    %dot_general3A = arith.constant dense<0.000000e+00> : vector<1024x128xf32>
    %dot_general3A_47 = tpu.matmul %max3A_27, %get3A_46, %dot_general3A {dimension_numbers = #tpu.dot_dimension_numbers<[1], [0], [0], [1], [0, 0, 1, 1], [], []>, transpose_lhs_hint = false} : vector<1024x128xf32>, vector<128x128xf32>, vector<1024x128xf32> -> vector<1024x128xf32>
    %mul3A_48 = vector.broadcast %rsqrt3A_43 : vector<1024x1xf32> to vector<1024x128xf32>
    %mul3A_49 = arith.mulf %dot_general3A_47, %mul3A_48 : vector<1024x128xf32>
    %swap3A_50 = arith.constant 0 : index
    %swap3A_51 = arith.constant 0 : index
    %swap3A_52 = vector.load %arg7[%swap3A_50, %swap3A_51] : memref<1024x128xf32, #tpu.memory_space<vmem>>, vector<1024x128xf32>
    tpu.vector_store %arg7[%swap3A_50, %swap3A_51], %mul3A_49 {strides = array<i32>} : memref<1024x128xf32, #tpu.memory_space<vmem>>, vector<1024x128xf32>,
    return
  }
  func.func @transform_0(%arg0: i32) -> (i32, i32, i32) {
    %c0_i32 = arith.constant 0 : i32
    %c0_i32_0 = arith.constant 0 : i32
    %c0_i32_1 = arith.constant 0 : i32
    return %c0_i32, %arg0, %c0_i32_0 : i32, i32, i32
  }
  func.func @transform_1(%arg0: i32) -> (i32, i32, i32) {
    %c0_i32 = arith.constant 0 : i32
    %c0_i32_0 = arith.constant 0 : i32
    %c0_i32_1 = arith.constant 0 : i32
    return %c0_i32, %arg0, %c0_i32_0 : i32, i32, i32
  }
  func.func @transform_2(%arg0: i32) -> (i32, i32) {
    %c0_i32 = arith.constant 0 : i32
    %c0_i32_0 = arith.constant 0 : i32
    %c0_i32_1 = arith.constant 0 : i32
    return %c0_i32, %c0_i32_0 : i32, i32
  }
  func.func @transform_3(%arg0: i32) -> (i32, i32) {
    %c0_i32 = arith.constant 0 : i32
    %c0_i32_0 = arith.constant 0 : i32
    %c0_i32_1 = arith.constant 0 : i32
    return %c0_i32, %c0_i32_0 : i32, i32
  }
  func.func @transform_4(%arg0: i32) -> (i32, i32, i32) {
    %c0_i32 = arith.constant 0 : i32
    %c0_i32_0 = arith.constant 0 : i32
    %c0_i32_1 = arith.constant 0 : i32
    return %c0_i32, %arg0, %c0_i32_0 : i32, i32, i32
  }
  func.func @transform_5(%arg0: i32) -> (i32, i32) {
    %c0_i32 = arith.constant 0 : i32
    %c0_i32_0 = arith.constant 0 : i32
    return %arg0, %c0_i32 : i32, i32
  }
  func.func @transform_6(%arg0: i32) -> (i32, i32) {
    %c0_i32 = arith.constant 0 : i32
    %c0_i32_0 = arith.constant 0 : i32
    return %arg0, %c0_i32 : i32, i32
  }
}

module attributes {stable_mosaic.version = 14 : i64} {
  func.func @_tc_fin_body(%arg0: i32, %arg1: memref<2x1024x128xf32, #tpu.memory_space<vmem>>, %arg2: memref<2x1024x128xf32, #tpu.memory_space<vmem>>, %arg3: memref<1x128xf32, #tpu.memory_space<vmem>>, %arg4: memref<1024x128xf32, #tpu.memory_space<vmem>>, %arg5: memref<1024x128xf32, #tpu.memory_space<vmem>>, %arg6: memref<1024x128xf32, #tpu.memory_space<vmem>>, %arg7: memref<512x128xf32, #tpu.memory_space<vmem>>, %arg8: memref<1x128xf32, #tpu.memory_space<vmem>>, %arg9: memref<1024x128xf32, #tpu.memory_space<vmem>>) attributes {dimension_semantics = [#tpu.dimension_semantics<arbitrary>], iteration_bounds = array<i64: 10>, scalar_prefetch = 0 : i64, scratch_operands = 0 : i64, tpu.core_type = #tpu.core_type<tc>, window_params = [{transform_indices = @transform_0, window_bounds = array<i64: 2, 1024, 128>}, {transform_indices = @transform_1, window_bounds = array<i64: 2, 1024, 128>}, {pipeline_mode = #tpu.pipeline_mode<synchronous>, transform_indices = @transform_2, window_bounds = array<i64: 1, 128>}, {transform_indices = @transform_3, window_bounds = array<i64: 1024, 128>}, {transform_indices = @transform_4, window_bounds = array<i64: 1024, 128>}, {transform_indices = @transform_5, window_bounds = array<i64: 1024, 128>}, {pipeline_mode = #tpu.pipeline_mode<synchronous>, transform_indices = @transform_6, window_bounds = array<i64: 512, 128>}, {pipeline_mode = #tpu.pipeline_mode<synchronous>, transform_indices = @transform_7, window_bounds = array<i64: 1, 128>}, {transform_indices = @transform_8, window_bounds = array<i64: 1024, 128>}]} {
    %get3A = arith.constant 0 : index
    %get3A_0 = arith.constant 0 : index
    %get3A_1 = arith.constant 0 : index
    %get3A_2 = vector.load %arg1[%get3A, %get3A_0, %get3A_1] : memref<2x1024x128xf32, #tpu.memory_space<vmem>>, vector<1x1024x128xf32>
    %get3A_3 = vector.shape_cast %get3A_2 : vector<1x1024x128xf32> to vector<1024x128xf32>
    %get3A_4 = arith.constant 1 : index
    %get3A_5 = arith.constant 0 : index
    %get3A_6 = arith.constant 0 : index
    %get3A_7 = vector.load %arg1[%get3A_4, %get3A_5, %get3A_6] : memref<2x1024x128xf32, #tpu.memory_space<vmem>>, vector<1x1024x128xf32>
    %get3A_8 = vector.shape_cast %get3A_7 : vector<1x1024x128xf32> to vector<1024x128xf32>
    %add3A = arith.addf %get3A_3, %get3A_8 : vector<1024x128xf32>
    %get3A_9 = arith.constant 0 : index
    %get3A_10 = arith.constant 0 : index
    %get3A_11 = arith.constant 0 : index
    %get3A_12 = vector.load %arg2[%get3A_9, %get3A_10, %get3A_11] : memref<2x1024x128xf32, #tpu.memory_space<vmem>>, vector<2x1024x128xf32>
    %slice3A = vector.extract_strided_slice %get3A_12 {offsets = [0, 0, 0], sizes = [1, 1024, 128], strides = [1, 1, 1]} : vector<2x1024x128xf32> to vector<1x1024x128xf32>
    %squeeze3A = vector.shape_cast %slice3A : vector<1x1024x128xf32> to vector<1024x128xf32>
    %slice3A_13 = vector.extract_strided_slice %get3A_12 {offsets = [1, 0, 0], sizes = [1, 1024, 128], strides = [1, 1, 1]} : vector<2x1024x128xf32> to vector<1x1024x128xf32>
    %squeeze3A_14 = vector.shape_cast %slice3A_13 : vector<1x1024x128xf32> to vector<1024x128xf32>
    %add3A_15 = arith.addf %squeeze3A, %squeeze3A_14 : vector<1024x128xf32>
    %slice3A_16 = vector.extract_strided_slice %add3A_15 {offsets = [0, 0], sizes = [1024, 1], strides = [1, 1]} : vector<1024x128xf32> to vector<1024x1xf32>
    %max3A = arith.constant 1.000000e+00 : f32
    %max3A_17 = vector.broadcast %max3A : f32 to vector<1024x1xf32>
    %max3A_18 = arith.maximumf %slice3A_16, %max3A_17 : vector<1024x1xf32>
    %rsqrt3A = math.rsqrt %max3A_18 : vector<1024x1xf32>
    %mul3A = vector.broadcast %rsqrt3A : vector<1024x1xf32> to vector<1024x128xf32>
    %mul3A_19 = arith.mulf %add3A, %mul3A : vector<1024x128xf32>
    %get3A_20 = arith.constant 0 : index
    %get3A_21 = arith.constant 0 : index
    %get3A_22 = vector.load %arg3[%get3A_20, %get3A_21] : memref<1x128xf32, #tpu.memory_space<vmem>>, vector<1x128xf32>
    %add3A_23 = vector.broadcast %get3A_22 : vector<1x128xf32> to vector<1024x128xf32>
    %add3A_24 = arith.addf %mul3A_19, %add3A_23 : vector<1024x128xf32>
    %max3A_25 = arith.constant 0.000000e+00 : f32
    %max3A_26 = vector.broadcast %max3A_25 : f32 to vector<1024x128xf32>
    %max3A_27 = arith.maximumf %add3A_24, %max3A_26 : vector<1024x128xf32>
    %get3A_28 = arith.constant 0 : index
    %get3A_29 = arith.constant 0 : index
    %get3A_30 = vector.load %arg7[%get3A_28, %get3A_29] : memref<512x128xf32, #tpu.memory_space<vmem>>, vector<512x128xf32>
    %get3A_31 = arith.constant 0 : index
    %get3A_32 = arith.constant 0 : index
    %get3A_33 = vector.load %arg4[%get3A_31, %get3A_32] : memref<1024x128xf32, #tpu.memory_space<vmem>>, vector<1024x128xf32>
    %slice3A_34 = vector.extract_strided_slice %get3A_30 {offsets = [0, 0], sizes = [128, 128], strides = [1, 1]} : vector<512x128xf32> to vector<128x128xf32>
    %dot_general3A = arith.constant dense<0.000000e+00> : vector<1024x128xf32>
    %dot_general3A_35 = tpu.matmul %get3A_33, %slice3A_34, %dot_general3A {dimension_numbers = #tpu.dot_dimension_numbers<[1], [0], [0], [1], [0, 0, 1, 1], [], []>, transpose_lhs_hint = false} : vector<1024x128xf32>, vector<128x128xf32>, vector<1024x128xf32> -> vector<1024x128xf32>
    %get3A_36 = arith.constant 0 : index
    %get3A_37 = arith.constant 0 : index
    %get3A_38 = vector.load %arg5[%get3A_36, %get3A_37] : memref<1024x128xf32, #tpu.memory_space<vmem>>, vector<1024x128xf32>
    %slice3A_39 = vector.extract_strided_slice %get3A_30 {offsets = [128, 0], sizes = [128, 128], strides = [1, 1]} : vector<512x128xf32> to vector<128x128xf32>
    %dot_general3A_40 = arith.constant dense<0.000000e+00> : vector<1024x128xf32>
    %dot_general3A_41 = tpu.matmul %get3A_38, %slice3A_39, %dot_general3A_40 {dimension_numbers = #tpu.dot_dimension_numbers<[1], [0], [0], [1], [0, 0, 1, 1], [], []>, transpose_lhs_hint = false} : vector<1024x128xf32>, vector<128x128xf32>, vector<1024x128xf32> -> vector<1024x128xf32>
    %add3A_42 = arith.addf %dot_general3A_35, %dot_general3A_41 : vector<1024x128xf32>
    %get3A_43 = arith.constant 0 : index
    %get3A_44 = arith.constant 0 : index
    %get3A_45 = vector.load %arg6[%get3A_43, %get3A_44] : memref<1024x128xf32, #tpu.memory_space<vmem>>, vector<1024x128xf32>
    %slice3A_46 = vector.extract_strided_slice %get3A_30 {offsets = [256, 0], sizes = [128, 128], strides = [1, 1]} : vector<512x128xf32> to vector<128x128xf32>
    %dot_general3A_47 = arith.constant dense<0.000000e+00> : vector<1024x128xf32>
    %dot_general3A_48 = tpu.matmul %get3A_45, %slice3A_46, %dot_general3A_47 {dimension_numbers = #tpu.dot_dimension_numbers<[1], [0], [0], [1], [0, 0, 1, 1], [], []>, transpose_lhs_hint = false} : vector<1024x128xf32>, vector<128x128xf32>, vector<1024x128xf32> -> vector<1024x128xf32>
    %add3A_49 = arith.addf %add3A_42, %dot_general3A_48 : vector<1024x128xf32>
    %slice3A_50 = vector.extract_strided_slice %get3A_30 {offsets = [384, 0], sizes = [128, 128], strides = [1, 1]} : vector<512x128xf32> to vector<128x128xf32>
    %dot_general3A_51 = arith.constant dense<0.000000e+00> : vector<1024x128xf32>
    %dot_general3A_52 = tpu.matmul %max3A_27, %slice3A_50, %dot_general3A_51 {dimension_numbers = #tpu.dot_dimension_numbers<[1], [0], [0], [1], [0, 0, 1, 1], [], []>, transpose_lhs_hint = false} : vector<1024x128xf32>, vector<128x128xf32>, vector<1024x128xf32> -> vector<1024x128xf32>
    %add3A_53 = arith.addf %add3A_49, %dot_general3A_52 : vector<1024x128xf32>
    %get3A_54 = arith.constant 0 : index
    %get3A_55 = arith.constant 0 : index
    %get3A_56 = vector.load %arg8[%get3A_54, %get3A_55] : memref<1x128xf32, #tpu.memory_space<vmem>>, vector<1x128xf32>
    %add3A_57 = vector.broadcast %get3A_56 : vector<1x128xf32> to vector<1024x128xf32>
    %add3A_58 = arith.addf %add3A_53, %add3A_57 : vector<1024x128xf32>
    %swap3A = arith.constant 0 : index
    %swap3A_59 = arith.constant 0 : index
    %swap3A_60 = vector.load %arg9[%swap3A, %swap3A_59] : memref<1024x128xf32, #tpu.memory_space<vmem>>, vector<1024x128xf32>
    tpu.vector_store %arg9[%swap3A, %swap3A_59], %add3A_58 {strides = array<i32>} : memref<1024x128xf32, #tpu.memory_space<vmem>>, vector<1024x128xf32>,
    return
  }
  func.func @transform_0(%arg0: i32) -> (i32, i32, i32) {
    %c0_i32 = arith.constant 0 : i32
    %c0_i32_0 = arith.constant 0 : i32
    %c0_i32_1 = arith.constant 0 : i32
    return %c0_i32, %arg0, %c0_i32_0 : i32, i32, i32
  }
  func.func @transform_1(%arg0: i32) -> (i32, i32, i32) {
    %c0_i32 = arith.constant 0 : i32
    %c0_i32_0 = arith.constant 0 : i32
    %c0_i32_1 = arith.constant 0 : i32
    return %c0_i32, %arg0, %c0_i32_0 : i32, i32, i32
  }
  func.func @transform_2(%arg0: i32) -> (i32, i32) {
    %c0_i32 = arith.constant 0 : i32
    %c0_i32_0 = arith.constant 0 : i32
    %c0_i32_1 = arith.constant 0 : i32
    return %c0_i32, %c0_i32_0 : i32, i32
  }
  func.func @transform_3(%arg0: i32) -> (i32, i32) {
    %c0_i32 = arith.constant 0 : i32
    %c0_i32_0 = arith.constant 0 : i32
    return %arg0, %c0_i32 : i32, i32
  }
  func.func @transform_4(%arg0: i32) -> (i32, i32) {
    %c0_i32 = arith.constant 0 : i32
    %c0_i32_0 = arith.constant 0 : i32
    return %arg0, %c0_i32 : i32, i32
  }
  func.func @transform_5(%arg0: i32) -> (i32, i32) {
    %c0_i32 = arith.constant 0 : i32
    %c0_i32_0 = arith.constant 0 : i32
    return %arg0, %c0_i32 : i32, i32
  }
  func.func @transform_6(%arg0: i32) -> (i32, i32) {
    %c0_i32 = arith.constant 0 : i32
    %c0_i32_0 = arith.constant 0 : i32
    %c0_i32_1 = arith.constant 0 : i32
    return %c0_i32, %c0_i32_0 : i32, i32
  }
  func.func @transform_7(%arg0: i32) -> (i32, i32) {
    %c0_i32 = arith.constant 0 : i32
    %c0_i32_0 = arith.constant 0 : i32
    %c0_i32_1 = arith.constant 0 : i32
    return %c0_i32, %c0_i32_0 : i32, i32
  }
  func.func @transform_8(%arg0: i32) -> (i32, i32) {
    %c0_i32 = arith.constant 0 : i32
    %c0_i32_0 = arith.constant 0 : i32
    return %arg0, %c0_i32 : i32, i32
  }
}

</mosaic_0001>

<sc_bundles>
// kernel: kernel.12.cloned.1.call-start
scs
__scs_entry_jumppad:
0x0: {  	(pc) =	sbr.rel $0x88, $3  }
0x1: {  	(tag) =	ssettag $0x0;
	lr =	simm.s32 $0x1  }
0x2: {  	[smem:$0x3F95] =	sst lr;
	_ =	strace $0xD0000000  }
0x3: {  	_ = 	snop  }
0x4: {  	_ = 	snop  }
0x5: {  	_ = 	snop  }
0x6: {  	_ = 	snop  }
0x7: {  	_ = 	snop  }
__scs_overlays_trampoline_lowered:
0x8: {  	[smem:$0x3FA4] =	sst s0  }
0x9: {  	[smem:$0x3FA5] =	sst s1  }
0xa: {  	[smem:$0x3FA6] =	sst s2  }
0xb: {  	[smem:$0x3FA7] =	sst s3  }
0xc: {  	[smem:$0x3FA8] =	sst s4  }
0xd: {  	[smem:$0x3FA9] =	sst s5  }
0xe: {  	[smem:$0x3FAA] =	sst s6  }
0xf: {  	[smem:$0x3FAB] =	sst s7  }
0x10: {  	[smem:$0x3FAC] =	sst s8  }
0x11: {  	[smem:$0x3FAD] =	sst s9;
	s0 =	simm.s32 @!p0 $0x0  }
0x12: {  	s1 =	sld [smem:$0x3F93];
	s0 =	simm.s32 @p0 $0x1  }
0x13: {  	[smem:$0x3FAE] =	sst s0;
	s0 =	simm.s32 @!p1 $0x0  }
0x14: {  	s2 =	sld [smem:$0x3F92];
	s0 =	simm.s32 @p1 $0x1  }
0x15: {  	[smem:$0x3FAF] =	sst s0;
	s0 =	simm.s32 @!p2 $0x0  }
0x16: {  	s3 =	sld [smem:$0x3FDB];
	s0 =	simm.s32 @p2 $0x1  }
0x17: {  	s4 =	simm.s32 $0x1BF5;
	[smem:$0x3FB1] =	sst s0  }
0x18: {  	s0 =	sld [smem:$0x3F94];
	_ =	swait.ge [sflag:s4], $0x0  }
0x19: {  	s7 =	sld [smem:$0x3F95]  }
0x1a: {  	s8 =	sadd.s32 $0xFFFFE003, lr  }
0x1b: {  	s9 =	sadd.s32 $0xFFFFFEF7, lr;
	s5 =	simm.s32 $0xFFFFFFFF;
	p2 =	slt.u32 s8, $0xFFFFF086  }
0x1c: {  	p1 =	slt.u32 s9, $0xF7A;
	s5 =	simm.s32 @!p2 $0x0  }
0x1d: {  	s5 =	simm.s32 @p1 $0x1;
	p0 =	seq.s32 s7, s2  }
0x1e: {  	s7 =	smul.u32 @!p0 $0xF7A, s2;
	p2 =	seq.s32 @!p0 s5, $0x0  }
0x1f: {  	s9 =	smul.u32 $0xF7A, s1;
	s8 =	simm.s32 @!p0 $0x1BF5;
	p2 =	por !p2, p0  }
0x20: {  	[sflag:s8] =	ssyncset.s32 @!p0 $0xFFFFF086;
	s6 =	sadd.s32 @!p0 s3, s7;
	s7 =	simm.s32 @!p0 $0x108  }
0x21: {  	s3 =	sadd.s32 s3, s9;
	s6 =	sadd.s32 @!p0 $0x88, s6;
	s7 =	simm.s32 @p2 $0x1082  }
0x22: {  	[simem:s7], [sflag:s8] =	dma.local @!p0 [hbm:s6], $0xF7A  }
0x23: {  	s9 =	sor.u32 $0xD0000000, s2;
	s6 =	simm.s32 $0x108;
	_ =	swait.ge @!p0 [sflag:s8], $0x0  }
0x24: {  	s3 =	sadd.s32 $0x88, s3;
	s6 =	simm.s32 @!p1 $0x1082;
	[sflag:s4] =	ssyncset.s32 $0xFFFFF086  }
0x25: {  	[simem:s6], [sflag:s4] =	dma.local [hbm:s3], $0xF7A  }
0x26: {  	[smem:$0x3F95] =	sst s1;
	(tag) =	ssettag s2;
	_ =	strace s9  }
0x27: {  	s1 =	sld [smem:$0x3FA5]  }
0x28: {  	s2 =	sld [smem:$0x3FA6]  }
0x29: {  	s4 =	sld [smem:$0x3FA8]  }
0x2a: {  	p0 =	seq.s32 s5, $0x0;
	s5 =	sld [smem:$0x3FA9]  }
0x2b: {  	s6 =	sld [smem:$0x3FAA]  }
0x2c: {  	s7 =	sld [smem:$0x3FAB]  }
0x2d: {  	s3 =	simm.s32 $0x108;
	s8 =	sld [smem:$0x3FAC]  }
0x2e: {  	s3 =	simm.s32 @!p0 $0x1082;
	s9 =	sld [smem:$0x3FAD]  }
0x2f: {  	lr =	sadd.s32 s0, s3;
	s0 =	sld [smem:$0x3FA4]  }
0x30: {  	s3 =	sld [smem:$0x3FA7]  }
0x31: {  	[smem:$0x3FB0] =	sst s10  }
0x32: {  	s10 =	sld [smem:$0x3FAE];
	_ =	sdelay $0x3  }
0x33: {  	p0 =	seq.s32 s10, $0x1;
	s10 =	sld [smem:$0x3FB0];
	_ =	sdelay $0x3  }
0x34: {  	[smem:$0x3FB0] =	sst s10  }
0x35: {  	s10 =	sld [smem:$0x3FAF];
	_ =	sdelay $0x3  }
0x36: {  	p1 =	seq.s32 s10, $0x1;
	s10 =	sld [smem:$0x3FB0];
	_ =	sdelay $0x3  }
0x37: {  	[smem:$0x3FB0] =	sst s10  }
0x38: {  	s10 =	sld [smem:$0x3FB1]  }
0x39: {  	_ = 	snop;
	(pc) =	sbr.ind lr, $3  }
0x3a: {  	_ = 	snop  }
0x3b: {  	_ = 	snop  }
0x3c: {  	p2 =	seq.s32 s10, $0x1;
	s10 =	sld [smem:$0x3FB0]  }
0x3d: {  	_ =	shalt  }
0x3e: {  	_ =	shalt  }
0x3f: {  	_ =	shalt  }
0x40: {  	_ =	shalt  }
0x41: {  	_ =	shalt  }
0x42: {  	_ =	shalt  }
0x43: {  	_ =	shalt  }
0x44: {  	_ =	shalt  }
0x45: {  	_ =	shalt  }
0x46: {  	_ =	shalt  }
0x47: {  	_ =	shalt  }
0x48: {  	_ =	shalt  }
0x49: {  	_ =	shalt  }
0x4a: {  	_ =	shalt  }
0x4b: {  	_ =	shalt  }
0x4c: {  	_ =	shalt  }
0x4d: {  	_ =	shalt  }
0x4e: {  	_ =	shalt  }
0x4f: {  	_ =	shalt  }
0x50: {  	_ =	shalt  }
0x51: {  	_ =	shalt  }
0x52: {  	_ =	shalt  }
0x53: {  	_ =	shalt  }
0x54: {  	_ =	shalt  }
0x55: {  	_ =	shalt  }
0x56: {  	_ =	shalt  }
0x57: {  	_ =	shalt  }
0x58: {  	_ =	shalt  }
0x59: {  	_ =	shalt  }
0x5a: {  	_ =	shalt  }
0x5b: {  	_ =	shalt  }
0x5c: {  	_ =	shalt  }
0x5d: {  	_ =	shalt  }
0x5e: {  	_ =	shalt  }
0x5f: {  	_ =	shalt  }
0x60: {  	_ =	shalt  }
0x61: {  	_ =	shalt  }
0x62: {  	_ =	shalt  }
0x63: {  	_ =	shalt  }
0x64: {  	_ =	shalt  }
0x65: {  	_ =	shalt  }
0x66: {  	_ =	shalt  }
0x67: {  	_ =	shalt  }
0x68: {  	_ =	shalt  }
0x69: {  	_ =	shalt  }
0x6a: {  	_ =	shalt  }
0x6b: {  	_ =	shalt  }
0x6c: {  	_ =	shalt  }
0x6d: {  	_ =	shalt  }
0x6e: {  	_ =	shalt  }
0x6f: {  	_ =	shalt  }
0x70: {  	_ =	shalt  }
0x71: {  	_ =	shalt  }
0x72: {  	_ =	shalt  }
0x73: {  	_ =	shalt  }
0x74: {  	_ =	shalt  }
0x75: {  	_ =	shalt  }
0x76: {  	_ =	shalt  }
0x77: {  	_ =	shalt  }
0x78: {  	_ =	shalt  }
0x79: {  	_ =	shalt  }
0x7a: {  	_ =	shalt  }
0x7b: {  	_ =	shalt  }
0x7c: {  	_ =	shalt  }
0x7d: {  	_ =	shalt  }
0x7e: {  	_ =	shalt  }
0x7f: {  	_ =	shalt  }
0x80: {  	_ =	shalt  }
0x81: {  	_ =	shalt  }
0x82: {  	_ =	shalt  }
0x83: {  	_ =	shalt  }
0x84: {  	_ =	shalt  }
0x85: {  	_ =	shalt  }
0x86: {  	_ =	shalt  }
0x87: {  	_ =	shalt  }
.Lfunc_end0:
.L_simem_size_0:
called_computation_lowered:
.L_overlay_start_0:
0x88: {  	s2 =	sld [smem:$0x3FD9]  }
0x89: {  	s3 =	sld [smem:$0x3FFE];
	_ =	sdelay $0x1  }
0x8a: {  	s1 =	srdreg.scid  }
0x8b: {  	s0 =	sand.u32 $0x1, s1  }
0x8c: {  	s17 =	sshll.u32 s0, $0xA;
	s2 =	sadd.s32 s3, s2  }
0x8d: {  	s2 =	sadd.s32 s2, s17  }
0x8e: {  	[smem:$0x3FBC] =	sst s2  }
0x8f: {  	_ = 	snop  }
0x90: {  	s2 =	sld [smem:$0x3FD0];
	(tm) =	ssettm $0x1  }
0x91: {  	s18 =	sld [smem:$0x3FFB];
	_ =	sdelay $0x3  }
0x92: {  	_ =	strace s18  }
0x93: {  	s3 =	sld [smem:$0x3FFC];
	_ =	sdelay $0x3  }
0x94: {  	_ =	strace s3  }
0x95: {  	s3 =	sld [smem:$0x3FFD];
	_ =	sdelay $0x3  }
0x96: {  	_ =	strace s3  }
0x97: {  	_ =	strace $0x8FFFFFFF  }
0x98: {  	s19 =	sld [smem:$0x3FDB];
	_ =	sdelay $0x1  }
0x99: {  	s4 =	simm.s32 $_scs_section_size  }
0x9a: {  	s5 =	simm.s32 $_size__tile_overlayer_lowered;
	s6 =	simm.s32 $_tile_overlayer_lowered  }
0x9b: {  	s22 =	simm.s32 $0x1BFF;
	s21 =	sshll.u32 s6, $0x1;
	s3 =	sadd.s32 s4, s19  }
0x9c: {  	s7 =	simm.s32 $0x0;
	s20 =	sshll.u32 s5, $0x1;
	s5 =	sadd.s32 s21, s3  }
0x9d: {  	[timem:s7], [sflag:s22] =	dma.local [hbm:s5], s20  }
0x9e: {  	_ =	swait.ge [sflag:s22], s20  }
0x9f: {  	s4 =	ssub.s32 $0x0, s20;
	[sflag:s22] =	ssyncset.done $0x0  }
0xa0: {  	[sflag:s22] =	ssyncadd.s32 s4;
	_ =	sdelay $0x1  }
0xa1: {  	s23 =	simm.s32 $0x1B8B  }
0xa2: {  	_ =	swait.ge [sflag:s23], $0x1  }
0xa3: {  	[sflag:s23] =	ssyncset.done $0x0  }
0xa4: {  	s25 =	simm.s32 $0x1B8E;
	s24 =	sld [smem:$0x3FFE];
	[sflag:s23] =	ssyncadd.s32 $0xFFFFFFFF  }
0xa5: {  	s26 =	simm.s32 $execute0_lowered;
	[smem:$0x3FD2] =	sst s25  }
0xa6: {  	s5 =	sshll.u32 s26, $0x1;
	_ =	strace $0x80000046;
	[dreg:$0x1] =	wrdreg $0xFFFFFFFF  }
0xa7: {  	s28 =	simm.s32 $_size_execute0_lowered;
	s3 =	sadd.s32 s3, s5;
	[dreg:$0x0] =	wrdreg $0x0  }
0xa8: {  	s5 =	sshll.u32 s28, $0x1;
	[dreg:$0x2] =	wrdreg s3  }
0xa9: {  	[dreg:$0x3] =	wrdreg s5  }
0xaa: {  	[dreg:$0x4] =	wrdreg $0xC0  }
0xab: {  	_ =	task [dreg:s7], $0x5FFFF  }
0xac: {  	[dreg:$0x1] =	wrdreg $0xFFFFFFFF  }
0xad: {  	[dreg:$0x0] =	wrdreg $0x60  }
0xae: {  	[dreg:$0x2] =	wrdreg s2  }
0xaf: {  	[dreg:$0x3] =	wrdreg s24  }
0xb0: {  	[dreg:$0x4] =	wrdreg $0x94000  }
0xb1: {  	[dreg:$0x5] =	wrdreg $0x9  }
0xb2: {  	_ =	task.clear_ibuf [dreg:s7], $0x6FFFF;
	_ =	strace $0x90000046  }
0xb3: {  	s29 =	simm.s32 $0x9;
	_ =	strace $0x80000048  }
0xb4: {  	_ =	swait.ge [sflag:s29], $0x1  }
0xb5: {  	[sflag:s29] =	ssyncadd.s32 $0xFFFFFFFF  }
0xb6: {  	_ =	strace $0x90000048  }
0xb7: {  	_ =	sfence  }
0xb8: {  	s30 =	sld [smem:$0x0];
	_ =	sdelay $0x2  }
0xb9: {  	s31 =	sshll.u32 s1, $0xD;
	s1 =	sshrl.u32 s1, $0x2  }
0xba: {  	s3 =	sand.u32 $0x4000, s31;
	s1 =	sadd.s32 s1, s30  }
0xbb: {  	s0 =	sor.u32 s3, s0;
	s1 =	sshll.u32 s1, $0x11  }
0xbc: {  	s0 =	sor.u32 s1, s0  }
0xbd: {  	s0 =	sadd.s32 $0x8F2B, s0  }
0xbe: {  	[sflag:s0] =	ssyncadd.remote.s32 $0x1  }
0xbf: {  	_ =	sfence.sel $0xFFFF  }
0xc0: {  	[dreg:$0x0] =	wrdreg $0xFFFFFFFF;
	(pc) =	sbr.abs _section_cstart, $3  }
0xc1: {  	[dreg:$0x1] =	wrdreg $0xFFFFFFFF  }
0xc2: {  	_ =	task.clear_ibuf [dreg:s7], $0x2FFFF;
	_ =	strace $0x9FFFFFFF  }
0xc3: {  	(tm) =	ssettm $0x7FFFFFFF  }
tec
execute0_lowered:
.L_overlay_start_1:
0x0: {  	(tag) =	ssettag $0x1  }
0x1: {  	s7 =	rddreg [dreg:$0x0]  }
0x2: {  	s1 =	srdreg.scid;
	s6 =	rddreg [dreg:$0x1]  }
0x3: {  	s0 =	stileid.u32;
	s2 =	rddreg [dreg:$0x2];
	s3 =	simm.s32 $0x0  }
0x4: {  	s16 =	simm.s32 $0x80;
	s17 =	simm.s32 $0x1;
	s18 =	simm.s32 $0x0  }
0x5: {  	s5 =	sand.u32 $0x1, s1;
	s1 =	rddreg [dreg:$0x3];
	s10 =	smul.u32 $0x13C00, s0  }
0x6: {  	s26 =	sshll.u32 s0, $0x1;
	[smem:$0x7FF] =	sst s3;
	s12 =	smul.u32 $0x4F000, s0  }
0x7: {  	s31 =	sshll.u32 s0, $0x6;
	s8 =	sor.u32 s5, s26;
	s9 =	smul.u32 $0x140000, s5  }
0x8: {  	_ =	strace $0x80000047;
	s28 =	ssub.s32 $0x2, s5;
	s5 =	sadd.s32 $0xE200, s6  }
0x9: {  	s4 =	smul.u32 $0x500, s8;
	s29 =	sshrl.u32 s28, $0x1;
	s30 =	sshrl.u32 s12, $0x2  }
0xa: {  	s8 =	smul.u32 $0x580, s8;
	s9 =	sadd.s32 s10, s9;
	s14 =	ssub.s32 s28, s29  }
0xb: {  	s15 =	sadd.s32 s30, s2;
	s11 =	sadd.s32 s4, s6;
	s4 =	sadd.s32 $0x10A00, s6  }
0xc: {  	s9 =	sshrl.u32 s9, $0x3;
	s7 =	sadd.s32 s7, s8;
	s12 =	sshrl.u32 s15, $0x3  }
0xd: {  	s15 =	simm.s32 $0x2C00;
	s13 =	sadd.s32 s9, s6;
	s6 =	sor.u32 $0x1C02, s31  }
0xe: {  	s8 =	sadd.s32 $0x4200, s11;
	s11 =	smax.u32 s14, $0x1;
	s14 =	simm.s32 $0x5400  }
0xf: {  	s9 =	sadd.s32 $0x11200, s13;
	s10 =	sadd.s32 $0x61200, s13;
	s13 =	simm.s32 $0x2  }
.LBB2_1:
0x10: {  	[spmem:s12], [sflag:s6] =	dma.local [hbm:s5], $0x2780  }
0x11: {  	_ =	swait.ge [sflag:s13], $0x2780  }
0x12: {  	[sflag:s13] =	ssyncset.done $0x0  }
0x13: {  	[sflag:s13] =	ssyncadd.s32 $0xFFFFD880  }
0x14: {  	[tilespmem:s14], [sflag:$0x2] =	stream.linear.gather [hbm4b:s4+s3], $0x4000, $0x38;
	[tilespmem:$0x1D000] =	vst v63  }
0x15: {  	_ =	swait.ge [sflag:s13], $0x4000  }
0x16: {  	[sflag:s13] =	ssyncset.done $0x0  }
0x17: {  	[sflag:s13] =	ssyncadd.s32 $0xFFFFC000  }
0x18: {  	[tilespmem:s3], [sflag:$0x2] =	stream.linear.gather [hbm4b:s7+s3], $0x2880, $0x38;
	[tilespmem:$0x1D000] =	vst v63  }
0x19: {  	_ =	swait.ge [sflag:s13], $0x2880  }
0x1a: {  	[sflag:s13] =	ssyncset.done $0x0  }
0x1b: {  	[sflag:s13] =	ssyncadd.s32 $0xFFFFD780  }
0x1c: {  	[tilespmem:s15], [sflag:$0x2] =	stream.linear.gather [hbm4b:s8+s3], $0x2800, $0x38;
	[tilespmem:$0x1D000] =	vst v63  }
0x1d: {  	_ =	swait.ge [sflag:s13], $0x2800  }
0x1e: {  	[sflag:s13] =	ssyncset.done $0x0  }
0x1f: {  	[sflag:s13] =	ssyncadd.s32 $0xFFFFD800  }
0x20: {  	[bflag:$0x0] =	sbarrier.arrive $0xFFFF  }
0x21: {  	[spmem:s2] =	stream.indirect.scatter.add.f32 [tilespmem:s14], [sflag:$0x1], $0x80, s3, s16, $0xb8;
	[tilespmem:$0x1D000] =	vst v63  }
0x22: {  	_ =	swait.ge [sflag:s17], $0x4000  }
0x23: {  	[sflag:s17] =	ssyncset.done $0x0  }
0x24: {  	s19 =	simm.s32 $0x400;
	s20 =	simm.s32 $0x80;
	[sflag:s17] =	ssyncadd.s32 $0xFFFFC000  }
.LBB2_2:
0x25: {  	[spmem:s2] =	stream.indirect.scatter.add.f32 [tilespmem:s14], [sflag:$0x1], $0x80, s20, s16, $0xb8;
	[tilespmem:$0x1D000] =	vst v63  }
0x26: {  	s20 =	smov.u32 s19;
	p0 =	sne.s32 s19, $0x9E00  }
.Ltmp0:
0x27: {  	s19 =	sadd.s32 $0x200, s19;
	(pc) =	sbr.rel @p0 .LBB2_2-.Ltmp0, $4  }
0x28: {  	_ = 	snop  }
0x29: {  	_ =	swait.ge [sflag:s17], $0x4000  }
0x2a: {  	[sflag:s17] =	ssyncset.done $0x0  }
0x2b: {  	s20 =	sshra.s32 s20, $0x2;
	[sflag:s17] =	ssyncadd.s32 $0xFFFFC000  }
0x2c: {  	[spmem:s2] =	stream.indirect.scatter.add.f32 [tilespmem:s14], [sflag:$0x1], $0x80, s20, s16, $0xb8;
	[tilespmem:$0x1D000] =	vst v63  }
0x2d: {  	_ =	swait.ge [sflag:s17], $0x4000  }
0x2e: {  	[sflag:s17] =	ssyncset.done $0x0  }
0x2f: {  	[sflag:s17] =	ssyncadd.s32 $0xFFFFC000  }
0x30: {  	[bflag:$0x0] =	sbarrier.arrive $0xFFFF  }
0x31: {  	[hbm:s9], [sflag:s6] =	dma.local [spmem:s12], $0x2780  }
0x32: {  	_ =	swait.ge [sflag:s13], $0x2780  }
0x33: {  	[sflag:s13] =	ssyncset.done $0x0  }
0x34: {  	[sflag:s13] =	ssyncadd.s32 $0xFFFFD880  }
0x35: {  	[spmem:s12], [sflag:s6] =	dma.local [hbm:s5], $0x2780  }
0x36: {  	_ =	swait.ge [sflag:s13], $0x2780  }
0x37: {  	[sflag:s13] =	ssyncset.done $0x0  }
0x38: {  	[sflag:s13] =	ssyncadd.s32 $0xFFFFD880  }
0x39: {  	[bflag:$0x0] =	sbarrier.arrive $0xFFFF  }
0x3a: {  	[spmem:s2] =	stream.indirect.scatter.add.f32 [tilespmem:s14], [sflag:$0x1], $0x80, s15, s16, $0xb8;
	[tilespmem:$0x1D000] =	vst v63  }
0x3b: {  	_ =	swait.ge [sflag:s17], $0x4000  }
0x3c: {  	[sflag:s17] =	ssyncset.done $0x0  }
0x3d: {  	s19 =	simm.s32 $0x400;
	s20 =	simm.s32 $0x2C80;
	[sflag:s17] =	ssyncadd.s32 $0xFFFFC000  }
.LBB2_4:
0x3e: {  	[spmem:s2] =	stream.indirect.scatter.add.f32 [tilespmem:s14], [sflag:$0x1], $0x80, s20, s16, $0xb8;
	[tilespmem:$0x1D000] =	vst v63  }
0x3f: {  	s20 =	smov.u32 s19;
	p0 =	sne.s32 s19, $0x9E00  }
.Ltmp1:
0x40: {  	s19 =	sadd.s32 $0x200, s19;
	(pc) =	sbr.rel @p0 .LBB2_4-.Ltmp1, $4  }
0x41: {  	_ = 	snop  }
0x42: {  	_ =	swait.ge [sflag:s17], $0x4000  }
0x43: {  	s20 =	sshra.s32 s20, $0x2;
	[sflag:s17] =	ssyncset.done $0x0  }
0x44: {  	s20 =	sadd.s32 $0x2C00, s20;
	[sflag:s17] =	ssyncadd.s32 $0xFFFFC000  }
0x45: {  	[spmem:s2] =	stream.indirect.scatter.add.f32 [tilespmem:s14], [sflag:$0x1], $0x80, s20, s16, $0xb8;
	[tilespmem:$0x1D000] =	vst v63  }
0x46: {  	_ =	swait.ge [sflag:s17], $0x4000  }
0x47: {  	s18 =	sadd.s32 $0x1, s18;
	[sflag:s17] =	ssyncset.done $0x0  }
0x48: {  	p0 =	sne.s32 s18, s11;
	[sflag:s17] =	ssyncadd.s32 $0xFFFFC000  }
.Ltmp2:
0x49: {  	[bflag:$0x0] =	sbarrier.arrive $0xFFFF;
	(pc) =	sbr.rel @p0 .LBB2_1-.Ltmp2, $4  }
0x4a: {  	[hbm:s10], [sflag:s6] =	dma.local [spmem:s12], $0x2780  }
0x4b: {  	_ =	swait.ge [sflag:s13], $0x2780  }
0x4c: {  	[sflag:s13] =	ssyncset.done $0x0  }
0x4d: {  	[sflag:s13] =	ssyncadd.s32 $0xFFFFD880  }
0x4e: {  	_ =	sfence.sel $0x180000  }
0x4f: {  	[bflag:$0x0] =	sbarrier.arrive $0xFFFF  }
0x50: {  	p0 =	sne.s32 s0, $0x0;
	_ =	strace $0x90000047  }
0x51: {  	s0 =	sadd.s32 @!p0 $0x100000, s1;
	[bflag:$0x2] =	sbarrier.arrive $0xFFFF  }
0x52: {  	[sflag:s0] =	ssyncadd.tile.s32 @!p0 $0x1;
	_ =	shalt  }
.Lfunc_end2:
_tile_overlayer_lowered:
.L_overlay_start_2:
0x53: {  	(tag) =	ssettag $0x2  }
0x54: {  	s0 =	rddreg [dreg:$0x0];
	s2 =	stileid.u32  }
0x55: {  	s1 =	rddreg [dreg:$0x1];
	p0 =	sne.s32 s2, $0x0  }
0x56: {  	s3 =	rddreg [dreg:$0x2];
	[bflag:$0x3] =	sbarrier.arrive $0xFFFF;
	s2 =	simm.s32 @!p0 $0x1C02  }
0x57: {  	[timem:s3], [sflag:s2] =	dma.local @!p0 [hbm:s0], s1  }
0x58: {  	s0 =	simm.s32 @!p0 $0x2  }
0x59: {  	_ =	swait.ge @!p0 [sflag:s0], s1  }
0x5a: {  	s1 =	ssub.s32 @!p0 $0x0, s1;
	[sflag:s0] =	ssyncset.done @!p0 $0x0  }
0x5b: {  	[sflag:s0] =	ssyncadd.s32 @!p0 s1  }
0x5c: {  	[bflag:$0x3] =	sbarrier.arrive $0xFFFF  }
0x5d: {  	_ =	shalt  }

// kernel: kernel.15.cloned.1.call-start
scs
__scs_entry_jumppad:
0x0: {  	(pc) =	sbr.rel $0x88, $3  }
0x1: {  	(tag) =	ssettag $0x0;
	lr =	simm.s32 $0x1  }
0x2: {  	[smem:$0x3F95] =	sst lr;
	_ =	strace $0xD0000000  }
0x3: {  	_ = 	snop  }
0x4: {  	_ = 	snop  }
0x5: {  	_ = 	snop  }
0x6: {  	_ = 	snop  }
0x7: {  	_ = 	snop  }
__scs_overlays_trampoline_lowered:
0x8: {  	[smem:$0x3FA4] =	sst s0  }
0x9: {  	[smem:$0x3FA5] =	sst s1  }
0xa: {  	[smem:$0x3FA6] =	sst s2  }
0xb: {  	[smem:$0x3FA7] =	sst s3  }
0xc: {  	[smem:$0x3FA8] =	sst s4  }
0xd: {  	[smem:$0x3FA9] =	sst s5  }
0xe: {  	[smem:$0x3FAA] =	sst s6  }
0xf: {  	[smem:$0x3FAB] =	sst s7  }
0x10: {  	[smem:$0x3FAC] =	sst s8  }
0x11: {  	[smem:$0x3FAD] =	sst s9;
	s0 =	simm.s32 @!p0 $0x0  }
0x12: {  	s1 =	sld [smem:$0x3F93];
	s0 =	simm.s32 @p0 $0x1  }
0x13: {  	[smem:$0x3FAE] =	sst s0;
	s0 =	simm.s32 @!p1 $0x0  }
0x14: {  	s2 =	sld [smem:$0x3F92];
	s0 =	simm.s32 @p1 $0x1  }
0x15: {  	[smem:$0x3FAF] =	sst s0;
	s0 =	simm.s32 @!p2 $0x0  }
0x16: {  	s3 =	sld [smem:$0x3FDB];
	s0 =	simm.s32 @p2 $0x1  }
0x17: {  	s4 =	simm.s32 $0x1BF5;
	[smem:$0x3FB1] =	sst s0  }
0x18: {  	s0 =	sld [smem:$0x3F94];
	_ =	swait.ge [sflag:s4], $0x0  }
0x19: {  	s7 =	sld [smem:$0x3F95]  }
0x1a: {  	s8 =	sadd.s32 $0xFFFFE003, lr  }
0x1b: {  	s9 =	sadd.s32 $0xFFFFFEF7, lr;
	s5 =	simm.s32 $0xFFFFFFFF;
	p2 =	slt.u32 s8, $0xFFFFF086  }
0x1c: {  	p1 =	slt.u32 s9, $0xF7A;
	s5 =	simm.s32 @!p2 $0x0  }
0x1d: {  	s5 =	simm.s32 @p1 $0x1;
	p0 =	seq.s32 s7, s2  }
0x1e: {  	s7 =	smul.u32 @!p0 $0xF7A, s2;
	p2 =	seq.s32 @!p0 s5, $0x0  }
0x1f: {  	s9 =	smul.u32 $0xF7A, s1;
	s8 =	simm.s32 @!p0 $0x1BF5;
	p2 =	por !p2, p0  }
0x20: {  	[sflag:s8] =	ssyncset.s32 @!p0 $0xFFFFF086;
	s6 =	sadd.s32 @!p0 s3, s7;
	s7 =	simm.s32 @!p0 $0x108  }
0x21: {  	s3 =	sadd.s32 s3, s9;
	s6 =	sadd.s32 @!p0 $0x88, s6;
	s7 =	simm.s32 @p2 $0x1082  }
0x22: {  	[simem:s7], [sflag:s8] =	dma.local @!p0 [hbm:s6], $0xF7A  }
0x23: {  	s9 =	sor.u32 $0xD0000000, s2;
	s6 =	simm.s32 $0x108;
	_ =	swait.ge @!p0 [sflag:s8], $0x0  }
0x24: {  	s3 =	sadd.s32 $0x88, s3;
	s6 =	simm.s32 @!p1 $0x1082;
	[sflag:s4] =	ssyncset.s32 $0xFFFFF086  }
0x25: {  	[simem:s6], [sflag:s4] =	dma.local [hbm:s3], $0xF7A  }
0x26: {  	[smem:$0x3F95] =	sst s1;
	(tag) =	ssettag s2;
	_ =	strace s9  }
0x27: {  	s1 =	sld [smem:$0x3FA5]  }
0x28: {  	s2 =	sld [smem:$0x3FA6]  }
0x29: {  	s4 =	sld [smem:$0x3FA8]  }
0x2a: {  	p0 =	seq.s32 s5, $0x0;
	s5 =	sld [smem:$0x3FA9]  }
0x2b: {  	s6 =	sld [smem:$0x3FAA]  }
0x2c: {  	s7 =	sld [smem:$0x3FAB]  }
0x2d: {  	s3 =	simm.s32 $0x108;
	s8 =	sld [smem:$0x3FAC]  }
0x2e: {  	s3 =	simm.s32 @!p0 $0x1082;
	s9 =	sld [smem:$0x3FAD]  }
0x2f: {  	lr =	sadd.s32 s0, s3;
	s0 =	sld [smem:$0x3FA4]  }
0x30: {  	s3 =	sld [smem:$0x3FA7]  }
0x31: {  	[smem:$0x3FB0] =	sst s10  }
0x32: {  	s10 =	sld [smem:$0x3FAE];
	_ =	sdelay $0x3  }
0x33: {  	p0 =	seq.s32 s10, $0x1;
	s10 =	sld [smem:$0x3FB0];
	_ =	sdelay $0x3  }
0x34: {  	[smem:$0x3FB0] =	sst s10  }
0x35: {  	s10 =	sld [smem:$0x3FAF];
	_ =	sdelay $0x3  }
0x36: {  	p1 =	seq.s32 s10, $0x1;
	s10 =	sld [smem:$0x3FB0];
	_ =	sdelay $0x3  }
0x37: {  	[smem:$0x3FB0] =	sst s10  }
0x38: {  	s10 =	sld [smem:$0x3FB1]  }
0x39: {  	_ = 	snop;
	(pc) =	sbr.ind lr, $3  }
0x3a: {  	_ = 	snop  }
0x3b: {  	_ = 	snop  }
0x3c: {  	p2 =	seq.s32 s10, $0x1;
	s10 =	sld [smem:$0x3FB0]  }
0x3d: {  	_ =	shalt  }
0x3e: {  	_ =	shalt  }
0x3f: {  	_ =	shalt  }
0x40: {  	_ =	shalt  }
0x41: {  	_ =	shalt  }
0x42: {  	_ =	shalt  }
0x43: {  	_ =	shalt  }
0x44: {  	_ =	shalt  }
0x45: {  	_ =	shalt  }
0x46: {  	_ =	shalt  }
0x47: {  	_ =	shalt  }
0x48: {  	_ =	shalt  }
0x49: {  	_ =	shalt  }
0x4a: {  	_ =	shalt  }
0x4b: {  	_ =	shalt  }
0x4c: {  	_ =	shalt  }
0x4d: {  	_ =	shalt  }
0x4e: {  	_ =	shalt  }
0x4f: {  	_ =	shalt  }
0x50: {  	_ =	shalt  }
0x51: {  	_ =	shalt  }
0x52: {  	_ =	shalt  }
0x53: {  	_ =	shalt  }
0x54: {  	_ =	shalt  }
0x55: {  	_ =	shalt  }
0x56: {  	_ =	shalt  }
0x57: {  	_ =	shalt  }
0x58: {  	_ =	shalt  }
0x59: {  	_ =	shalt  }
0x5a: {  	_ =	shalt  }
0x5b: {  	_ =	shalt  }
0x5c: {  	_ =	shalt  }
0x5d: {  	_ =	shalt  }
0x5e: {  	_ =	shalt  }
0x5f: {  	_ =	shalt  }
0x60: {  	_ =	shalt  }
0x61: {  	_ =	shalt  }
0x62: {  	_ =	shalt  }
0x63: {  	_ =	shalt  }
0x64: {  	_ =	shalt  }
0x65: {  	_ =	shalt  }
0x66: {  	_ =	shalt  }
0x67: {  	_ =	shalt  }
0x68: {  	_ =	shalt  }
0x69: {  	_ =	shalt  }
0x6a: {  	_ =	shalt  }
0x6b: {  	_ =	shalt  }
0x6c: {  	_ =	shalt  }
0x6d: {  	_ =	shalt  }
0x6e: {  	_ =	shalt  }
0x6f: {  	_ =	shalt  }
0x70: {  	_ =	shalt  }
0x71: {  	_ =	shalt  }
0x72: {  	_ =	shalt  }
0x73: {  	_ =	shalt  }
0x74: {  	_ =	shalt  }
0x75: {  	_ =	shalt  }
0x76: {  	_ =	shalt  }
0x77: {  	_ =	shalt  }
0x78: {  	_ =	shalt  }
0x79: {  	_ =	shalt  }
0x7a: {  	_ =	shalt  }
0x7b: {  	_ =	shalt  }
0x7c: {  	_ =	shalt  }
0x7d: {  	_ =	shalt  }
0x7e: {  	_ =	shalt  }
0x7f: {  	_ =	shalt  }
0x80: {  	_ =	shalt  }
0x81: {  	_ =	shalt  }
0x82: {  	_ =	shalt  }
0x83: {  	_ =	shalt  }
0x84: {  	_ =	shalt  }
0x85: {  	_ =	shalt  }
0x86: {  	_ =	shalt  }
0x87: {  	_ =	shalt  }
.Lfunc_end0:
.L_simem_size_0:
called_computation.1_lowered:
.L_overlay_start_0:
0x88: {  	s2 =	sld [smem:$0x3FD9]  }
0x89: {  	s3 =	sld [smem:$0x3FFE];
	_ =	sdelay $0x1  }
0x8a: {  	s1 =	srdreg.scid  }
0x8b: {  	s0 =	sand.u32 $0x1, s1  }
0x8c: {  	s17 =	sshll.u32 s0, $0xA;
	s2 =	sadd.s32 s3, s2  }
0x8d: {  	s2 =	sadd.s32 s2, s17  }
0x8e: {  	[smem:$0x3FBC] =	sst s2  }
0x8f: {  	_ = 	snop  }
0x90: {  	s2 =	sld [smem:$0x3FD0];
	(tm) =	ssettm $0x1  }
0x91: {  	s18 =	sld [smem:$0x3FFB];
	_ =	sdelay $0x3  }
0x92: {  	_ =	strace s18  }
0x93: {  	s3 =	sld [smem:$0x3FFC];
	_ =	sdelay $0x3  }
0x94: {  	_ =	strace s3  }
0x95: {  	s3 =	sld [smem:$0x3FFD];
	_ =	sdelay $0x3  }
0x96: {  	_ =	strace s3  }
0x97: {  	_ =	strace $0x8FFFFFFF  }
0x98: {  	s19 =	sld [smem:$0x3FDB];
	_ =	sdelay $0x1  }
0x99: {  	s4 =	simm.s32 $_scs_section_size  }
0x9a: {  	s5 =	simm.s32 $_size__tile_overlayer_lowered;
	s6 =	simm.s32 $_tile_overlayer_lowered  }
0x9b: {  	s22 =	simm.s32 $0x1BFF;
	s21 =	sshll.u32 s6, $0x1;
	s3 =	sadd.s32 s4, s19  }
0x9c: {  	s7 =	simm.s32 $0x0;
	s20 =	sshll.u32 s5, $0x1;
	s5 =	sadd.s32 s21, s3  }
0x9d: {  	[timem:s7], [sflag:s22] =	dma.local [hbm:s5], s20  }
0x9e: {  	_ =	swait.ge [sflag:s22], s20  }
0x9f: {  	s4 =	ssub.s32 $0x0, s20;
	[sflag:s22] =	ssyncset.done $0x0  }
0xa0: {  	[sflag:s22] =	ssyncadd.s32 s4;
	_ =	sdelay $0x1  }
0xa1: {  	s23 =	simm.s32 $0x1B8B  }
0xa2: {  	_ =	swait.ge [sflag:s23], $0x1  }
0xa3: {  	[sflag:s23] =	ssyncset.done $0x0  }
0xa4: {  	s25 =	simm.s32 $0x1B8E;
	s24 =	sld [smem:$0x3FFE];
	[sflag:s23] =	ssyncadd.s32 $0xFFFFFFFF  }
0xa5: {  	s26 =	simm.s32 $execute0_lowered;
	[smem:$0x3FD2] =	sst s25  }
0xa6: {  	s5 =	sshll.u32 s26, $0x1;
	_ =	strace $0x80000049;
	[dreg:$0x1] =	wrdreg $0xFFFFFFFF  }
0xa7: {  	s28 =	simm.s32 $_size_execute0_lowered;
	s3 =	sadd.s32 s3, s5;
	[dreg:$0x0] =	wrdreg $0x0  }
0xa8: {  	s5 =	sshll.u32 s28, $0x1;
	[dreg:$0x2] =	wrdreg s3  }
0xa9: {  	[dreg:$0x3] =	wrdreg s5  }
0xaa: {  	[dreg:$0x4] =	wrdreg $0xC0  }
0xab: {  	_ =	task [dreg:s7], $0x5FFFF  }
0xac: {  	[dreg:$0x1] =	wrdreg $0xFFFFFFFF  }
0xad: {  	[dreg:$0x0] =	wrdreg $0x60  }
0xae: {  	[dreg:$0x2] =	wrdreg s24  }
0xaf: {  	[dreg:$0x3] =	wrdreg s2  }
0xb0: {  	[dreg:$0x4] =	wrdreg $0x94000  }
0xb1: {  	[dreg:$0x5] =	wrdreg $0x9  }
0xb2: {  	_ =	task.clear_ibuf [dreg:s7], $0x6FFFF;
	_ =	strace $0x90000049  }
0xb3: {  	s29 =	simm.s32 $0x9;
	_ =	strace $0x8000004B  }
0xb4: {  	_ =	swait.ge [sflag:s29], $0x1  }
0xb5: {  	[sflag:s29] =	ssyncadd.s32 $0xFFFFFFFF  }
0xb6: {  	_ =	strace $0x9000004B  }
0xb7: {  	_ =	sfence  }
0xb8: {  	s30 =	sld [smem:$0x0];
	_ =	sdelay $0x2  }
0xb9: {  	s31 =	sshll.u32 s1, $0xD;
	s1 =	sshrl.u32 s1, $0x2  }
0xba: {  	s3 =	sand.u32 $0x4000, s31;
	s1 =	sadd.s32 s1, s30  }
0xbb: {  	s0 =	sor.u32 s3, s0;
	s1 =	sshll.u32 s1, $0x11  }
0xbc: {  	s0 =	sor.u32 s1, s0  }
0xbd: {  	s0 =	sadd.s32 $0x8F2B, s0  }
0xbe: {  	[sflag:s0] =	ssyncadd.remote.s32 $0x1  }
0xbf: {  	_ =	sfence.sel $0xFFFF  }
0xc0: {  	[dreg:$0x0] =	wrdreg $0xFFFFFFFF;
	(pc) =	sbr.abs _section_cstart, $3  }
0xc1: {  	[dreg:$0x1] =	wrdreg $0xFFFFFFFF  }
0xc2: {  	_ =	task.clear_ibuf [dreg:s7], $0x2FFFF;
	_ =	strace $0x9FFFFFFF  }
0xc3: {  	(tm) =	ssettm $0x7FFFFFFF  }
tec
execute0_lowered:
.L_overlay_start_1:
0x0: {  	(tag) =	ssettag $0x1  }
0x1: {  	s6 =	rddreg [dreg:$0x0]  }
0x2: {  	s1 =	srdreg.scid;
	s7 =	rddreg [dreg:$0x1]  }
0x3: {  	s0 =	stileid.u32;
	s2 =	rddreg [dreg:$0x2];
	s3 =	simm.s32 $0x0  }
0x4: {  	s14 =	simm.s32 $0x80;
	s15 =	simm.s32 $0x5400;
	s16 =	simm.s32 $0x1  }
0x5: {  	s17 =	simm.s32 $0x2;
	s18 =	simm.s32 $0x0;
	s5 =	sand.u32 $0x1, s1  }
0x6: {  	s29 =	sshll.u32 s0, $0x1;
	s1 =	rddreg [dreg:$0x3];
	s11 =	smul.u32 $0x13C00, s0  }
0x7: {  	[smem:$0x7FF] =	sst s3;
	s4 =	sadd.s32 $0xB1200, s6;
	s12 =	smul.u32 $0x4F000, s0  }
0x8: {  	s13 =	sshll.u32 s0, $0x6;
	s8 =	sor.u32 s5, s29;
	s10 =	smul.u32 $0x140000, s5  }
0x9: {  	_ =	strace $0x8000004A;
	s30 =	ssub.s32 $0x2, s5;
	s5 =	sadd.s32 $0xE200, s6  }
0xa: {  	s9 =	smul.u32 $0x500, s8;
	s31 =	sshrl.u32 s30, $0x1;
	s12 =	sshrl.u32 s12, $0x2  }
0xb: {  	s8 =	smul.u32 $0x580, s8;
	s10 =	sadd.s32 s11, s10;
	s11 =	ssub.s32 s30, s31  }
0xc: {  	s12 =	sadd.s32 s12, s2;
	s9 =	sadd.s32 s9, s6;
	s10 =	sshrl.u32 s10, $0x3  }
0xd: {  	s7 =	sadd.s32 s7, s8;
	s10 =	sadd.s32 s10, s6;
	s6 =	sor.u32 $0x1C03, s13  }
0xe: {  	s8 =	sadd.s32 $0x4200, s9;
	s13 =	simm.s32 $0x2C00;
	s9 =	sadd.s32 $0xD9200, s10  }
0xf: {  	s10 =	smax.u32 s11, $0x1;
	s11 =	sshrl.u32 s12, $0x3;
	s12 =	simm.s32 $0x3  }
.LBB2_1:
0x10: {  	[spmem:s11], [sflag:s6] =	dma.local [hbm:s5], $0x2780  }
0x11: {  	_ =	swait.ge [sflag:s12], $0x2780  }
0x12: {  	[sflag:s12] =	ssyncset.done $0x0  }
0x13: {  	[sflag:s12] =	ssyncadd.s32 $0xFFFFD880  }
0x14: {  	[tilespmem:s3], [sflag:$0x3] =	stream.linear.gather [hbm4b:s7+s3], $0x2880, $0x38;
	[tilespmem:$0x1D000] =	vst v63  }
0x15: {  	_ =	swait.ge [sflag:s12], $0x2880  }
0x16: {  	[sflag:s12] =	ssyncset.done $0x0  }
0x17: {  	[sflag:s12] =	ssyncadd.s32 $0xFFFFD780  }
0x18: {  	[tilespmem:s13], [sflag:$0x3] =	stream.linear.gather [hbm4b:s8+s3], $0x2800, $0x38;
	[tilespmem:$0x1D000] =	vst v63  }
0x19: {  	_ =	swait.ge [sflag:s12], $0x2800  }
0x1a: {  	[sflag:s12] =	ssyncset.done $0x0  }
0x1b: {  	[sflag:s12] =	ssyncadd.s32 $0xFFFFD800  }
0x1c: {  	[bflag:$0x0] =	sbarrier.arrive $0xFFFF  }
0x1d: {  	[tilespmem:s15], [sflag:$0x1] =	stream.indirect.gather [hbm4b:s4+s14], $0x80, s3, s14, $0xb8;
	[tilespmem:$0x1D000] =	vst v63  }
0x1e: {  	_ =	swait.ge [sflag:s16], $0x4000  }
0x1f: {  	[sflag:s16] =	ssyncset.done $0x0  }
0x20: {  	s19 =	simm.s32 $0x2C00;
	[sflag:s16] =	ssyncadd.s32 $0xFFFFC000  }
0x21: {  	[spmem:s2] =	stream.indirect.scatter.add.f32 [tilespmem:s15], [sflag:$0x2], $0x80, s19, s14, $0xb8;
	[tilespmem:$0x1D000] =	vst v63  }
0x22: {  	_ =	swait.ge [sflag:s17], $0x4000  }
0x23: {  	[sflag:s17] =	ssyncset.done $0x0  }
0x24: {  	s20 =	simm.s32 $0x80;
	s19 =	simm.s32 $0x200;
	[sflag:s17] =	ssyncadd.s32 $0xFFFFC000  }
.LBB2_2:
0x25: {  	[tilespmem:s15], [sflag:$0x1] =	stream.indirect.gather [hbm4b:s4+s14], $0x80, s20, s14, $0xb8;
	[tilespmem:$0x1D000] =	vst v63  }
0x26: {  	s20 =	smov.u32 s19  }
0x27: {  	p0 =	sne.s32 s19, $0x9E00;
	s19 =	sadd.s32 $0x200, s19;
	_ =	swait.ge [sflag:s16], $0x4000  }
0x28: {  	s20 =	sshra.s32 s20, $0x2;
	[sflag:s16] =	ssyncset.done $0x0  }
.Ltmp0:
0x29: {  	s21 =	sadd.s32 $0x2C00, s20;
	[sflag:s16] =	ssyncadd.s32 $0xFFFFC000;
	(pc) =	sbr.rel @p0 .LBB2_2-.Ltmp0, $4  }
0x2a: {  	[spmem:s2] =	stream.indirect.scatter.add.f32 [tilespmem:s15], [sflag:$0x2], $0x80, s21, s14, $0xb8;
	[tilespmem:$0x1D000] =	vst v63  }
0x2b: {  	_ =	swait.ge [sflag:s17], $0x4000  }
0x2c: {  	[sflag:s17] =	ssyncset.done $0x0  }
0x2d: {  	s20 =	sadd.s32 $0x80, s20;
	[sflag:s17] =	ssyncadd.s32 $0xFFFFC000  }
0x2e: {  	[tilespmem:s15], [sflag:$0x1] =	stream.indirect.gather [hbm4b:s4+s14], $0x80, s20, s14, $0xb8;
	[tilespmem:$0x1D000] =	vst v63  }
0x2f: {  	_ =	swait.ge [sflag:s16], $0x4000  }
0x30: {  	s18 =	sadd.s32 $0x1, s18;
	[sflag:s16] =	ssyncset.done $0x0  }
0x31: {  	p0 =	sne.s32 s18, s10;
	[sflag:s16] =	ssyncadd.s32 $0xFFFFC000  }
.Ltmp1:
0x32: {  	[bflag:$0x0] =	sbarrier.arrive $0xFFFF;
	(pc) =	sbr.rel @p0 .LBB2_1-.Ltmp1, $4  }
0x33: {  	[hbm:s9], [sflag:s6] =	dma.local [spmem:s11], $0x2780  }
0x34: {  	_ =	swait.ge [sflag:s12], $0x2780  }
0x35: {  	[sflag:s12] =	ssyncset.done $0x0  }
0x36: {  	[sflag:s12] =	ssyncadd.s32 $0xFFFFD880  }
0x37: {  	_ =	sfence.sel $0x180000  }
0x38: {  	[bflag:$0x0] =	sbarrier.arrive $0xFFFF  }
0x39: {  	p0 =	sne.s32 s0, $0x0;
	_ =	strace $0x9000004A  }
0x3a: {  	s0 =	sadd.s32 @!p0 $0x100000, s1;
	[bflag:$0x2] =	sbarrier.arrive $0xFFFF  }
0x3b: {  	[sflag:s0] =	ssyncadd.tile.s32 @!p0 $0x1;
	_ =	shalt  }
.Lfunc_end2:
_tile_overlayer_lowered:
.L_overlay_start_2:
0x3c: {  	(tag) =	ssettag $0x2  }
0x3d: {  	s0 =	rddreg [dreg:$0x0];
	s2 =	stileid.u32  }
0x3e: {  	s1 =	rddreg [dreg:$0x1];
	p0 =	sne.s32 s2, $0x0  }
0x3f: {  	s3 =	rddreg [dreg:$0x2];
	[bflag:$0x3] =	sbarrier.arrive $0xFFFF;
	s2 =	simm.s32 @!p0 $0x1C03  }
0x40: {  	[timem:s3], [sflag:s2] =	dma.local @!p0 [hbm:s0], s1  }
0x41: {  	s0 =	simm.s32 @!p0 $0x3  }
0x42: {  	_ =	swait.ge @!p0 [sflag:s0], s1  }
0x43: {  	s1 =	ssub.s32 @!p0 $0x0, s1;
	[sflag:s0] =	ssyncset.done @!p0 $0x0  }
0x44: {  	[sflag:s0] =	ssyncadd.s32 @!p0 s1  }
0x45: {  	[bflag:$0x3] =	sbarrier.arrive $0xFFFF  }
0x46: {  	_ =	shalt  }

// kernel: kernel.18.cloned.1.call-start
scs
__scs_entry_jumppad:
0x0: {  	(pc) =	sbr.rel $0x88, $3  }
0x1: {  	(tag) =	ssettag $0x0;
	lr =	simm.s32 $0x1  }
0x2: {  	[smem:$0x3F95] =	sst lr;
	_ =	strace $0xD0000000  }
0x3: {  	_ = 	snop  }
0x4: {  	_ = 	snop  }
0x5: {  	_ = 	snop  }
0x6: {  	_ = 	snop  }
0x7: {  	_ = 	snop  }
__scs_overlays_trampoline_lowered:
0x8: {  	[smem:$0x3FA4] =	sst s0  }
0x9: {  	[smem:$0x3FA5] =	sst s1  }
0xa: {  	[smem:$0x3FA6] =	sst s2  }
0xb: {  	[smem:$0x3FA7] =	sst s3  }
0xc: {  	[smem:$0x3FA8] =	sst s4  }
0xd: {  	[smem:$0x3FA9] =	sst s5  }
0xe: {  	[smem:$0x3FAA] =	sst s6  }
0xf: {  	[smem:$0x3FAB] =	sst s7  }
0x10: {  	[smem:$0x3FAC] =	sst s8  }
0x11: {  	[smem:$0x3FAD] =	sst s9;
	s0 =	simm.s32 @!p0 $0x0  }
0x12: {  	s1 =	sld [smem:$0x3F93];
	s0 =	simm.s32 @p0 $0x1  }
0x13: {  	[smem:$0x3FAE] =	sst s0;
	s0 =	simm.s32 @!p1 $0x0  }
0x14: {  	s2 =	sld [smem:$0x3F92];
	s0 =	simm.s32 @p1 $0x1  }
0x15: {  	[smem:$0x3FAF] =	sst s0;
	s0 =	simm.s32 @!p2 $0x0  }
0x16: {  	s3 =	sld [smem:$0x3FDB];
	s0 =	simm.s32 @p2 $0x1  }
0x17: {  	s4 =	simm.s32 $0x1BF5;
	[smem:$0x3FB1] =	sst s0  }
0x18: {  	s0 =	sld [smem:$0x3F94];
	_ =	swait.ge [sflag:s4], $0x0  }
0x19: {  	s7 =	sld [smem:$0x3F95]  }
0x1a: {  	s8 =	sadd.s32 $0xFFFFE003, lr  }
0x1b: {  	s9 =	sadd.s32 $0xFFFFFEF7, lr;
	s5 =	simm.s32 $0xFFFFFFFF;
	p2 =	slt.u32 s8, $0xFFFFF086  }
0x1c: {  	p1 =	slt.u32 s9, $0xF7A;
	s5 =	simm.s32 @!p2 $0x0  }
0x1d: {  	s5 =	simm.s32 @p1 $0x1;
	p0 =	seq.s32 s7, s2  }
0x1e: {  	s7 =	smul.u32 @!p0 $0xF7A, s2;
	p2 =	seq.s32 @!p0 s5, $0x0  }
0x1f: {  	s9 =	smul.u32 $0xF7A, s1;
	s8 =	simm.s32 @!p0 $0x1BF5;
	p2 =	por !p2, p0  }
0x20: {  	[sflag:s8] =	ssyncset.s32 @!p0 $0xFFFFF086;
	s6 =	sadd.s32 @!p0 s3, s7;
	s7 =	simm.s32 @!p0 $0x108  }
0x21: {  	s3 =	sadd.s32 s3, s9;
	s6 =	sadd.s32 @!p0 $0x88, s6;
	s7 =	simm.s32 @p2 $0x1082  }
0x22: {  	[simem:s7], [sflag:s8] =	dma.local @!p0 [hbm:s6], $0xF7A  }
0x23: {  	s9 =	sor.u32 $0xD0000000, s2;
	s6 =	simm.s32 $0x108;
	_ =	swait.ge @!p0 [sflag:s8], $0x0  }
0x24: {  	s3 =	sadd.s32 $0x88, s3;
	s6 =	simm.s32 @!p1 $0x1082;
	[sflag:s4] =	ssyncset.s32 $0xFFFFF086  }
0x25: {  	[simem:s6], [sflag:s4] =	dma.local [hbm:s3], $0xF7A  }
0x26: {  	[smem:$0x3F95] =	sst s1;
	(tag) =	ssettag s2;
	_ =	strace s9  }
0x27: {  	s1 =	sld [smem:$0x3FA5]  }
0x28: {  	s2 =	sld [smem:$0x3FA6]  }
0x29: {  	s4 =	sld [smem:$0x3FA8]  }
0x2a: {  	p0 =	seq.s32 s5, $0x0;
	s5 =	sld [smem:$0x3FA9]  }
0x2b: {  	s6 =	sld [smem:$0x3FAA]  }
0x2c: {  	s7 =	sld [smem:$0x3FAB]  }
0x2d: {  	s3 =	simm.s32 $0x108;
	s8 =	sld [smem:$0x3FAC]  }
0x2e: {  	s3 =	simm.s32 @!p0 $0x1082;
	s9 =	sld [smem:$0x3FAD]  }
0x2f: {  	lr =	sadd.s32 s0, s3;
	s0 =	sld [smem:$0x3FA4]  }
0x30: {  	s3 =	sld [smem:$0x3FA7]  }
0x31: {  	[smem:$0x3FB0] =	sst s10  }
0x32: {  	s10 =	sld [smem:$0x3FAE];
	_ =	sdelay $0x3  }
0x33: {  	p0 =	seq.s32 s10, $0x1;
	s10 =	sld [smem:$0x3FB0];
	_ =	sdelay $0x3  }
0x34: {  	[smem:$0x3FB0] =	sst s10  }
0x35: {  	s10 =	sld [smem:$0x3FAF];
	_ =	sdelay $0x3  }
0x36: {  	p1 =	seq.s32 s10, $0x1;
	s10 =	sld [smem:$0x3FB0];
	_ =	sdelay $0x3  }
0x37: {  	[smem:$0x3FB0] =	sst s10  }
0x38: {  	s10 =	sld [smem:$0x3FB1]  }
0x39: {  	_ = 	snop;
	(pc) =	sbr.ind lr, $3  }
0x3a: {  	_ = 	snop  }
0x3b: {  	_ = 	snop  }
0x3c: {  	p2 =	seq.s32 s10, $0x1;
	s10 =	sld [smem:$0x3FB0]  }
0x3d: {  	_ =	shalt  }
0x3e: {  	_ =	shalt  }
0x3f: {  	_ =	shalt  }
0x40: {  	_ =	shalt  }
0x41: {  	_ =	shalt  }
0x42: {  	_ =	shalt  }
0x43: {  	_ =	shalt  }
0x44: {  	_ =	shalt  }
0x45: {  	_ =	shalt  }
0x46: {  	_ =	shalt  }
0x47: {  	_ =	shalt  }
0x48: {  	_ =	shalt  }
0x49: {  	_ =	shalt  }
0x4a: {  	_ =	shalt  }
0x4b: {  	_ =	shalt  }
0x4c: {  	_ =	shalt  }
0x4d: {  	_ =	shalt  }
0x4e: {  	_ =	shalt  }
0x4f: {  	_ =	shalt  }
0x50: {  	_ =	shalt  }
0x51: {  	_ =	shalt  }
0x52: {  	_ =	shalt  }
0x53: {  	_ =	shalt  }
0x54: {  	_ =	shalt  }
0x55: {  	_ =	shalt  }
0x56: {  	_ =	shalt  }
0x57: {  	_ =	shalt  }
0x58: {  	_ =	shalt  }
0x59: {  	_ =	shalt  }
0x5a: {  	_ =	shalt  }
0x5b: {  	_ =	shalt  }
0x5c: {  	_ =	shalt  }
0x5d: {  	_ =	shalt  }
0x5e: {  	_ =	shalt  }
0x5f: {  	_ =	shalt  }
0x60: {  	_ =	shalt  }
0x61: {  	_ =	shalt  }
0x62: {  	_ =	shalt  }
0x63: {  	_ =	shalt  }
0x64: {  	_ =	shalt  }
0x65: {  	_ =	shalt  }
0x66: {  	_ =	shalt  }
0x67: {  	_ =	shalt  }
0x68: {  	_ =	shalt  }
0x69: {  	_ =	shalt  }
0x6a: {  	_ =	shalt  }
0x6b: {  	_ =	shalt  }
0x6c: {  	_ =	shalt  }
0x6d: {  	_ =	shalt  }
0x6e: {  	_ =	shalt  }
0x6f: {  	_ =	shalt  }
0x70: {  	_ =	shalt  }
0x71: {  	_ =	shalt  }
0x72: {  	_ =	shalt  }
0x73: {  	_ =	shalt  }
0x74: {  	_ =	shalt  }
0x75: {  	_ =	shalt  }
0x76: {  	_ =	shalt  }
0x77: {  	_ =	shalt  }
0x78: {  	_ =	shalt  }
0x79: {  	_ =	shalt  }
0x7a: {  	_ =	shalt  }
0x7b: {  	_ =	shalt  }
0x7c: {  	_ =	shalt  }
0x7d: {  	_ =	shalt  }
0x7e: {  	_ =	shalt  }
0x7f: {  	_ =	shalt  }
0x80: {  	_ =	shalt  }
0x81: {  	_ =	shalt  }
0x82: {  	_ =	shalt  }
0x83: {  	_ =	shalt  }
0x84: {  	_ =	shalt  }
0x85: {  	_ =	shalt  }
0x86: {  	_ =	shalt  }
0x87: {  	_ =	shalt  }
.Lfunc_end0:
.L_simem_size_0:
called_computation.2_lowered:
.L_overlay_start_0:
0x88: {  	s2 =	sld [smem:$0x3FD9]  }
0x89: {  	s3 =	sld [smem:$0x3FFE];
	_ =	sdelay $0x1  }
0x8a: {  	s1 =	srdreg.scid  }
0x8b: {  	s0 =	sand.u32 $0x1, s1  }
0x8c: {  	s17 =	sshll.u32 s0, $0xA;
	s2 =	sadd.s32 s3, s2  }
0x8d: {  	s2 =	sadd.s32 s2, s17  }
0x8e: {  	[smem:$0x3FBC] =	sst s2  }
0x8f: {  	_ = 	snop  }
0x90: {  	s2 =	sld [smem:$0x3FD0];
	(tm) =	ssettm $0x1  }
0x91: {  	s18 =	sld [smem:$0x3FFB];
	_ =	sdelay $0x3  }
0x92: {  	_ =	strace s18  }
0x93: {  	s3 =	sld [smem:$0x3FFC];
	_ =	sdelay $0x3  }
0x94: {  	_ =	strace s3  }
0x95: {  	s3 =	sld [smem:$0x3FFD];
	_ =	sdelay $0x3  }
0x96: {  	_ =	strace s3  }
0x97: {  	_ =	strace $0x8FFFFFFF  }
0x98: {  	s19 =	sld [smem:$0x3FDB];
	_ =	sdelay $0x1  }
0x99: {  	s4 =	simm.s32 $_scs_section_size  }
0x9a: {  	s5 =	simm.s32 $_size__tile_overlayer_lowered;
	s6 =	simm.s32 $_tile_overlayer_lowered  }
0x9b: {  	s22 =	simm.s32 $0x1BFF;
	s21 =	sshll.u32 s6, $0x1;
	s3 =	sadd.s32 s4, s19  }
0x9c: {  	s7 =	simm.s32 $0x0;
	s20 =	sshll.u32 s5, $0x1;
	s5 =	sadd.s32 s21, s3  }
0x9d: {  	[timem:s7], [sflag:s22] =	dma.local [hbm:s5], s20  }
0x9e: {  	_ =	swait.ge [sflag:s22], s20  }
0x9f: {  	s4 =	ssub.s32 $0x0, s20;
	[sflag:s22] =	ssyncset.done $0x0  }
0xa0: {  	[sflag:s22] =	ssyncadd.s32 s4;
	_ =	sdelay $0x1  }
0xa1: {  	s23 =	simm.s32 $0x1B8B  }
0xa2: {  	_ =	swait.ge [sflag:s23], $0x1  }
0xa3: {  	[sflag:s23] =	ssyncset.done $0x0  }
0xa4: {  	s25 =	simm.s32 $0x1B8E;
	s24 =	sld [smem:$0x3FFE];
	[sflag:s23] =	ssyncadd.s32 $0xFFFFFFFF  }
0xa5: {  	s26 =	simm.s32 $execute0_lowered;
	[smem:$0x3FD2] =	sst s25  }
0xa6: {  	s5 =	sshll.u32 s26, $0x1;
	_ =	strace $0x8000004C;
	[dreg:$0x1] =	wrdreg $0xFFFFFFFF  }
0xa7: {  	s28 =	simm.s32 $_size_execute0_lowered;
	s3 =	sadd.s32 s3, s5;
	[dreg:$0x0] =	wrdreg $0x0  }
0xa8: {  	s5 =	sshll.u32 s28, $0x1;
	[dreg:$0x2] =	wrdreg s3  }
0xa9: {  	[dreg:$0x3] =	wrdreg s5  }
0xaa: {  	[dreg:$0x4] =	wrdreg $0xC0  }
0xab: {  	_ =	task [dreg:s7], $0x5FFFF  }
0xac: {  	[dreg:$0x1] =	wrdreg $0xFFFFFFFF  }
0xad: {  	[dreg:$0x0] =	wrdreg $0x60  }
0xae: {  	[dreg:$0x2] =	wrdreg s24  }
0xaf: {  	[dreg:$0x3] =	wrdreg s2  }
0xb0: {  	[dreg:$0x4] =	wrdreg $0x94000  }
0xb1: {  	[dreg:$0x5] =	wrdreg $0x9  }
0xb2: {  	_ =	task.clear_ibuf [dreg:s7], $0x6FFFF;
	_ =	strace $0x9000004C  }
0xb3: {  	s29 =	simm.s32 $0x9;
	_ =	strace $0x8000004E  }
0xb4: {  	_ =	swait.ge [sflag:s29], $0x1  }
0xb5: {  	[sflag:s29] =	ssyncadd.s32 $0xFFFFFFFF  }
0xb6: {  	_ =	strace $0x9000004E  }
0xb7: {  	_ =	sfence  }
0xb8: {  	s30 =	sld [smem:$0x0];
	_ =	sdelay $0x2  }
0xb9: {  	s31 =	sshll.u32 s1, $0xD;
	s1 =	sshrl.u32 s1, $0x2  }
0xba: {  	s3 =	sand.u32 $0x4000, s31;
	s1 =	sadd.s32 s1, s30  }
0xbb: {  	s0 =	sor.u32 s3, s0;
	s1 =	sshll.u32 s1, $0x11  }
0xbc: {  	s0 =	sor.u32 s1, s0  }
0xbd: {  	s0 =	sadd.s32 $0x8F2B, s0  }
0xbe: {  	[sflag:s0] =	ssyncadd.remote.s32 $0x1  }
0xbf: {  	_ =	sfence.sel $0xFFFF  }
0xc0: {  	[dreg:$0x0] =	wrdreg $0xFFFFFFFF;
	(pc) =	sbr.abs _section_cstart, $3  }
0xc1: {  	[dreg:$0x1] =	wrdreg $0xFFFFFFFF  }
0xc2: {  	_ =	task.clear_ibuf [dreg:s7], $0x2FFFF;
	_ =	strace $0x9FFFFFFF  }
0xc3: {  	(tm) =	ssettm $0x7FFFFFFF  }
tec
execute0_lowered:
.L_overlay_start_1:
0x0: {  	(tag) =	ssettag $0x1  }
0x1: {  	s6 =	rddreg [dreg:$0x0]  }
0x2: {  	s1 =	srdreg.scid;
	s7 =	rddreg [dreg:$0x1]  }
0x3: {  	s0 =	stileid.u32;
	s2 =	rddreg [dreg:$0x2];
	s3 =	simm.s32 $0x0  }
0x4: {  	s14 =	simm.s32 $0x80;
	s15 =	simm.s32 $0x5400;
	s16 =	simm.s32 $0x1  }
0x5: {  	s17 =	simm.s32 $0x2;
	s18 =	simm.s32 $0x0;
	s5 =	sand.u32 $0x1, s1  }
0x6: {  	s29 =	sshll.u32 s0, $0x1;
	s1 =	rddreg [dreg:$0x3];
	s11 =	smul.u32 $0x13C00, s0  }
0x7: {  	[smem:$0x7FF] =	sst s3;
	s4 =	sadd.s32 $0xB1200, s6;
	s12 =	smul.u32 $0x4F000, s0  }
0x8: {  	s13 =	sshll.u32 s0, $0x6;
	s8 =	sor.u32 s5, s29;
	s10 =	smul.u32 $0x140000, s5  }
0x9: {  	_ =	strace $0x8000004D;
	s30 =	ssub.s32 $0x2, s5;
	s5 =	sadd.s32 $0xE200, s6  }
0xa: {  	s9 =	smul.u32 $0x500, s8;
	s31 =	sshrl.u32 s30, $0x1;
	s12 =	sshrl.u32 s12, $0x2  }
0xb: {  	s8 =	smul.u32 $0x580, s8;
	s10 =	sadd.s32 s11, s10;
	s11 =	ssub.s32 s30, s31  }
0xc: {  	s12 =	sadd.s32 s12, s2;
	s9 =	sadd.s32 s9, s6;
	s10 =	sshrl.u32 s10, $0x3  }
0xd: {  	s7 =	sadd.s32 s7, s8;
	s10 =	sadd.s32 s10, s6;
	s6 =	sor.u32 $0x1C03, s13  }
0xe: {  	s8 =	sadd.s32 $0x4200, s9;
	s13 =	simm.s32 $0x2C00;
	s9 =	sadd.s32 $0xD9200, s10  }
0xf: {  	s10 =	smax.u32 s11, $0x1;
	s11 =	sshrl.u32 s12, $0x3;
	s12 =	simm.s32 $0x3  }
.LBB2_1:
0x10: {  	[spmem:s11], [sflag:s6] =	dma.local [hbm:s5], $0x2780  }
0x11: {  	_ =	swait.ge [sflag:s12], $0x2780  }
0x12: {  	[sflag:s12] =	ssyncset.done $0x0  }
0x13: {  	[sflag:s12] =	ssyncadd.s32 $0xFFFFD880  }
0x14: {  	[tilespmem:s3], [sflag:$0x3] =	stream.linear.gather [hbm4b:s7+s3], $0x2880, $0x38;
	[tilespmem:$0x1D000] =	vst v63  }
0x15: {  	_ =	swait.ge [sflag:s12], $0x2880  }
0x16: {  	[sflag:s12] =	ssyncset.done $0x0  }
0x17: {  	[sflag:s12] =	ssyncadd.s32 $0xFFFFD780  }
0x18: {  	[tilespmem:s13], [sflag:$0x3] =	stream.linear.gather [hbm4b:s8+s3], $0x2800, $0x38;
	[tilespmem:$0x1D000] =	vst v63  }
0x19: {  	_ =	swait.ge [sflag:s12], $0x2800  }
0x1a: {  	[sflag:s12] =	ssyncset.done $0x0  }
0x1b: {  	[sflag:s12] =	ssyncadd.s32 $0xFFFFD800  }
0x1c: {  	[bflag:$0x0] =	sbarrier.arrive $0xFFFF  }
0x1d: {  	[tilespmem:s15], [sflag:$0x1] =	stream.indirect.gather [hbm4b:s4+s14], $0x80, s3, s14, $0xb8;
	[tilespmem:$0x1D000] =	vst v63  }
0x1e: {  	_ =	swait.ge [sflag:s16], $0x4000  }
0x1f: {  	[sflag:s16] =	ssyncset.done $0x0  }
0x20: {  	s19 =	simm.s32 $0x2C00;
	[sflag:s16] =	ssyncadd.s32 $0xFFFFC000  }
0x21: {  	[spmem:s2] =	stream.indirect.scatter.add.f32 [tilespmem:s15], [sflag:$0x2], $0x80, s19, s14, $0xb8;
	[tilespmem:$0x1D000] =	vst v63  }
0x22: {  	_ =	swait.ge [sflag:s17], $0x4000  }
0x23: {  	[sflag:s17] =	ssyncset.done $0x0  }
0x24: {  	s20 =	simm.s32 $0x80;
	s19 =	simm.s32 $0x200;
	[sflag:s17] =	ssyncadd.s32 $0xFFFFC000  }
.LBB2_2:
0x25: {  	[tilespmem:s15], [sflag:$0x1] =	stream.indirect.gather [hbm4b:s4+s14], $0x80, s20, s14, $0xb8;
	[tilespmem:$0x1D000] =	vst v63  }
0x26: {  	s20 =	smov.u32 s19  }
0x27: {  	p0 =	sne.s32 s19, $0x9E00;
	s19 =	sadd.s32 $0x200, s19;
	_ =	swait.ge [sflag:s16], $0x4000  }
0x28: {  	s20 =	sshra.s32 s20, $0x2;
	[sflag:s16] =	ssyncset.done $0x0  }
.Ltmp0:
0x29: {  	s21 =	sadd.s32 $0x2C00, s20;
	[sflag:s16] =	ssyncadd.s32 $0xFFFFC000;
	(pc) =	sbr.rel @p0 .LBB2_2-.Ltmp0, $4  }
0x2a: {  	[spmem:s2] =	stream.indirect.scatter.add.f32 [tilespmem:s15], [sflag:$0x2], $0x80, s21, s14, $0xb8;
	[tilespmem:$0x1D000] =	vst v63  }
0x2b: {  	_ =	swait.ge [sflag:s17], $0x4000  }
0x2c: {  	[sflag:s17] =	ssyncset.done $0x0  }
0x2d: {  	s20 =	sadd.s32 $0x80, s20;
	[sflag:s17] =	ssyncadd.s32 $0xFFFFC000  }
0x2e: {  	[tilespmem:s15], [sflag:$0x1] =	stream.indirect.gather [hbm4b:s4+s14], $0x80, s20, s14, $0xb8;
	[tilespmem:$0x1D000] =	vst v63  }
0x2f: {  	_ =	swait.ge [sflag:s16], $0x4000  }
0x30: {  	s18 =	sadd.s32 $0x1, s18;
	[sflag:s16] =	ssyncset.done $0x0  }
0x31: {  	p0 =	sne.s32 s18, s10;
	[sflag:s16] =	ssyncadd.s32 $0xFFFFC000  }
.Ltmp1:
0x32: {  	[bflag:$0x0] =	sbarrier.arrive $0xFFFF;
	(pc) =	sbr.rel @p0 .LBB2_1-.Ltmp1, $4  }
0x33: {  	[hbm:s9], [sflag:s6] =	dma.local [spmem:s11], $0x2780  }
0x34: {  	_ =	swait.ge [sflag:s12], $0x2780  }
0x35: {  	[sflag:s12] =	ssyncset.done $0x0  }
0x36: {  	[sflag:s12] =	ssyncadd.s32 $0xFFFFD880  }
0x37: {  	_ =	sfence.sel $0x180000  }
0x38: {  	[bflag:$0x0] =	sbarrier.arrive $0xFFFF  }
0x39: {  	p0 =	sne.s32 s0, $0x0;
	_ =	strace $0x9000004D  }
0x3a: {  	s0 =	sadd.s32 @!p0 $0x100000, s1;
	[bflag:$0x2] =	sbarrier.arrive $0xFFFF  }
0x3b: {  	[sflag:s0] =	ssyncadd.tile.s32 @!p0 $0x1;
	_ =	shalt  }
.Lfunc_end2:
_tile_overlayer_lowered:
.L_overlay_start_2:
0x3c: {  	(tag) =	ssettag $0x2  }
0x3d: {  	s0 =	rddreg [dreg:$0x0];
	s2 =	stileid.u32  }
0x3e: {  	s1 =	rddreg [dreg:$0x1];
	p0 =	sne.s32 s2, $0x0  }
0x3f: {  	s3 =	rddreg [dreg:$0x2];
	[bflag:$0x3] =	sbarrier.arrive $0xFFFF;
	s2 =	simm.s32 @!p0 $0x1C03  }
0x40: {  	[timem:s3], [sflag:s2] =	dma.local @!p0 [hbm:s0], s1  }
0x41: {  	s0 =	simm.s32 @!p0 $0x3  }
0x42: {  	_ =	swait.ge @!p0 [sflag:s0], s1  }
0x43: {  	s1 =	ssub.s32 @!p0 $0x0, s1;
	[sflag:s0] =	ssyncset.done @!p0 $0x0  }
0x44: {  	[sflag:s0] =	ssyncadd.s32 @!p0 s1  }
0x45: {  	[bflag:$0x3] =	sbarrier.arrive $0xFFFF  }
0x46: {  	_ =	shalt  }

// kernel: kernel.21.cloned.1.call-start
scs
__scs_entry_jumppad:
0x0: {  	(pc) =	sbr.rel $0x88, $3  }
0x1: {  	(tag) =	ssettag $0x0;
	lr =	simm.s32 $0x1  }
0x2: {  	[smem:$0x3F95] =	sst lr;
	_ =	strace $0xD0000000  }
0x3: {  	_ = 	snop  }
0x4: {  	_ = 	snop  }
0x5: {  	_ = 	snop  }
0x6: {  	_ = 	snop  }
0x7: {  	_ = 	snop  }
__scs_overlays_trampoline_lowered:
0x8: {  	[smem:$0x3FA4] =	sst s0  }
0x9: {  	[smem:$0x3FA5] =	sst s1  }
0xa: {  	[smem:$0x3FA6] =	sst s2  }
0xb: {  	[smem:$0x3FA7] =	sst s3  }
0xc: {  	[smem:$0x3FA8] =	sst s4  }
0xd: {  	[smem:$0x3FA9] =	sst s5  }
0xe: {  	[smem:$0x3FAA] =	sst s6  }
0xf: {  	[smem:$0x3FAB] =	sst s7  }
0x10: {  	[smem:$0x3FAC] =	sst s8  }
0x11: {  	[smem:$0x3FAD] =	sst s9;
	s0 =	simm.s32 @!p0 $0x0  }
0x12: {  	s1 =	sld [smem:$0x3F93];
	s0 =	simm.s32 @p0 $0x1  }
0x13: {  	[smem:$0x3FAE] =	sst s0;
	s0 =	simm.s32 @!p1 $0x0  }
0x14: {  	s2 =	sld [smem:$0x3F92];
	s0 =	simm.s32 @p1 $0x1  }
0x15: {  	[smem:$0x3FAF] =	sst s0;
	s0 =	simm.s32 @!p2 $0x0  }
0x16: {  	s3 =	sld [smem:$0x3FDB];
	s0 =	simm.s32 @p2 $0x1  }
0x17: {  	s4 =	simm.s32 $0x1BF5;
	[smem:$0x3FB1] =	sst s0  }
0x18: {  	s0 =	sld [smem:$0x3F94];
	_ =	swait.ge [sflag:s4], $0x0  }
0x19: {  	s7 =	sld [smem:$0x3F95]  }
0x1a: {  	s8 =	sadd.s32 $0xFFFFE003, lr  }
0x1b: {  	s9 =	sadd.s32 $0xFFFFFEF7, lr;
	s5 =	simm.s32 $0xFFFFFFFF;
	p2 =	slt.u32 s8, $0xFFFFF086  }
0x1c: {  	p1 =	slt.u32 s9, $0xF7A;
	s5 =	simm.s32 @!p2 $0x0  }
0x1d: {  	s5 =	simm.s32 @p1 $0x1;
	p0 =	seq.s32 s7, s2  }
0x1e: {  	s7 =	smul.u32 @!p0 $0xF7A, s2;
	p2 =	seq.s32 @!p0 s5, $0x0  }
0x1f: {  	s9 =	smul.u32 $0xF7A, s1;
	s8 =	simm.s32 @!p0 $0x1BF5;
	p2 =	por !p2, p0  }
0x20: {  	[sflag:s8] =	ssyncset.s32 @!p0 $0xFFFFF086;
	s6 =	sadd.s32 @!p0 s3, s7;
	s7 =	simm.s32 @!p0 $0x108  }
0x21: {  	s3 =	sadd.s32 s3, s9;
	s6 =	sadd.s32 @!p0 $0x88, s6;
	s7 =	simm.s32 @p2 $0x1082  }
0x22: {  	[simem:s7], [sflag:s8] =	dma.local @!p0 [hbm:s6], $0xF7A  }
0x23: {  	s9 =	sor.u32 $0xD0000000, s2;
	s6 =	simm.s32 $0x108;
	_ =	swait.ge @!p0 [sflag:s8], $0x0  }
0x24: {  	s3 =	sadd.s32 $0x88, s3;
	s6 =	simm.s32 @!p1 $0x1082;
	[sflag:s4] =	ssyncset.s32 $0xFFFFF086  }
0x25: {  	[simem:s6], [sflag:s4] =	dma.local [hbm:s3], $0xF7A  }
0x26: {  	[smem:$0x3F95] =	sst s1;
	(tag) =	ssettag s2;
	_ =	strace s9  }
0x27: {  	s1 =	sld [smem:$0x3FA5]  }
0x28: {  	s2 =	sld [smem:$0x3FA6]  }
0x29: {  	s4 =	sld [smem:$0x3FA8]  }
0x2a: {  	p0 =	seq.s32 s5, $0x0;
	s5 =	sld [smem:$0x3FA9]  }
0x2b: {  	s6 =	sld [smem:$0x3FAA]  }
0x2c: {  	s7 =	sld [smem:$0x3FAB]  }
0x2d: {  	s3 =	simm.s32 $0x108;
	s8 =	sld [smem:$0x3FAC]  }
0x2e: {  	s3 =	simm.s32 @!p0 $0x1082;
	s9 =	sld [smem:$0x3FAD]  }
0x2f: {  	lr =	sadd.s32 s0, s3;
	s0 =	sld [smem:$0x3FA4]  }
0x30: {  	s3 =	sld [smem:$0x3FA7]  }
0x31: {  	[smem:$0x3FB0] =	sst s10  }
0x32: {  	s10 =	sld [smem:$0x3FAE];
	_ =	sdelay $0x3  }
0x33: {  	p0 =	seq.s32 s10, $0x1;
	s10 =	sld [smem:$0x3FB0];
	_ =	sdelay $0x3  }
0x34: {  	[smem:$0x3FB0] =	sst s10  }
0x35: {  	s10 =	sld [smem:$0x3FAF];
	_ =	sdelay $0x3  }
0x36: {  	p1 =	seq.s32 s10, $0x1;
	s10 =	sld [smem:$0x3FB0];
	_ =	sdelay $0x3  }
0x37: {  	[smem:$0x3FB0] =	sst s10  }
0x38: {  	s10 =	sld [smem:$0x3FB1]  }
0x39: {  	_ = 	snop;
	(pc) =	sbr.ind lr, $3  }
0x3a: {  	_ = 	snop  }
0x3b: {  	_ = 	snop  }
0x3c: {  	p2 =	seq.s32 s10, $0x1;
	s10 =	sld [smem:$0x3FB0]  }
0x3d: {  	_ =	shalt  }
0x3e: {  	_ =	shalt  }
0x3f: {  	_ =	shalt  }
0x40: {  	_ =	shalt  }
0x41: {  	_ =	shalt  }
0x42: {  	_ =	shalt  }
0x43: {  	_ =	shalt  }
0x44: {  	_ =	shalt  }
0x45: {  	_ =	shalt  }
0x46: {  	_ =	shalt  }
0x47: {  	_ =	shalt  }
0x48: {  	_ =	shalt  }
0x49: {  	_ =	shalt  }
0x4a: {  	_ =	shalt  }
0x4b: {  	_ =	shalt  }
0x4c: {  	_ =	shalt  }
0x4d: {  	_ =	shalt  }
0x4e: {  	_ =	shalt  }
0x4f: {  	_ =	shalt  }
0x50: {  	_ =	shalt  }
0x51: {  	_ =	shalt  }
0x52: {  	_ =	shalt  }
0x53: {  	_ =	shalt  }
0x54: {  	_ =	shalt  }
0x55: {  	_ =	shalt  }
0x56: {  	_ =	shalt  }
0x57: {  	_ =	shalt  }
0x58: {  	_ =	shalt  }
0x59: {  	_ =	shalt  }
0x5a: {  	_ =	shalt  }
0x5b: {  	_ =	shalt  }
0x5c: {  	_ =	shalt  }
0x5d: {  	_ =	shalt  }
0x5e: {  	_ =	shalt  }
0x5f: {  	_ =	shalt  }
0x60: {  	_ =	shalt  }
0x61: {  	_ =	shalt  }
0x62: {  	_ =	shalt  }
0x63: {  	_ =	shalt  }
0x64: {  	_ =	shalt  }
0x65: {  	_ =	shalt  }
0x66: {  	_ =	shalt  }
0x67: {  	_ =	shalt  }
0x68: {  	_ =	shalt  }
0x69: {  	_ =	shalt  }
0x6a: {  	_ =	shalt  }
0x6b: {  	_ =	shalt  }
0x6c: {  	_ =	shalt  }
0x6d: {  	_ =	shalt  }
0x6e: {  	_ =	shalt  }
0x6f: {  	_ =	shalt  }
0x70: {  	_ =	shalt  }
0x71: {  	_ =	shalt  }
0x72: {  	_ =	shalt  }
0x73: {  	_ =	shalt  }
0x74: {  	_ =	shalt  }
0x75: {  	_ =	shalt  }
0x76: {  	_ =	shalt  }
0x77: {  	_ =	shalt  }
0x78: {  	_ =	shalt  }
0x79: {  	_ =	shalt  }
0x7a: {  	_ =	shalt  }
0x7b: {  	_ =	shalt  }
0x7c: {  	_ =	shalt  }
0x7d: {  	_ =	shalt  }
0x7e: {  	_ =	shalt  }
0x7f: {  	_ =	shalt  }
0x80: {  	_ =	shalt  }
0x81: {  	_ =	shalt  }
0x82: {  	_ =	shalt  }
0x83: {  	_ =	shalt  }
0x84: {  	_ =	shalt  }
0x85: {  	_ =	shalt  }
0x86: {  	_ =	shalt  }
0x87: {  	_ =	shalt  }
.Lfunc_end0:
.L_simem_size_0:
called_computation.3_lowered:
.L_overlay_start_0:
0x88: {  	s2 =	sld [smem:$0x3FD9]  }
0x89: {  	s3 =	sld [smem:$0x3FFE];
	_ =	sdelay $0x1  }
0x8a: {  	s1 =	srdreg.scid  }
0x8b: {  	s0 =	sand.u32 $0x1, s1  }
0x8c: {  	s17 =	sshll.u32 s0, $0xA;
	s2 =	sadd.s32 s3, s2  }
0x8d: {  	s2 =	sadd.s32 s2, s17  }
0x8e: {  	[smem:$0x3FBC] =	sst s2  }
0x8f: {  	_ = 	snop  }
0x90: {  	s2 =	sld [smem:$0x3FD0];
	(tm) =	ssettm $0x1  }
0x91: {  	s18 =	sld [smem:$0x3FFB];
	_ =	sdelay $0x3  }
0x92: {  	_ =	strace s18  }
0x93: {  	s3 =	sld [smem:$0x3FFC];
	_ =	sdelay $0x3  }
0x94: {  	_ =	strace s3  }
0x95: {  	s3 =	sld [smem:$0x3FFD];
	_ =	sdelay $0x3  }
0x96: {  	_ =	strace s3  }
0x97: {  	_ =	strace $0x8FFFFFFF  }
0x98: {  	s19 =	sld [smem:$0x3FDB];
	_ =	sdelay $0x1  }
0x99: {  	s4 =	simm.s32 $_scs_section_size  }
0x9a: {  	s5 =	simm.s32 $_size__tile_overlayer_lowered;
	s6 =	simm.s32 $_tile_overlayer_lowered  }
0x9b: {  	s22 =	simm.s32 $0x1BFF;
	s21 =	sshll.u32 s6, $0x1;
	s3 =	sadd.s32 s4, s19  }
0x9c: {  	s7 =	simm.s32 $0x0;
	s20 =	sshll.u32 s5, $0x1;
	s5 =	sadd.s32 s21, s3  }
0x9d: {  	[timem:s7], [sflag:s22] =	dma.local [hbm:s5], s20  }
0x9e: {  	_ =	swait.ge [sflag:s22], s20  }
0x9f: {  	s4 =	ssub.s32 $0x0, s20;
	[sflag:s22] =	ssyncset.done $0x0  }
0xa0: {  	[sflag:s22] =	ssyncadd.s32 s4;
	_ =	sdelay $0x1  }
0xa1: {  	s23 =	simm.s32 $0x1B8B  }
0xa2: {  	_ =	swait.ge [sflag:s23], $0x1  }
0xa3: {  	[sflag:s23] =	ssyncset.done $0x0  }
0xa4: {  	s25 =	simm.s32 $0x1B8E;
	s24 =	sld [smem:$0x3FFE];
	[sflag:s23] =	ssyncadd.s32 $0xFFFFFFFF  }
0xa5: {  	s26 =	simm.s32 $execute0_lowered;
	[smem:$0x3FD2] =	sst s25  }
0xa6: {  	s5 =	sshll.u32 s26, $0x1;
	_ =	strace $0x8000004F;
	[dreg:$0x1] =	wrdreg $0xFFFFFFFF  }
0xa7: {  	s28 =	simm.s32 $_size_execute0_lowered;
	s3 =	sadd.s32 s3, s5;
	[dreg:$0x0] =	wrdreg $0x0  }
0xa8: {  	s5 =	sshll.u32 s28, $0x1;
	[dreg:$0x2] =	wrdreg s3  }
0xa9: {  	[dreg:$0x3] =	wrdreg s5  }
0xaa: {  	[dreg:$0x4] =	wrdreg $0xC0  }
0xab: {  	_ =	task [dreg:s7], $0x5FFFF  }
0xac: {  	[dreg:$0x1] =	wrdreg $0xFFFFFFFF  }
0xad: {  	[dreg:$0x0] =	wrdreg $0x60  }
0xae: {  	[dreg:$0x2] =	wrdreg s24  }
0xaf: {  	[dreg:$0x3] =	wrdreg s2  }
0xb0: {  	[dreg:$0x4] =	wrdreg $0x94000  }
0xb1: {  	[dreg:$0x5] =	wrdreg $0x9  }
0xb2: {  	_ =	task.clear_ibuf [dreg:s7], $0x6FFFF;
	_ =	strace $0x9000004F  }
0xb3: {  	s29 =	simm.s32 $0x9;
	_ =	strace $0x80000051  }
0xb4: {  	_ =	swait.ge [sflag:s29], $0x1  }
0xb5: {  	[sflag:s29] =	ssyncadd.s32 $0xFFFFFFFF  }
0xb6: {  	_ =	strace $0x90000051  }
0xb7: {  	_ =	sfence  }
0xb8: {  	s30 =	sld [smem:$0x0];
	_ =	sdelay $0x2  }
0xb9: {  	s31 =	sshll.u32 s1, $0xD;
	s1 =	sshrl.u32 s1, $0x2  }
0xba: {  	s3 =	sand.u32 $0x4000, s31;
	s1 =	sadd.s32 s1, s30  }
0xbb: {  	s0 =	sor.u32 s3, s0;
	s1 =	sshll.u32 s1, $0x11  }
0xbc: {  	s0 =	sor.u32 s1, s0  }
0xbd: {  	s0 =	sadd.s32 $0x8F2B, s0  }
0xbe: {  	[sflag:s0] =	ssyncadd.remote.s32 $0x1  }
0xbf: {  	_ =	sfence.sel $0xFFFF  }
0xc0: {  	[dreg:$0x0] =	wrdreg $0xFFFFFFFF;
	(pc) =	sbr.abs _section_cstart, $3  }
0xc1: {  	[dreg:$0x1] =	wrdreg $0xFFFFFFFF  }
0xc2: {  	_ =	task.clear_ibuf [dreg:s7], $0x2FFFF;
	_ =	strace $0x9FFFFFFF  }
0xc3: {  	(tm) =	ssettm $0x7FFFFFFF  }
tec
execute0_lowered:
.L_overlay_start_1:
0x0: {  	(tag) =	ssettag $0x1  }
0x1: {  	s6 =	rddreg [dreg:$0x0]  }
0x2: {  	s1 =	srdreg.scid;
	s7 =	rddreg [dreg:$0x1]  }
0x3: {  	s0 =	stileid.u32;
	s2 =	rddreg [dreg:$0x2];
	s3 =	simm.s32 $0x0  }
0x4: {  	s14 =	simm.s32 $0x80;
	s15 =	simm.s32 $0x5400;
	s16 =	simm.s32 $0x1  }
0x5: {  	s17 =	simm.s32 $0x2;
	s18 =	simm.s32 $0x0;
	s5 =	sand.u32 $0x1, s1  }
0x6: {  	s29 =	sshll.u32 s0, $0x1;
	s1 =	rddreg [dreg:$0x3];
	s11 =	smul.u32 $0x13C00, s0  }
0x7: {  	[smem:$0x7FF] =	sst s3;
	s4 =	sadd.s32 $0xB1200, s6;
	s12 =	smul.u32 $0x4F000, s0  }
0x8: {  	s13 =	sshll.u32 s0, $0x6;
	s8 =	sor.u32 s5, s29;
	s10 =	smul.u32 $0x140000, s5  }
0x9: {  	_ =	strace $0x80000050;
	s30 =	ssub.s32 $0x2, s5;
	s5 =	sadd.s32 $0xE200, s6  }
0xa: {  	s9 =	smul.u32 $0x500, s8;
	s31 =	sshrl.u32 s30, $0x1;
	s12 =	sshrl.u32 s12, $0x2  }
0xb: {  	s8 =	smul.u32 $0x580, s8;
	s10 =	sadd.s32 s11, s10;
	s11 =	ssub.s32 s30, s31  }
0xc: {  	s12 =	sadd.s32 s12, s2;
	s9 =	sadd.s32 s9, s6;
	s10 =	sshrl.u32 s10, $0x3  }
0xd: {  	s7 =	sadd.s32 s7, s8;
	s10 =	sadd.s32 s10, s6;
	s6 =	sor.u32 $0x1C03, s13  }
0xe: {  	s8 =	sadd.s32 $0x4200, s9;
	s13 =	simm.s32 $0x2C00;
	s9 =	sadd.s32 $0xD9200, s10  }
0xf: {  	s10 =	smax.u32 s11, $0x1;
	s11 =	sshrl.u32 s12, $0x3;
	s12 =	simm.s32 $0x3  }
.LBB2_1:
0x10: {  	[spmem:s11], [sflag:s6] =	dma.local [hbm:s5], $0x2780  }
0x11: {  	_ =	swait.ge [sflag:s12], $0x2780  }
0x12: {  	[sflag:s12] =	ssyncset.done $0x0  }
0x13: {  	[sflag:s12] =	ssyncadd.s32 $0xFFFFD880  }
0x14: {  	[tilespmem:s3], [sflag:$0x3] =	stream.linear.gather [hbm4b:s7+s3], $0x2880, $0x38;
	[tilespmem:$0x1D000] =	vst v63  }
0x15: {  	_ =	swait.ge [sflag:s12], $0x2880  }
0x16: {  	[sflag:s12] =	ssyncset.done $0x0  }
0x17: {  	[sflag:s12] =	ssyncadd.s32 $0xFFFFD780  }
0x18: {  	[tilespmem:s13], [sflag:$0x3] =	stream.linear.gather [hbm4b:s8+s3], $0x2800, $0x38;
	[tilespmem:$0x1D000] =	vst v63  }
0x19: {  	_ =	swait.ge [sflag:s12], $0x2800  }
0x1a: {  	[sflag:s12] =	ssyncset.done $0x0  }
0x1b: {  	[sflag:s12] =	ssyncadd.s32 $0xFFFFD800  }
0x1c: {  	[bflag:$0x0] =	sbarrier.arrive $0xFFFF  }
0x1d: {  	[tilespmem:s15], [sflag:$0x1] =	stream.indirect.gather [hbm4b:s4+s14], $0x80, s3, s14, $0xb8;
	[tilespmem:$0x1D000] =	vst v63  }
0x1e: {  	_ =	swait.ge [sflag:s16], $0x4000  }
0x1f: {  	[sflag:s16] =	ssyncset.done $0x0  }
0x20: {  	s19 =	simm.s32 $0x2C00;
	[sflag:s16] =	ssyncadd.s32 $0xFFFFC000  }
0x21: {  	[spmem:s2] =	stream.indirect.scatter.add.f32 [tilespmem:s15], [sflag:$0x2], $0x80, s19, s14, $0xb8;
	[tilespmem:$0x1D000] =	vst v63  }
0x22: {  	_ =	swait.ge [sflag:s17], $0x4000  }
0x23: {  	[sflag:s17] =	ssyncset.done $0x0  }
0x24: {  	s20 =	simm.s32 $0x80;
	s19 =	simm.s32 $0x200;
	[sflag:s17] =	ssyncadd.s32 $0xFFFFC000  }
.LBB2_2:
0x25: {  	[tilespmem:s15], [sflag:$0x1] =	stream.indirect.gather [hbm4b:s4+s14], $0x80, s20, s14, $0xb8;
	[tilespmem:$0x1D000] =	vst v63  }
0x26: {  	s20 =	smov.u32 s19  }
0x27: {  	p0 =	sne.s32 s19, $0x9E00;
	s19 =	sadd.s32 $0x200, s19;
	_ =	swait.ge [sflag:s16], $0x4000  }
0x28: {  	s20 =	sshra.s32 s20, $0x2;
	[sflag:s16] =	ssyncset.done $0x0  }
.Ltmp0:
0x29: {  	s21 =	sadd.s32 $0x2C00, s20;
	[sflag:s16] =	ssyncadd.s32 $0xFFFFC000;
	(pc) =	sbr.rel @p0 .LBB2_2-.Ltmp0, $4  }
0x2a: {  	[spmem:s2] =	stream.indirect.scatter.add.f32 [tilespmem:s15], [sflag:$0x2], $0x80, s21, s14, $0xb8;
	[tilespmem:$0x1D000] =	vst v63  }
0x2b: {  	_ =	swait.ge [sflag:s17], $0x4000  }
0x2c: {  	[sflag:s17] =	ssyncset.done $0x0  }
0x2d: {  	s20 =	sadd.s32 $0x80, s20;
	[sflag:s17] =	ssyncadd.s32 $0xFFFFC000  }
0x2e: {  	[tilespmem:s15], [sflag:$0x1] =	stream.indirect.gather [hbm4b:s4+s14], $0x80, s20, s14, $0xb8;
	[tilespmem:$0x1D000] =	vst v63  }
0x2f: {  	_ =	swait.ge [sflag:s16], $0x4000  }
0x30: {  	s18 =	sadd.s32 $0x1, s18;
	[sflag:s16] =	ssyncset.done $0x0  }
0x31: {  	p0 =	sne.s32 s18, s10;
	[sflag:s16] =	ssyncadd.s32 $0xFFFFC000  }
.Ltmp1:
0x32: {  	[bflag:$0x0] =	sbarrier.arrive $0xFFFF;
	(pc) =	sbr.rel @p0 .LBB2_1-.Ltmp1, $4  }
0x33: {  	[hbm:s9], [sflag:s6] =	dma.local [spmem:s11], $0x2780  }
0x34: {  	_ =	swait.ge [sflag:s12], $0x2780  }
0x35: {  	[sflag:s12] =	ssyncset.done $0x0  }
0x36: {  	[sflag:s12] =	ssyncadd.s32 $0xFFFFD880  }
0x37: {  	_ =	sfence.sel $0x180000  }
0x38: {  	[bflag:$0x0] =	sbarrier.arrive $0xFFFF  }
0x39: {  	p0 =	sne.s32 s0, $0x0;
	_ =	strace $0x90000050  }
0x3a: {  	s0 =	sadd.s32 @!p0 $0x100000, s1;
	[bflag:$0x2] =	sbarrier.arrive $0xFFFF  }
0x3b: {  	[sflag:s0] =	ssyncadd.tile.s32 @!p0 $0x1;
	_ =	shalt  }
.Lfunc_end2:
_tile_overlayer_lowered:
.L_overlay_start_2:
0x3c: {  	(tag) =	ssettag $0x2  }
0x3d: {  	s0 =	rddreg [dreg:$0x0];
	s2 =	stileid.u32  }
0x3e: {  	s1 =	rddreg [dreg:$0x1];
	p0 =	sne.s32 s2, $0x0  }
0x3f: {  	s3 =	rddreg [dreg:$0x2];
	[bflag:$0x3] =	sbarrier.arrive $0xFFFF;
	s2 =	simm.s32 @!p0 $0x1C03  }
0x40: {  	[timem:s3], [sflag:s2] =	dma.local @!p0 [hbm:s0], s1  }
0x41: {  	s0 =	simm.s32 @!p0 $0x3  }
0x42: {  	_ =	swait.ge @!p0 [sflag:s0], s1  }
0x43: {  	s1 =	ssub.s32 @!p0 $0x0, s1;
	[sflag:s0] =	ssyncset.done @!p0 $0x0  }
0x44: {  	[sflag:s0] =	ssyncadd.s32 @!p0 s1  }
0x45: {  	[bflag:$0x3] =	sbarrier.arrive $0xFFFF  }
0x46: {  	_ =	shalt  }

// kernel: kernel.24.cloned.1.call-start
scs
__scs_entry_jumppad:
0x0: {  	(pc) =	sbr.rel $0x88, $3  }
0x1: {  	(tag) =	ssettag $0x0;
	lr =	simm.s32 $0x1  }
0x2: {  	[smem:$0x3F95] =	sst lr;
	_ =	strace $0xD0000000  }
0x3: {  	_ = 	snop  }
0x4: {  	_ = 	snop  }
0x5: {  	_ = 	snop  }
0x6: {  	_ = 	snop  }
0x7: {  	_ = 	snop  }
__scs_overlays_trampoline_lowered:
0x8: {  	[smem:$0x3FA4] =	sst s0  }
0x9: {  	[smem:$0x3FA5] =	sst s1  }
0xa: {  	[smem:$0x3FA6] =	sst s2  }
0xb: {  	[smem:$0x3FA7] =	sst s3  }
0xc: {  	[smem:$0x3FA8] =	sst s4  }
0xd: {  	[smem:$0x3FA9] =	sst s5  }
0xe: {  	[smem:$0x3FAA] =	sst s6  }
0xf: {  	[smem:$0x3FAB] =	sst s7  }
0x10: {  	[smem:$0x3FAC] =	sst s8  }
0x11: {  	[smem:$0x3FAD] =	sst s9;
	s0 =	simm.s32 @!p0 $0x0  }
0x12: {  	s1 =	sld [smem:$0x3F93];
	s0 =	simm.s32 @p0 $0x1  }
0x13: {  	[smem:$0x3FAE] =	sst s0;
	s0 =	simm.s32 @!p1 $0x0  }
0x14: {  	s2 =	sld [smem:$0x3F92];
	s0 =	simm.s32 @p1 $0x1  }
0x15: {  	[smem:$0x3FAF] =	sst s0;
	s0 =	simm.s32 @!p2 $0x0  }
0x16: {  	s3 =	sld [smem:$0x3FDB];
	s0 =	simm.s32 @p2 $0x1  }
0x17: {  	s4 =	simm.s32 $0x1BF5;
	[smem:$0x3FB1] =	sst s0  }
0x18: {  	s0 =	sld [smem:$0x3F94];
	_ =	swait.ge [sflag:s4], $0x0  }
0x19: {  	s7 =	sld [smem:$0x3F95]  }
0x1a: {  	s8 =	sadd.s32 $0xFFFFE003, lr  }
0x1b: {  	s9 =	sadd.s32 $0xFFFFFEF7, lr;
	s5 =	simm.s32 $0xFFFFFFFF;
	p2 =	slt.u32 s8, $0xFFFFF086  }
0x1c: {  	p1 =	slt.u32 s9, $0xF7A;
	s5 =	simm.s32 @!p2 $0x0  }
0x1d: {  	s5 =	simm.s32 @p1 $0x1;
	p0 =	seq.s32 s7, s2  }
0x1e: {  	s7 =	smul.u32 @!p0 $0xF7A, s2;
	p2 =	seq.s32 @!p0 s5, $0x0  }
0x1f: {  	s9 =	smul.u32 $0xF7A, s1;
	s8 =	simm.s32 @!p0 $0x1BF5;
	p2 =	por !p2, p0  }
0x20: {  	[sflag:s8] =	ssyncset.s32 @!p0 $0xFFFFF086;
	s6 =	sadd.s32 @!p0 s3, s7;
	s7 =	simm.s32 @!p0 $0x108  }
0x21: {  	s3 =	sadd.s32 s3, s9;
	s6 =	sadd.s32 @!p0 $0x88, s6;
	s7 =	simm.s32 @p2 $0x1082  }
0x22: {  	[simem:s7], [sflag:s8] =	dma.local @!p0 [hbm:s6], $0xF7A  }
0x23: {  	s9 =	sor.u32 $0xD0000000, s2;
	s6 =	simm.s32 $0x108;
	_ =	swait.ge @!p0 [sflag:s8], $0x0  }
0x24: {  	s3 =	sadd.s32 $0x88, s3;
	s6 =	simm.s32 @!p1 $0x1082;
	[sflag:s4] =	ssyncset.s32 $0xFFFFF086  }
0x25: {  	[simem:s6], [sflag:s4] =	dma.local [hbm:s3], $0xF7A  }
0x26: {  	[smem:$0x3F95] =	sst s1;
	(tag) =	ssettag s2;
	_ =	strace s9  }
0x27: {  	s1 =	sld [smem:$0x3FA5]  }
0x28: {  	s2 =	sld [smem:$0x3FA6]  }
0x29: {  	s4 =	sld [smem:$0x3FA8]  }
0x2a: {  	p0 =	seq.s32 s5, $0x0;
	s5 =	sld [smem:$0x3FA9]  }
0x2b: {  	s6 =	sld [smem:$0x3FAA]  }
0x2c: {  	s7 =	sld [smem:$0x3FAB]  }
0x2d: {  	s3 =	simm.s32 $0x108;
	s8 =	sld [smem:$0x3FAC]  }
0x2e: {  	s3 =	simm.s32 @!p0 $0x1082;
	s9 =	sld [smem:$0x3FAD]  }
0x2f: {  	lr =	sadd.s32 s0, s3;
	s0 =	sld [smem:$0x3FA4]  }
0x30: {  	s3 =	sld [smem:$0x3FA7]  }
0x31: {  	[smem:$0x3FB0] =	sst s10  }
0x32: {  	s10 =	sld [smem:$0x3FAE];
	_ =	sdelay $0x3  }
0x33: {  	p0 =	seq.s32 s10, $0x1;
	s10 =	sld [smem:$0x3FB0];
	_ =	sdelay $0x3  }
0x34: {  	[smem:$0x3FB0] =	sst s10  }
0x35: {  	s10 =	sld [smem:$0x3FAF];
	_ =	sdelay $0x3  }
0x36: {  	p1 =	seq.s32 s10, $0x1;
	s10 =	sld [smem:$0x3FB0];
	_ =	sdelay $0x3  }
0x37: {  	[smem:$0x3FB0] =	sst s10  }
0x38: {  	s10 =	sld [smem:$0x3FB1]  }
0x39: {  	_ = 	snop;
	(pc) =	sbr.ind lr, $3  }
0x3a: {  	_ = 	snop  }
0x3b: {  	_ = 	snop  }
0x3c: {  	p2 =	seq.s32 s10, $0x1;
	s10 =	sld [smem:$0x3FB0]  }
0x3d: {  	_ =	shalt  }
0x3e: {  	_ =	shalt  }
0x3f: {  	_ =	shalt  }
0x40: {  	_ =	shalt  }
0x41: {  	_ =	shalt  }
0x42: {  	_ =	shalt  }
0x43: {  	_ =	shalt  }
0x44: {  	_ =	shalt  }
0x45: {  	_ =	shalt  }
0x46: {  	_ =	shalt  }
0x47: {  	_ =	shalt  }
0x48: {  	_ =	shalt  }
0x49: {  	_ =	shalt  }
0x4a: {  	_ =	shalt  }
0x4b: {  	_ =	shalt  }
0x4c: {  	_ =	shalt  }
0x4d: {  	_ =	shalt  }
0x4e: {  	_ =	shalt  }
0x4f: {  	_ =	shalt  }
0x50: {  	_ =	shalt  }
0x51: {  	_ =	shalt  }
0x52: {  	_ =	shalt  }
0x53: {  	_ =	shalt  }
0x54: {  	_ =	shalt  }
0x55: {  	_ =	shalt  }
0x56: {  	_ =	shalt  }
0x57: {  	_ =	shalt  }
0x58: {  	_ =	shalt  }
0x59: {  	_ =	shalt  }
0x5a: {  	_ =	shalt  }
0x5b: {  	_ =	shalt  }
0x5c: {  	_ =	shalt  }
0x5d: {  	_ =	shalt  }
0x5e: {  	_ =	shalt  }
0x5f: {  	_ =	shalt  }
0x60: {  	_ =	shalt  }
0x61: {  	_ =	shalt  }
0x62: {  	_ =	shalt  }
0x63: {  	_ =	shalt  }
0x64: {  	_ =	shalt  }
0x65: {  	_ =	shalt  }
0x66: {  	_ =	shalt  }
0x67: {  	_ =	shalt  }
0x68: {  	_ =	shalt  }
0x69: {  	_ =	shalt  }
0x6a: {  	_ =	shalt  }
0x6b: {  	_ =	shalt  }
0x6c: {  	_ =	shalt  }
0x6d: {  	_ =	shalt  }
0x6e: {  	_ =	shalt  }
0x6f: {  	_ =	shalt  }
0x70: {  	_ =	shalt  }
0x71: {  	_ =	shalt  }
0x72: {  	_ =	shalt  }
0x73: {  	_ =	shalt  }
0x74: {  	_ =	shalt  }
0x75: {  	_ =	shalt  }
0x76: {  	_ =	shalt  }
0x77: {  	_ =	shalt  }
0x78: {  	_ =	shalt  }
0x79: {  	_ =	shalt  }
0x7a: {  	_ =	shalt  }
0x7b: {  	_ =	shalt  }
0x7c: {  	_ =	shalt  }
0x7d: {  	_ =	shalt  }
0x7e: {  	_ =	shalt  }
0x7f: {  	_ =	shalt  }
0x80: {  	_ =	shalt  }
0x81: {  	_ =	shalt  }
0x82: {  	_ =	shalt  }
0x83: {  	_ =	shalt  }
0x84: {  	_ =	shalt  }
0x85: {  	_ =	shalt  }
0x86: {  	_ =	shalt  }
0x87: {  	_ =	shalt  }
.Lfunc_end0:
.L_simem_size_0:
called_computation.4_lowered:
.L_overlay_start_0:
0x88: {  	s2 =	sld [smem:$0x3FD9]  }
0x89: {  	s3 =	sld [smem:$0x3FFE];
	_ =	sdelay $0x1  }
0x8a: {  	s1 =	srdreg.scid  }
0x8b: {  	s0 =	sand.u32 $0x1, s1  }
0x8c: {  	s17 =	sshll.u32 s0, $0xA;
	s2 =	sadd.s32 s3, s2  }
0x8d: {  	s2 =	sadd.s32 s2, s17  }
0x8e: {  	[smem:$0x3FBC] =	sst s2  }
0x8f: {  	_ = 	snop  }
0x90: {  	s2 =	sld [smem:$0x3FD0];
	(tm) =	ssettm $0x1  }
0x91: {  	s18 =	sld [smem:$0x3FFB];
	_ =	sdelay $0x3  }
0x92: {  	_ =	strace s18  }
0x93: {  	s3 =	sld [smem:$0x3FFC];
	_ =	sdelay $0x3  }
0x94: {  	_ =	strace s3  }
0x95: {  	s3 =	sld [smem:$0x3FFD];
	_ =	sdelay $0x3  }
0x96: {  	_ =	strace s3  }
0x97: {  	_ =	strace $0x8FFFFFFF  }
0x98: {  	s19 =	sld [smem:$0x3FDB];
	_ =	sdelay $0x1  }
0x99: {  	s4 =	simm.s32 $_scs_section_size  }
0x9a: {  	s5 =	simm.s32 $_size__tile_overlayer_lowered;
	s6 =	simm.s32 $_tile_overlayer_lowered  }
0x9b: {  	s22 =	simm.s32 $0x1BFF;
	s21 =	sshll.u32 s6, $0x1;
	s3 =	sadd.s32 s4, s19  }
0x9c: {  	s7 =	simm.s32 $0x0;
	s20 =	sshll.u32 s5, $0x1;
	s5 =	sadd.s32 s21, s3  }
0x9d: {  	[timem:s7], [sflag:s22] =	dma.local [hbm:s5], s20  }
0x9e: {  	_ =	swait.ge [sflag:s22], s20  }
0x9f: {  	s4 =	ssub.s32 $0x0, s20;
	[sflag:s22] =	ssyncset.done $0x0  }
0xa0: {  	[sflag:s22] =	ssyncadd.s32 s4;
	_ =	sdelay $0x1  }
0xa1: {  	s23 =	simm.s32 $0x1B8B  }
0xa2: {  	_ =	swait.ge [sflag:s23], $0x1  }
0xa3: {  	[sflag:s23] =	ssyncset.done $0x0  }
0xa4: {  	s25 =	simm.s32 $0x1B8E;
	s24 =	sld [smem:$0x3FFE];
	[sflag:s23] =	ssyncadd.s32 $0xFFFFFFFF  }
0xa5: {  	s26 =	simm.s32 $execute0_lowered;
	[smem:$0x3FD2] =	sst s25  }
0xa6: {  	s5 =	sshll.u32 s26, $0x1;
	_ =	strace $0x80000052;
	[dreg:$0x1] =	wrdreg $0xFFFFFFFF  }
0xa7: {  	s28 =	simm.s32 $_size_execute0_lowered;
	s3 =	sadd.s32 s3, s5;
	[dreg:$0x0] =	wrdreg $0x0  }
0xa8: {  	s5 =	sshll.u32 s28, $0x1;
	[dreg:$0x2] =	wrdreg s3  }
0xa9: {  	[dreg:$0x3] =	wrdreg s5  }
0xaa: {  	[dreg:$0x4] =	wrdreg $0xC0  }
0xab: {  	_ =	task [dreg:s7], $0x5FFFF  }
0xac: {  	[dreg:$0x1] =	wrdreg $0xFFFFFFFF  }
0xad: {  	[dreg:$0x0] =	wrdreg $0x60  }
0xae: {  	[dreg:$0x2] =	wrdreg s24  }
0xaf: {  	[dreg:$0x3] =	wrdreg s2  }
0xb0: {  	[dreg:$0x4] =	wrdreg $0x94000  }
0xb1: {  	[dreg:$0x5] =	wrdreg $0x9  }
0xb2: {  	_ =	task.clear_ibuf [dreg:s7], $0x6FFFF;
	_ =	strace $0x90000052  }
0xb3: {  	s29 =	simm.s32 $0x9;
	_ =	strace $0x80000054  }
0xb4: {  	_ =	swait.ge [sflag:s29], $0x1  }
0xb5: {  	[sflag:s29] =	ssyncadd.s32 $0xFFFFFFFF  }
0xb6: {  	_ =	strace $0x90000054  }
0xb7: {  	_ =	sfence  }
0xb8: {  	s30 =	sld [smem:$0x0];
	_ =	sdelay $0x2  }
0xb9: {  	s31 =	sshll.u32 s1, $0xD;
	s1 =	sshrl.u32 s1, $0x2  }
0xba: {  	s3 =	sand.u32 $0x4000, s31;
	s1 =	sadd.s32 s1, s30  }
0xbb: {  	s0 =	sor.u32 s3, s0;
	s1 =	sshll.u32 s1, $0x11  }
0xbc: {  	s0 =	sor.u32 s1, s0  }
0xbd: {  	s0 =	sadd.s32 $0x8F2B, s0  }
0xbe: {  	[sflag:s0] =	ssyncadd.remote.s32 $0x1  }
0xbf: {  	_ =	sfence.sel $0xFFFF  }
0xc0: {  	[dreg:$0x0] =	wrdreg $0xFFFFFFFF;
	(pc) =	sbr.abs _section_cstart, $3  }
0xc1: {  	[dreg:$0x1] =	wrdreg $0xFFFFFFFF  }
0xc2: {  	_ =	task.clear_ibuf [dreg:s7], $0x2FFFF;
	_ =	strace $0x9FFFFFFF  }
0xc3: {  	(tm) =	ssettm $0x7FFFFFFF  }
tec
execute0_lowered:
.L_overlay_start_1:
0x0: {  	(tag) =	ssettag $0x1  }
0x1: {  	s6 =	rddreg [dreg:$0x0]  }
0x2: {  	s1 =	srdreg.scid;
	s7 =	rddreg [dreg:$0x1]  }
0x3: {  	s0 =	stileid.u32;
	s2 =	rddreg [dreg:$0x2];
	s3 =	simm.s32 $0x0  }
0x4: {  	s14 =	simm.s32 $0x80;
	s15 =	simm.s32 $0x5400;
	s16 =	simm.s32 $0x1  }
0x5: {  	s17 =	simm.s32 $0x2;
	s18 =	simm.s32 $0x0;
	s5 =	sand.u32 $0x1, s1  }
0x6: {  	s29 =	sshll.u32 s0, $0x1;
	s1 =	rddreg [dreg:$0x3];
	s11 =	smul.u32 $0x13C00, s0  }
0x7: {  	[smem:$0x7FF] =	sst s3;
	s4 =	sadd.s32 $0x10A00, s6;
	s12 =	smul.u32 $0x4F000, s0  }
0x8: {  	s13 =	sshll.u32 s0, $0x6;
	s8 =	sor.u32 s5, s29;
	s10 =	smul.u32 $0x140000, s5  }
0x9: {  	_ =	strace $0x80000053;
	s30 =	ssub.s32 $0x2, s5;
	s5 =	sadd.s32 $0xE200, s6  }
0xa: {  	s9 =	smul.u32 $0x500, s8;
	s31 =	sshrl.u32 s30, $0x1;
	s12 =	sshrl.u32 s12, $0x2  }
0xb: {  	s8 =	smul.u32 $0x580, s8;
	s10 =	sadd.s32 s11, s10;
	s11 =	ssub.s32 s30, s31  }
0xc: {  	s12 =	sadd.s32 s12, s2;
	s9 =	sadd.s32 s9, s6;
	s10 =	sshrl.u32 s10, $0x3  }
0xd: {  	s7 =	sadd.s32 s7, s8;
	s10 =	sadd.s32 s10, s6;
	s6 =	sor.u32 $0x1C03, s13  }
0xe: {  	s8 =	sadd.s32 $0x4200, s9;
	s13 =	simm.s32 $0x2C00;
	s9 =	sadd.s32 $0xB1200, s10  }
0xf: {  	s10 =	smax.u32 s11, $0x1;
	s11 =	sshrl.u32 s12, $0x3;
	s12 =	simm.s32 $0x3  }
.LBB2_1:
0x10: {  	[spmem:s11], [sflag:s6] =	dma.local [hbm:s5], $0x2780  }
0x11: {  	_ =	swait.ge [sflag:s12], $0x2780  }
0x12: {  	[sflag:s12] =	ssyncset.done $0x0  }
0x13: {  	[sflag:s12] =	ssyncadd.s32 $0xFFFFD880  }
0x14: {  	[tilespmem:s3], [sflag:$0x3] =	stream.linear.gather [hbm4b:s7+s3], $0x2880, $0x38;
	[tilespmem:$0x1D000] =	vst v63  }
0x15: {  	_ =	swait.ge [sflag:s12], $0x2880  }
0x16: {  	[sflag:s12] =	ssyncset.done $0x0  }
0x17: {  	[sflag:s12] =	ssyncadd.s32 $0xFFFFD780  }
0x18: {  	[tilespmem:s13], [sflag:$0x3] =	stream.linear.gather [hbm4b:s8+s3], $0x2800, $0x38;
	[tilespmem:$0x1D000] =	vst v63  }
0x19: {  	_ =	swait.ge [sflag:s12], $0x2800  }
0x1a: {  	[sflag:s12] =	ssyncset.done $0x0  }
0x1b: {  	[sflag:s12] =	ssyncadd.s32 $0xFFFFD800  }
0x1c: {  	[bflag:$0x0] =	sbarrier.arrive $0xFFFF  }
0x1d: {  	[tilespmem:s15], [sflag:$0x1] =	stream.indirect.gather [hbm4b:s4+s14], $0x80, s3, s14, $0xb8;
	[tilespmem:$0x1D000] =	vst v63  }
0x1e: {  	_ =	swait.ge [sflag:s16], $0x4000  }
0x1f: {  	[sflag:s16] =	ssyncset.done $0x0  }
0x20: {  	s19 =	simm.s32 $0x2C00;
	[sflag:s16] =	ssyncadd.s32 $0xFFFFC000  }
0x21: {  	[spmem:s2] =	stream.indirect.scatter.add.f32 [tilespmem:s15], [sflag:$0x2], $0x80, s19, s14, $0xb8;
	[tilespmem:$0x1D000] =	vst v63  }
0x22: {  	_ =	swait.ge [sflag:s17], $0x4000  }
0x23: {  	[sflag:s17] =	ssyncset.done $0x0  }
0x24: {  	s20 =	simm.s32 $0x80;
	s19 =	simm.s32 $0x200;
	[sflag:s17] =	ssyncadd.s32 $0xFFFFC000  }
.LBB2_2:
0x25: {  	[tilespmem:s15], [sflag:$0x1] =	stream.indirect.gather [hbm4b:s4+s14], $0x80, s20, s14, $0xb8;
	[tilespmem:$0x1D000] =	vst v63  }
0x26: {  	s20 =	smov.u32 s19  }
0x27: {  	p0 =	sne.s32 s19, $0x9E00;
	s19 =	sadd.s32 $0x200, s19;
	_ =	swait.ge [sflag:s16], $0x4000  }
0x28: {  	s20 =	sshra.s32 s20, $0x2;
	[sflag:s16] =	ssyncset.done $0x0  }
.Ltmp0:
0x29: {  	s21 =	sadd.s32 $0x2C00, s20;
	[sflag:s16] =	ssyncadd.s32 $0xFFFFC000;
	(pc) =	sbr.rel @p0 .LBB2_2-.Ltmp0, $4  }
0x2a: {  	[spmem:s2] =	stream.indirect.scatter.add.f32 [tilespmem:s15], [sflag:$0x2], $0x80, s21, s14, $0xb8;
	[tilespmem:$0x1D000] =	vst v63  }
0x2b: {  	_ =	swait.ge [sflag:s17], $0x4000  }
0x2c: {  	[sflag:s17] =	ssyncset.done $0x0  }
0x2d: {  	s20 =	sadd.s32 $0x80, s20;
	[sflag:s17] =	ssyncadd.s32 $0xFFFFC000  }
0x2e: {  	[tilespmem:s15], [sflag:$0x1] =	stream.indirect.gather [hbm4b:s4+s14], $0x80, s20, s14, $0xb8;
	[tilespmem:$0x1D000] =	vst v63  }
0x2f: {  	_ =	swait.ge [sflag:s16], $0x4000  }
0x30: {  	s18 =	sadd.s32 $0x1, s18;
	[sflag:s16] =	ssyncset.done $0x0  }
0x31: {  	p0 =	sne.s32 s18, s10;
	[sflag:s16] =	ssyncadd.s32 $0xFFFFC000  }
.Ltmp1:
0x32: {  	[bflag:$0x0] =	sbarrier.arrive $0xFFFF;
	(pc) =	sbr.rel @p0 .LBB2_1-.Ltmp1, $4  }
0x33: {  	[hbm:s9], [sflag:s6] =	dma.local [spmem:s11], $0x2780  }
0x34: {  	_ =	swait.ge [sflag:s12], $0x2780  }
0x35: {  	[sflag:s12] =	ssyncset.done $0x0  }
0x36: {  	[sflag:s12] =	ssyncadd.s32 $0xFFFFD880  }
0x37: {  	_ =	sfence.sel $0x180000  }
0x38: {  	[bflag:$0x0] =	sbarrier.arrive $0xFFFF  }
0x39: {  	p0 =	sne.s32 s0, $0x0;
	_ =	strace $0x90000053  }
0x3a: {  	s0 =	sadd.s32 @!p0 $0x100000, s1;
	[bflag:$0x2] =	sbarrier.arrive $0xFFFF  }
0x3b: {  	[sflag:s0] =	ssyncadd.tile.s32 @!p0 $0x1;
	_ =	shalt  }
.Lfunc_end2:
_tile_overlayer_lowered:
.L_overlay_start_2:
0x3c: {  	(tag) =	ssettag $0x2  }
0x3d: {  	s0 =	rddreg [dreg:$0x0];
	s2 =	stileid.u32  }
0x3e: {  	s1 =	rddreg [dreg:$0x1];
	p0 =	sne.s32 s2, $0x0  }
0x3f: {  	s3 =	rddreg [dreg:$0x2];
	[bflag:$0x3] =	sbarrier.arrive $0xFFFF;
	s2 =	simm.s32 @!p0 $0x1C03  }
0x40: {  	[timem:s3], [sflag:s2] =	dma.local @!p0 [hbm:s0], s1  }
0x41: {  	s0 =	simm.s32 @!p0 $0x3  }
0x42: {  	_ =	swait.ge @!p0 [sflag:s0], s1  }
0x43: {  	s1 =	ssub.s32 @!p0 $0x0, s1;
	[sflag:s0] =	ssyncset.done @!p0 $0x0  }
0x44: {  	[sflag:s0] =	ssyncadd.s32 @!p0 s1  }
0x45: {  	[bflag:$0x3] =	sbarrier.arrive $0xFFFF  }
0x46: {  	_ =	shalt  }

</sc_bundles>
